<compile_context>
chip_gen: v7x
topology: tpu7x:2x2x1
jax: 0.10.2.dev20260603
libtpu: 0.0.44.dev20260713+nightly
codegen_flags: <defaults>
</compile_context>

<pallas_src>
import functools

import jax
import jax.numpy as jnp
from jax import lax
from jax.experimental import pallas as pl
from jax.experimental.pallas import tpu as pltpu
from jax.experimental.pallas import tpu_sc as plsc

NUM_E = 8
D_MODEL = 2048
H0 = 512
H1 = 256
Y_DIM = 1024
ALPHA = 0.2
N_TOK = 8192

GB = 64
GL = 128
TM = 512
T_TILES = N_TOK // TM

NC, NS = 2, 16
NW = NC * NS
ROWS_PER_W = N_TOK // NW
SC_CH = 16
SC_CG = 32



def _routing_body(g_ref, dst_ref, seg_ref, work_ref):
    g = jnp.clip(g_ref[...], 0, NUM_E - 1)
    rl = lax.broadcasted_iota(jnp.int32, (GL, GL), 0)
    cl = lax.broadcasted_iota(jnp.int32, (GL, GL), 1)
    up_l = (rl < cl).astype(jnp.float32)
    rb = lax.broadcasted_iota(jnp.int32, (GB, GB), 0)
    cb = lax.broadcasted_iota(jnp.int32, (GB, GB), 1)
    lo_b = (rb > cb).astype(jnp.float32)

    off = jnp.int32(0)
    dst = jnp.zeros((GB, GL), jnp.int32)
    for e in range(NUM_E):
        m = (g == e).astype(jnp.float32)
        p = jnp.dot(m, up_l, preferred_element_type=jnp.float32)
        s = jnp.sum(m, axis=1, keepdims=True)
        c = jnp.dot(lo_b, s, preferred_element_type=jnp.float32)
        cnt = jnp.sum(s).astype(jnp.int32)
        d_e = off + (c + p).astype(jnp.int32)
        dst = jnp.where(g == e, d_e, dst)
        seg_ref[0, e] = off
        off = off + cnt
        seg_ref[1, e] = off
    dst_ref[...] = dst

    def _clear(i, carry):
        work_ref[0, i] = 0
        work_ref[1, i] = 0
        return carry

    lax.fori_loop(0, N_ITEMS, _clear, 0)

    def _compact(i, k):
        e = i // T_TILES
        t = i - e * T_TILES
        s = seg_ref[0, e]
        en = seg_ref[1, e]
        hit = (s < (t + 1) * TM) & (en > t * TM)

        @pl.when(hit)
        def _():
            work_ref[0, k] = e
            work_ref[1, k] = t

        return k + hit.astype(jnp.int32)

    lax.fori_loop(0, NUM_E * T_TILES, _compact, 0)


def _route(gate):
    dst2d, seg, work = pl.pallas_call(
        _routing_body,
        out_shape=(
            jax.ShapeDtypeStruct((GB, GL), jnp.int32),
            jax.ShapeDtypeStruct((2, NUM_E), jnp.int32),
            jax.ShapeDtypeStruct((2, N_ITEMS), jnp.int32),
        ),
        in_specs=[pl.BlockSpec(memory_space=pltpu.VMEM)],
        out_specs=(
            pl.BlockSpec(memory_space=pltpu.VMEM),
            pl.BlockSpec(memory_space=pltpu.SMEM),
            pl.BlockSpec(memory_space=pltpu.SMEM),
        ),
    )(gate.reshape(GB, GL))
    return dst2d.reshape(N_TOK), seg, work



def _sc_scatter_body(h_hbm, dst3_hbm, hs_hbm,
                     hbuf0, hbuf1, iall, sem0, sem1):
    wid = lax.axis_index("s") * NC + lax.axis_index("c")
    base = wid * ROWS_PER_W
    bufs = ((hbuf0, sem0), (hbuf1, sem1))

    pltpu.sync_copy(dst3_hbm.at[wid], iall)
    descs = [None, None]
    for j in range(ROWS_PER_W // SC_CH):
        buf, sem = bufs[j % 2]
        if descs[j % 2] is not None:
            descs[j % 2].wait()
        pltpu.sync_copy(h_hbm.at[pl.ds(base + j * SC_CH, SC_CH)], buf)
        descs[j % 2] = pltpu.async_copy(buf, hs_hbm.at[iall.at[j]], sem)
    descs[0].wait()
    descs[1].wait()


def _sc_gather_body(ys_hbm, dst3_hbm, out_hbm,
                    ybuf0, ybuf1, iall, sem0, sem1):
    wid = lax.axis_index("s") * NC + lax.axis_index("c")
    base = wid * ROWS_PER_W
    bufs = ((ybuf0, sem0), (ybuf1, sem1))
    nch = ROWS_PER_W // SC_CG

    pltpu.sync_copy(dst3_hbm.at[wid], iall)
    prev = None
    for j in range(nch + 1):
        if j < nch:
            buf, sem = bufs[j % 2]
            b = base + j * SC_CG
            g = pltpu.async_copy(ys_hbm.at[iall.at[j]], buf, sem)
        if prev is not None:
            pg, pbuf, pb = prev
            pg.wait()
            pltpu.sync_copy(pbuf, out_hbm.at[pl.ds(pb, SC_CG)])
        prev = (g, buf, b) if j < nch else None


def _sc_mesh():
    return plsc.VectorSubcoreMesh(
        core_axis_name="c", subcore_axis_name="s",
        num_cores=NC, num_subcores=NS)


def _sc_scatter(h, dst):
    return pl.kernel(
        _sc_scatter_body,
        out_type=jax.ShapeDtypeStruct((N_TOK, D_MODEL), jnp.float32),
        mesh=_sc_mesh(),
        scratch_types=[
            pltpu.VMEM((SC_CH, D_MODEL), jnp.float32),
            pltpu.VMEM((SC_CH, D_MODEL), jnp.float32),
            pltpu.VMEM((ROWS_PER_W // SC_CH, SC_CH), jnp.int32),
            pltpu.SemaphoreType.DMA,
            pltpu.SemaphoreType.DMA,
        ],
    )(h, dst.reshape(NW, ROWS_PER_W // SC_CH, SC_CH))


def _sc_gather(ys, dst):
    return pl.kernel(
        _sc_gather_body,
        out_type=jax.ShapeDtypeStruct((N_TOK, Y_DIM), jnp.float32),
        mesh=_sc_mesh(),
        scratch_types=[
            pltpu.VMEM((SC_CG, Y_DIM), jnp.float32),
            pltpu.VMEM((SC_CG, Y_DIM), jnp.float32),
            pltpu.VMEM((ROWS_PER_W // SC_CG, SC_CG), jnp.int32),
            pltpu.SemaphoreType.DMA,
            pltpu.SemaphoreType.DMA,
        ],
    )(ys, dst.reshape(NW, ROWS_PER_W // SC_CG, SC_CG))



N_ITEMS = T_TILES + NUM_E - 1


def _mlp_body(seg_ref, work_ref,
              hs_ref, W0_ref, b0_ref, W1_ref, b1_ref, W2_ref, b2_ref,
              out_ref):
    i = pl.program_id(0)
    e = work_ref[0, i]
    t = work_ref[1, i]
    start = seg_ref[0, e]
    end = seg_ref[1, e]
    row0 = t * TM

    x = hs_ref[...]
    z = jnp.dot(x, W0_ref[0], preferred_element_type=jnp.float32)
    z = z + b0_ref[e]
    z = jnp.where(z >= 0, z, ALPHA * z)
    z = jnp.dot(z, W1_ref[e], preferred_element_type=jnp.float32)
    z = z + b1_ref[e]
    z = jnp.where(z >= 0, z, ALPHA * z)
    y = jnp.dot(z, W2_ref[e], preferred_element_type=jnp.float32)
    y = y + b2_ref[e]
    gid = row0 + lax.broadcasted_iota(jnp.int32, (TM, 1), 0)
    mask = (gid >= start) & (gid < end)
    out_ref[...] = jnp.where(mask, y, out_ref[...])


def _grouped_mlp(seg, work, hs, W0, b0, W1, b1, W2, b2):
    whole = lambda i, seg, wk: (0, 0, 0)
    grid_spec = pltpu.PrefetchScalarGridSpec(
        num_scalar_prefetch=2,
        grid=(N_ITEMS,),
        in_specs=[
            pl.BlockSpec((TM, D_MODEL), lambda i, seg, wk: (wk[1, i], 0)),
            pl.BlockSpec((1, D_MODEL, H0),
                         lambda i, seg, wk: (wk[0, i], 0, 0)),
            pl.BlockSpec((NUM_E, 1, H0), whole),
            pl.BlockSpec((NUM_E, H0, H1), whole),
            pl.BlockSpec((NUM_E, 1, H1), whole),
            pl.BlockSpec((NUM_E, H1, Y_DIM), whole),
            pl.BlockSpec((NUM_E, 1, Y_DIM), whole),
        ],
        out_specs=pl.BlockSpec((TM, Y_DIM), lambda i, seg, wk: (wk[1, i], 0)),
    )
    return pl.pallas_call(
        _mlp_body,
        grid_spec=grid_spec,
        out_shape=jax.ShapeDtypeStruct((N_TOK, Y_DIM), jnp.float32),
        compiler_params=pltpu.CompilerParams(
            dimension_semantics=("arbitrary",)),
    )(seg, work, hs, W0, b0[:, None, :], W1, b1[:, None, :],
      W2, b2[:, None, :])



@jax.jit
def kernel(h, gate_id, W0, b0, W1, b1, W2, b2):
    gate = gate_id.astype(jnp.int32)
    dst, seg, work = _route(gate)
    hs = _sc_scatter(h, dst)
    ys = _grouped_mlp(seg, work, hs, W0, b0, W1, b1, W2, b2)
    return _sc_gather(ys, dst)

# --- scband reference (transcript-rebuilt; emitter-appended) ---
"""Pipeline reference for scband-hard-gated-experts-64029372448801 (READ-ONLY COPY).

The authoritative reference and input builder live on the scoring server;
editing this copy changes nothing except your own understanding.
"""

import jax, jax.numpy as jnp
import numpy as np

NUM_EXPERTS = 8
D_MODEL = 2048
H0 = 512
H1 = 256
Y_DIM = 1024
ALPHA = 0.2
N_TOK = 8192


def setup_inputs(seed: int = 0) -> dict:
    key = jax.random.key(seed)
    ks = jax.random.split(key, 9)
    h = jax.random.normal(ks[0], (N_TOK, D_MODEL), dtype=jnp.float32)
    gate_id = jax.random.randint(ks[1], (N_TOK,), 0, NUM_EXPERTS, dtype=jnp.int64)
    s0 = 1.0 / np.sqrt(D_MODEL)
    s1 = 1.0 / np.sqrt(H0)
    s2 = 1.0 / np.sqrt(H1)
    W0 = jax.random.normal(ks[2], (NUM_EXPERTS, D_MODEL, H0), dtype=jnp.float32) * s0
    b0 = jnp.zeros((NUM_EXPERTS, H0), dtype=jnp.float32)
    W1 = jax.random.normal(ks[3], (NUM_EXPERTS, H0, H1), dtype=jnp.float32) * s1
    b1 = jnp.zeros((NUM_EXPERTS, H1), dtype=jnp.float32)
    W2 = jax.random.normal(ks[4], (NUM_EXPERTS, H1, Y_DIM), dtype=jnp.float32) * s2
    b2 = jnp.zeros((NUM_EXPERTS, Y_DIM), dtype=jnp.float32)
    return {"h": h, "gate_id": gate_id, "W0": W0, "b0": b0, "W1": W1, "b1": b1, "W2": W2, "b2": b2}


def _expert_mlp(h, W0i, b0i, W1i, b1i, W2i, b2i):
    z = h @ W0i + b0i
    z = jax.nn.leaky_relu(z, ALPHA)
    z = z @ W1i + b1i
    z = jax.nn.leaky_relu(z, ALPHA)
    return z @ W2i + b2i


def reference(h, gate_id, W0, b0, W1, b1, W2, b2):
    # gate_id = round(cast float32) -> int -> clip, as in the TF module
    gate = jnp.round(gate_id.astype(jnp.float32)).astype(jnp.int32)
    gate = jnp.clip(gate, 0, NUM_EXPERTS - 1)
    out = jnp.zeros((h.shape[0], Y_DIM), dtype=h.dtype)
    for i in range(NUM_EXPERTS):
        yi = _expert_mlp(h, W0[i], b0[i], W1[i], b1[i], W2[i], b2[i])
        mask = (gate == i)[:, None]
        # dynamic_partition + dynamic_stitch == per-token selection of its expert's output
        out = out + jnp.where(mask, yi, jnp.zeros_like(yi))
    return out

if __name__ == "__main__":
    import jax
    _d = setup_inputs()
    print(jax.jit(kernel)(*tuple(_d.values())))

</pallas_src>

<mosaic_0001>
#map = affine_map<(d0, d1) -> (0, 0)>
#map1 = affine_map<(d0, d1) -> (0, 0, 0)>
module attributes {stable_mosaic.version = 14 : i64} {
  func.func @_sc_gather_body(%arg0: i32, %arg1: i32, %arg2: memref<8192x1024xf32, #tpu.memory_space<hbm>>, %arg3: memref<32x8x32xi32, #tpu.memory_space<hbm>>, %arg4: memref<8192x1024xf32, #tpu.memory_space<hbm>>, %arg5: memref<32x1024xf32, #tpu.memory_space<vmem>>, %arg6: memref<32x1024xf32, #tpu.memory_space<vmem>>, %arg7: memref<8x32xi32, #tpu.memory_space<vmem>>, %arg8: memref<!tpu.dma_semaphore, #tpu.memory_space<semaphore_mem>>, %arg9: memref<!tpu.dma_semaphore, #tpu.memory_space<semaphore_mem>>) attributes {dimension_semantics = [#tpu.dimension_semantics<core_parallel>, #tpu.dimension_semantics<subcore_parallel>], iteration_bounds = array<i64: 2, 16>, scalar_prefetch = 0 : i64, scratch_operands = 5 : i64, tpu.core_type = #tpu.core_type<sc_vector_subcore>, window_params = [{transform_indices = #map}, {transform_indices = #map1}, {transform_indices = #map}]} {
    %mul3A = arith.constant 2 : i32
    %mul3A_0 = arith.muli %arg1, %mul3A : i32
    %add3A = arith.addi %mul3A_0, %arg0 : i32
    %mul3A_1 = arith.constant 256 : i32
    %mul3A_2 = arith.muli %add3A, %mul3A_1 : i32
    "tpu.region"() ({
      %run_scoped3A = tpu.sem_alloc : memref<!tpu.dma_semaphore, #tpu.memory_space<semaphore_mem>>
      %dma_start3A_129 = arith.constant 0 : i32
      %dma_start3A_130 = arith.constant 0 : i32
      %dma_start3A_131 = tpu.memref_slice %arg3[%add3A, %dma_start3A_129, %dma_start3A_130] : memref<32x8x32xi32, #tpu.memory_space<hbm>> -> memref<1x8x32xi32, #tpu.memory_space<hbm>>
      %dma_start3A_132 = tpu.memref_squeeze %dma_start3A_131 : memref<1x8x32xi32, #tpu.memory_space<hbm>> -> memref<8x32xi32, #tpu.memory_space<hbm>>
      %dma_start3A_133 = arith.constant 0 : i32
      %dma_start3A_134 = arith.constant 0 : i32
      %dma_start3A_135 = tpu.memref_slice %arg3[%add3A, %dma_start3A_133, %dma_start3A_134] : memref<32x8x32xi32, #tpu.memory_space<hbm>> -> memref<1x8x32xi32, #tpu.memory_space<hbm>>
      %dma_start3A_136 = tpu.memref_squeeze %dma_start3A_135 : memref<1x8x32xi32, #tpu.memory_space<hbm>> -> memref<8x32xi32, #tpu.memory_space<hbm>>
      tpu.enqueue_dma source(%dma_start3A_136 : memref<8x32xi32, #tpu.memory_space<hbm>>) target(%arg7 : memref<8x32xi32, #tpu.memory_space<vmem>>) target_semaphore(%run_scoped3A : memref<!tpu.dma_semaphore, #tpu.memory_space<semaphore_mem>>)
      %dma_wait3A_137 = arith.constant 0 : i32
      %dma_wait3A_138 = arith.constant 0 : i32
      %dma_wait3A_139 = tpu.memref_slice %arg3[%add3A, %dma_wait3A_137, %dma_wait3A_138] : memref<32x8x32xi32, #tpu.memory_space<hbm>> -> memref<1x8x32xi32, #tpu.memory_space<hbm>>
      %dma_wait3A_140 = tpu.memref_squeeze %dma_wait3A_139 : memref<1x8x32xi32, #tpu.memory_space<hbm>> -> memref<8x32xi32, #tpu.memory_space<hbm>>
      %dma_wait3A_141 = arith.constant 0 : i32
      %dma_wait3A_142 = arith.constant 0 : i32
      %dma_wait3A_143 = tpu.memref_slice %arg3[%add3A, %dma_wait3A_141, %dma_wait3A_142] : memref<32x8x32xi32, #tpu.memory_space<hbm>> -> memref<1x8x32xi32, #tpu.memory_space<hbm>>
      %dma_wait3A_144 = tpu.memref_squeeze %dma_wait3A_143 : memref<1x8x32xi32, #tpu.memory_space<hbm>> -> memref<8x32xi32, #tpu.memory_space<hbm>>
      tpu.wait_dma2 semaphore(%run_scoped3A : memref<!tpu.dma_semaphore, #tpu.memory_space<semaphore_mem>>) src(%dma_wait3A_144 : memref<8x32xi32, #tpu.memory_space<hbm>>) dst(%arg7 : memref<8x32xi32, #tpu.memory_space<vmem>>)
      tpu.yield
    }) : () -> ()
    %add3A_3 = arith.constant 0 : i32
    %add3A_4 = arith.addi %mul3A_2, %add3A_3 : i32
    %dma_start3A = arith.constant 0 : i32
    %dma_start3A_5 = arith.constant 0 : i32
    %dma_start3A_6 = tpu.memref_slice %arg7[%dma_start3A, %dma_start3A_5] : memref<8x32xi32, #tpu.memory_space<vmem>> -> memref<1x32xi32, #tpu.memory_space<vmem>>
    %dma_start3A_7 = tpu.memref_squeeze %dma_start3A_6 : memref<1x32xi32, #tpu.memory_space<vmem>> -> memref<32xi32, #tpu.memory_space<vmem>>
    %dma_start3A_8 = arith.constant 0 : i32
    %dma_start3A_9 = arith.constant 0 : i32
    %dma_start3A_10 = tpu.memref_slice %arg2[%dma_start3A_8, %dma_start3A_9] : memref<8192x1024xf32, #tpu.memory_space<hbm>> -> memref<8192x1024xf32, #tpu.memory_space<hbm>>
    tpu.enqueue_indirect_dma source(%dma_start3A_10 : memref<8192x1024xf32, #tpu.memory_space<hbm>>) target(%arg5 : memref<32x1024xf32, #tpu.memory_space<vmem>>) offsets(%dma_start3A_7 : memref<32xi32, #tpu.memory_space<vmem>>) semaphore(%arg8 : memref<!tpu.dma_semaphore, #tpu.memory_space<semaphore_mem>>)
    %add3A_11 = arith.constant 32 : i32
    %add3A_12 = arith.addi %mul3A_2, %add3A_11 : i32
    %dma_start3A_13 = arith.constant 1 : i32
    %dma_start3A_14 = arith.constant 0 : i32
    %dma_start3A_15 = tpu.memref_slice %arg7[%dma_start3A_13, %dma_start3A_14] : memref<8x32xi32, #tpu.memory_space<vmem>> -> memref<1x32xi32, #tpu.memory_space<vmem>>
    %dma_start3A_16 = tpu.memref_squeeze %dma_start3A_15 : memref<1x32xi32, #tpu.memory_space<vmem>> -> memref<32xi32, #tpu.memory_space<vmem>>
    %dma_start3A_17 = arith.constant 0 : i32
    %dma_start3A_18 = arith.constant 0 : i32
    %dma_start3A_19 = tpu.memref_slice %arg2[%dma_start3A_17, %dma_start3A_18] : memref<8192x1024xf32, #tpu.memory_space<hbm>> -> memref<8192x1024xf32, #tpu.memory_space<hbm>>
    tpu.enqueue_indirect_dma source(%dma_start3A_19 : memref<8192x1024xf32, #tpu.memory_space<hbm>>) target(%arg6 : memref<32x1024xf32, #tpu.memory_space<vmem>>) offsets(%dma_start3A_16 : memref<32xi32, #tpu.memory_space<vmem>>) semaphore(%arg9 : memref<!tpu.dma_semaphore, #tpu.memory_space<semaphore_mem>>)
    %dma_wait3A = arith.constant 0 : i32
    %dma_wait3A_20 = arith.constant 0 : i32
    %dma_wait3A_21 = tpu.memref_slice %arg7[%dma_wait3A, %dma_wait3A_20] : memref<8x32xi32, #tpu.memory_space<vmem>> -> memref<1x32xi32, #tpu.memory_space<vmem>>
    %dma_wait3A_22 = tpu.memref_squeeze %dma_wait3A_21 : memref<1x32xi32, #tpu.memory_space<vmem>> -> memref<32xi32, #tpu.memory_space<vmem>>
    %dma_wait3A_23 = arith.constant 0 : i32
    %dma_wait3A_24 = arith.constant 0 : i32
    %dma_wait3A_25 = tpu.memref_slice %arg2[%dma_wait3A_23, %dma_wait3A_24] : memref<8192x1024xf32, #tpu.memory_space<hbm>> -> memref<8192x1024xf32, #tpu.memory_space<hbm>>
    tpu.wait_indirect_dma semaphore(%arg8 : memref<!tpu.dma_semaphore, #tpu.memory_space<semaphore_mem>>) src(%dma_wait3A_25 : memref<8192x1024xf32, #tpu.memory_space<hbm>>) dst(%arg5 : memref<32x1024xf32, #tpu.memory_space<vmem>>)
    "tpu.region"() ({
      %run_scoped3A = tpu.sem_alloc : memref<!tpu.dma_semaphore, #tpu.memory_space<semaphore_mem>>
      %dma_start3A_129 = arith.constant 0 : i32
      %dma_start3A_130 = tpu.memref_slice %arg4[%add3A_4, %dma_start3A_129] : memref<8192x1024xf32, #tpu.memory_space<hbm>> -> memref<32x1024xf32, #tpu.memory_space<hbm>>
      %dma_start3A_131 = arith.constant 0 : i32
      %dma_start3A_132 = tpu.memref_slice %arg4[%add3A_4, %dma_start3A_131] : memref<8192x1024xf32, #tpu.memory_space<hbm>> -> memref<32x1024xf32, #tpu.memory_space<hbm>>
      tpu.enqueue_dma source(%arg5 : memref<32x1024xf32, #tpu.memory_space<vmem>>) target(%dma_start3A_132 : memref<32x1024xf32, #tpu.memory_space<hbm>>) target_semaphore(%run_scoped3A : memref<!tpu.dma_semaphore, #tpu.memory_space<semaphore_mem>>)
      %dma_wait3A_133 = arith.constant 0 : i32
      %dma_wait3A_134 = tpu.memref_slice %arg4[%add3A_4, %dma_wait3A_133] : memref<8192x1024xf32, #tpu.memory_space<hbm>> -> memref<32x1024xf32, #tpu.memory_space<hbm>>
      %dma_wait3A_135 = arith.constant 0 : i32
      %dma_wait3A_136 = tpu.memref_slice %arg4[%add3A_4, %dma_wait3A_135] : memref<8192x1024xf32, #tpu.memory_space<hbm>> -> memref<32x1024xf32, #tpu.memory_space<hbm>>
      tpu.wait_dma2 semaphore(%run_scoped3A : memref<!tpu.dma_semaphore, #tpu.memory_space<semaphore_mem>>) src(%arg5 : memref<32x1024xf32, #tpu.memory_space<vmem>>) dst(%dma_wait3A_136 : memref<32x1024xf32, #tpu.memory_space<hbm>>)
      tpu.yield
    }) : () -> ()
    %add3A_26 = arith.constant 64 : i32
    %add3A_27 = arith.addi %mul3A_2, %add3A_26 : i32
    %dma_start3A_28 = arith.constant 2 : i32
    %dma_start3A_29 = arith.constant 0 : i32
    %dma_start3A_30 = tpu.memref_slice %arg7[%dma_start3A_28, %dma_start3A_29] : memref<8x32xi32, #tpu.memory_space<vmem>> -> memref<1x32xi32, #tpu.memory_space<vmem>>
    %dma_start3A_31 = tpu.memref_squeeze %dma_start3A_30 : memref<1x32xi32, #tpu.memory_space<vmem>> -> memref<32xi32, #tpu.memory_space<vmem>>
    %dma_start3A_32 = arith.constant 0 : i32
    %dma_start3A_33 = arith.constant 0 : i32
    %dma_start3A_34 = tpu.memref_slice %arg2[%dma_start3A_32, %dma_start3A_33] : memref<8192x1024xf32, #tpu.memory_space<hbm>> -> memref<8192x1024xf32, #tpu.memory_space<hbm>>
    tpu.enqueue_indirect_dma source(%dma_start3A_34 : memref<8192x1024xf32, #tpu.memory_space<hbm>>) target(%arg5 : memref<32x1024xf32, #tpu.memory_space<vmem>>) offsets(%dma_start3A_31 : memref<32xi32, #tpu.memory_space<vmem>>) semaphore(%arg8 : memref<!tpu.dma_semaphore, #tpu.memory_space<semaphore_mem>>)
    %dma_wait3A_35 = arith.constant 1 : i32
    %dma_wait3A_36 = arith.constant 0 : i32
    %dma_wait3A_37 = tpu.memref_slice %arg7[%dma_wait3A_35, %dma_wait3A_36] : memref<8x32xi32, #tpu.memory_space<vmem>> -> memref<1x32xi32, #tpu.memory_space<vmem>>
    %dma_wait3A_38 = tpu.memref_squeeze %dma_wait3A_37 : memref<1x32xi32, #tpu.memory_space<vmem>> -> memref<32xi32, #tpu.memory_space<vmem>>
    %dma_wait3A_39 = arith.constant 0 : i32
    %dma_wait3A_40 = arith.constant 0 : i32
    %dma_wait3A_41 = tpu.memref_slice %arg2[%dma_wait3A_39, %dma_wait3A_40] : memref<8192x1024xf32, #tpu.memory_space<hbm>> -> memref<8192x1024xf32, #tpu.memory_space<hbm>>
    tpu.wait_indirect_dma semaphore(%arg9 : memref<!tpu.dma_semaphore, #tpu.memory_space<semaphore_mem>>) src(%dma_wait3A_41 : memref<8192x1024xf32, #tpu.memory_space<hbm>>) dst(%arg6 : memref<32x1024xf32, #tpu.memory_space<vmem>>)
    "tpu.region"() ({
      %run_scoped3A = tpu.sem_alloc : memref<!tpu.dma_semaphore, #tpu.memory_space<semaphore_mem>>
      %dma_start3A_129 = arith.constant 0 : i32
      %dma_start3A_130 = tpu.memref_slice %arg4[%add3A_12, %dma_start3A_129] : memref<8192x1024xf32, #tpu.memory_space<hbm>> -> memref<32x1024xf32, #tpu.memory_space<hbm>>
      %dma_start3A_131 = arith.constant 0 : i32
      %dma_start3A_132 = tpu.memref_slice %arg4[%add3A_12, %dma_start3A_131] : memref<8192x1024xf32, #tpu.memory_space<hbm>> -> memref<32x1024xf32, #tpu.memory_space<hbm>>
      tpu.enqueue_dma source(%arg6 : memref<32x1024xf32, #tpu.memory_space<vmem>>) target(%dma_start3A_132 : memref<32x1024xf32, #tpu.memory_space<hbm>>) target_semaphore(%run_scoped3A : memref<!tpu.dma_semaphore, #tpu.memory_space<semaphore_mem>>)
      %dma_wait3A_133 = arith.constant 0 : i32
      %dma_wait3A_134 = tpu.memref_slice %arg4[%add3A_12, %dma_wait3A_133] : memref<8192x1024xf32, #tpu.memory_space<hbm>> -> memref<32x1024xf32, #tpu.memory_space<hbm>>
      %dma_wait3A_135 = arith.constant 0 : i32
      %dma_wait3A_136 = tpu.memref_slice %arg4[%add3A_12, %dma_wait3A_135] : memref<8192x1024xf32, #tpu.memory_space<hbm>> -> memref<32x1024xf32, #tpu.memory_space<hbm>>
      tpu.wait_dma2 semaphore(%run_scoped3A : memref<!tpu.dma_semaphore, #tpu.memory_space<semaphore_mem>>) src(%arg6 : memref<32x1024xf32, #tpu.memory_space<vmem>>) dst(%dma_wait3A_136 : memref<32x1024xf32, #tpu.memory_space<hbm>>)
      tpu.yield
    }) : () -> ()
    %add3A_42 = arith.constant 96 : i32
    %add3A_43 = arith.addi %mul3A_2, %add3A_42 : i32
    %dma_start3A_44 = arith.constant 3 : i32
    %dma_start3A_45 = arith.constant 0 : i32
    %dma_start3A_46 = tpu.memref_slice %arg7[%dma_start3A_44, %dma_start3A_45] : memref<8x32xi32, #tpu.memory_space<vmem>> -> memref<1x32xi32, #tpu.memory_space<vmem>>
    %dma_start3A_47 = tpu.memref_squeeze %dma_start3A_46 : memref<1x32xi32, #tpu.memory_space<vmem>> -> memref<32xi32, #tpu.memory_space<vmem>>
    %dma_start3A_48 = arith.constant 0 : i32
    %dma_start3A_49 = arith.constant 0 : i32
    %dma_start3A_50 = tpu.memref_slice %arg2[%dma_start3A_48, %dma_start3A_49] : memref<8192x1024xf32, #tpu.memory_space<hbm>> -> memref<8192x1024xf32, #tpu.memory_space<hbm>>
    tpu.enqueue_indirect_dma source(%dma_start3A_50 : memref<8192x1024xf32, #tpu.memory_space<hbm>>) target(%arg6 : memref<32x1024xf32, #tpu.memory_space<vmem>>) offsets(%dma_start3A_47 : memref<32xi32, #tpu.memory_space<vmem>>) semaphore(%arg9 : memref<!tpu.dma_semaphore, #tpu.memory_space<semaphore_mem>>)
    %dma_wait3A_51 = arith.constant 2 : i32
    %dma_wait3A_52 = arith.constant 0 : i32
    %dma_wait3A_53 = tpu.memref_slice %arg7[%dma_wait3A_51, %dma_wait3A_52] : memref<8x32xi32, #tpu.memory_space<vmem>> -> memref<1x32xi32, #tpu.memory_space<vmem>>
    %dma_wait3A_54 = tpu.memref_squeeze %dma_wait3A_53 : memref<1x32xi32, #tpu.memory_space<vmem>> -> memref<32xi32, #tpu.memory_space<vmem>>
    %dma_wait3A_55 = arith.constant 0 : i32
    %dma_wait3A_56 = arith.constant 0 : i32
    %dma_wait3A_57 = tpu.memref_slice %arg2[%dma_wait3A_55, %dma_wait3A_56] : memref<8192x1024xf32, #tpu.memory_space<hbm>> -> memref<8192x1024xf32, #tpu.memory_space<hbm>>
    tpu.wait_indirect_dma semaphore(%arg8 : memref<!tpu.dma_semaphore, #tpu.memory_space<semaphore_mem>>) src(%dma_wait3A_57 : memref<8192x1024xf32, #tpu.memory_space<hbm>>) dst(%arg5 : memref<32x1024xf32, #tpu.memory_space<vmem>>)
    "tpu.region"() ({
      %run_scoped3A = tpu.sem_alloc : memref<!tpu.dma_semaphore, #tpu.memory_space<semaphore_mem>>
      %dma_start3A_129 = arith.constant 0 : i32
      %dma_start3A_130 = tpu.memref_slice %arg4[%add3A_27, %dma_start3A_129] : memref<8192x1024xf32, #tpu.memory_space<hbm>> -> memref<32x1024xf32, #tpu.memory_space<hbm>>
      %dma_start3A_131 = arith.constant 0 : i32
      %dma_start3A_132 = tpu.memref_slice %arg4[%add3A_27, %dma_start3A_131] : memref<8192x1024xf32, #tpu.memory_space<hbm>> -> memref<32x1024xf32, #tpu.memory_space<hbm>>
      tpu.enqueue_dma source(%arg5 : memref<32x1024xf32, #tpu.memory_space<vmem>>) target(%dma_start3A_132 : memref<32x1024xf32, #tpu.memory_space<hbm>>) target_semaphore(%run_scoped3A : memref<!tpu.dma_semaphore, #tpu.memory_space<semaphore_mem>>)
      %dma_wait3A_133 = arith.constant 0 : i32
      %dma_wait3A_134 = tpu.memref_slice %arg4[%add3A_27, %dma_wait3A_133] : memref<8192x1024xf32, #tpu.memory_space<hbm>> -> memref<32x1024xf32, #tpu.memory_space<hbm>>
      %dma_wait3A_135 = arith.constant 0 : i32
      %dma_wait3A_136 = tpu.memref_slice %arg4[%add3A_27, %dma_wait3A_135] : memref<8192x1024xf32, #tpu.memory_space<hbm>> -> memref<32x1024xf32, #tpu.memory_space<hbm>>
      tpu.wait_dma2 semaphore(%run_scoped3A : memref<!tpu.dma_semaphore, #tpu.memory_space<semaphore_mem>>) src(%arg5 : memref<32x1024xf32, #tpu.memory_space<vmem>>) dst(%dma_wait3A_136 : memref<32x1024xf32, #tpu.memory_space<hbm>>)
      tpu.yield
    }) : () -> ()
    %add3A_58 = arith.constant 128 : i32
    %add3A_59 = arith.addi %mul3A_2, %add3A_58 : i32
    %dma_start3A_60 = arith.constant 4 : i32
    %dma_start3A_61 = arith.constant 0 : i32
    %dma_start3A_62 = tpu.memref_slice %arg7[%dma_start3A_60, %dma_start3A_61] : memref<8x32xi32, #tpu.memory_space<vmem>> -> memref<1x32xi32, #tpu.memory_space<vmem>>
    %dma_start3A_63 = tpu.memref_squeeze %dma_start3A_62 : memref<1x32xi32, #tpu.memory_space<vmem>> -> memref<32xi32, #tpu.memory_space<vmem>>
    %dma_start3A_64 = arith.constant 0 : i32
    %dma_start3A_65 = arith.constant 0 : i32
    %dma_start3A_66 = tpu.memref_slice %arg2[%dma_start3A_64, %dma_start3A_65] : memref<8192x1024xf32, #tpu.memory_space<hbm>> -> memref<8192x1024xf32, #tpu.memory_space<hbm>>
    tpu.enqueue_indirect_dma source(%dma_start3A_66 : memref<8192x1024xf32, #tpu.memory_space<hbm>>) target(%arg5 : memref<32x1024xf32, #tpu.memory_space<vmem>>) offsets(%dma_start3A_63 : memref<32xi32, #tpu.memory_space<vmem>>) semaphore(%arg8 : memref<!tpu.dma_semaphore, #tpu.memory_space<semaphore_mem>>)
    %dma_wait3A_67 = arith.constant 3 : i32
    %dma_wait3A_68 = arith.constant 0 : i32
    %dma_wait3A_69 = tpu.memref_slice %arg7[%dma_wait3A_67, %dma_wait3A_68] : memref<8x32xi32, #tpu.memory_space<vmem>> -> memref<1x32xi32, #tpu.memory_space<vmem>>
    %dma_wait3A_70 = tpu.memref_squeeze %dma_wait3A_69 : memref<1x32xi32, #tpu.memory_space<vmem>> -> memref<32xi32, #tpu.memory_space<vmem>>
    %dma_wait3A_71 = arith.constant 0 : i32
    %dma_wait3A_72 = arith.constant 0 : i32
    %dma_wait3A_73 = tpu.memref_slice %arg2[%dma_wait3A_71, %dma_wait3A_72] : memref<8192x1024xf32, #tpu.memory_space<hbm>> -> memref<8192x1024xf32, #tpu.memory_space<hbm>>
    tpu.wait_indirect_dma semaphore(%arg9 : memref<!tpu.dma_semaphore, #tpu.memory_space<semaphore_mem>>) src(%dma_wait3A_73 : memref<8192x1024xf32, #tpu.memory_space<hbm>>) dst(%arg6 : memref<32x1024xf32, #tpu.memory_space<vmem>>)
    "tpu.region"() ({
      %run_scoped3A = tpu.sem_alloc : memref<!tpu.dma_semaphore, #tpu.memory_space<semaphore_mem>>
      %dma_start3A_129 = arith.constant 0 : i32
      %dma_start3A_130 = tpu.memref_slice %arg4[%add3A_43, %dma_start3A_129] : memref<8192x1024xf32, #tpu.memory_space<hbm>> -> memref<32x1024xf32, #tpu.memory_space<hbm>>
      %dma_start3A_131 = arith.constant 0 : i32
      %dma_start3A_132 = tpu.memref_slice %arg4[%add3A_43, %dma_start3A_131] : memref<8192x1024xf32, #tpu.memory_space<hbm>> -> memref<32x1024xf32, #tpu.memory_space<hbm>>
      tpu.enqueue_dma source(%arg6 : memref<32x1024xf32, #tpu.memory_space<vmem>>) target(%dma_start3A_132 : memref<32x1024xf32, #tpu.memory_space<hbm>>) target_semaphore(%run_scoped3A : memref<!tpu.dma_semaphore, #tpu.memory_space<semaphore_mem>>)
      %dma_wait3A_133 = arith.constant 0 : i32
      %dma_wait3A_134 = tpu.memref_slice %arg4[%add3A_43, %dma_wait3A_133] : memref<8192x1024xf32, #tpu.memory_space<hbm>> -> memref<32x1024xf32, #tpu.memory_space<hbm>>
      %dma_wait3A_135 = arith.constant 0 : i32
      %dma_wait3A_136 = tpu.memref_slice %arg4[%add3A_43, %dma_wait3A_135] : memref<8192x1024xf32, #tpu.memory_space<hbm>> -> memref<32x1024xf32, #tpu.memory_space<hbm>>
      tpu.wait_dma2 semaphore(%run_scoped3A : memref<!tpu.dma_semaphore, #tpu.memory_space<semaphore_mem>>) src(%arg6 : memref<32x1024xf32, #tpu.memory_space<vmem>>) dst(%dma_wait3A_136 : memref<32x1024xf32, #tpu.memory_space<hbm>>)
      tpu.yield
    }) : () -> ()
    %add3A_74 = arith.constant 160 : i32
    %add3A_75 = arith.addi %mul3A_2, %add3A_74 : i32
    %dma_start3A_76 = arith.constant 5 : i32
    %dma_start3A_77 = arith.constant 0 : i32
    %dma_start3A_78 = tpu.memref_slice %arg7[%dma_start3A_76, %dma_start3A_77] : memref<8x32xi32, #tpu.memory_space<vmem>> -> memref<1x32xi32, #tpu.memory_space<vmem>>
    %dma_start3A_79 = tpu.memref_squeeze %dma_start3A_78 : memref<1x32xi32, #tpu.memory_space<vmem>> -> memref<32xi32, #tpu.memory_space<vmem>>
    %dma_start3A_80 = arith.constant 0 : i32
    %dma_start3A_81 = arith.constant 0 : i32
    %dma_start3A_82 = tpu.memref_slice %arg2[%dma_start3A_80, %dma_start3A_81] : memref<8192x1024xf32, #tpu.memory_space<hbm>> -> memref<8192x1024xf32, #tpu.memory_space<hbm>>
    tpu.enqueue_indirect_dma source(%dma_start3A_82 : memref<8192x1024xf32, #tpu.memory_space<hbm>>) target(%arg6 : memref<32x1024xf32, #tpu.memory_space<vmem>>) offsets(%dma_start3A_79 : memref<32xi32, #tpu.memory_space<vmem>>) semaphore(%arg9 : memref<!tpu.dma_semaphore, #tpu.memory_space<semaphore_mem>>)
    %dma_wait3A_83 = arith.constant 4 : i32
    %dma_wait3A_84 = arith.constant 0 : i32
    %dma_wait3A_85 = tpu.memref_slice %arg7[%dma_wait3A_83, %dma_wait3A_84] : memref<8x32xi32, #tpu.memory_space<vmem>> -> memref<1x32xi32, #tpu.memory_space<vmem>>
    %dma_wait3A_86 = tpu.memref_squeeze %dma_wait3A_85 : memref<1x32xi32, #tpu.memory_space<vmem>> -> memref<32xi32, #tpu.memory_space<vmem>>
    %dma_wait3A_87 = arith.constant 0 : i32
    %dma_wait3A_88 = arith.constant 0 : i32
    %dma_wait3A_89 = tpu.memref_slice %arg2[%dma_wait3A_87, %dma_wait3A_88] : memref<8192x1024xf32, #tpu.memory_space<hbm>> -> memref<8192x1024xf32, #tpu.memory_space<hbm>>
    tpu.wait_indirect_dma semaphore(%arg8 : memref<!tpu.dma_semaphore, #tpu.memory_space<semaphore_mem>>) src(%dma_wait3A_89 : memref<8192x1024xf32, #tpu.memory_space<hbm>>) dst(%arg5 : memref<32x1024xf32, #tpu.memory_space<vmem>>)
    "tpu.region"() ({
      %run_scoped3A = tpu.sem_alloc : memref<!tpu.dma_semaphore, #tpu.memory_space<semaphore_mem>>
      %dma_start3A_129 = arith.constant 0 : i32
      %dma_start3A_130 = tpu.memref_slice %arg4[%add3A_59, %dma_start3A_129] : memref<8192x1024xf32, #tpu.memory_space<hbm>> -> memref<32x1024xf32, #tpu.memory_space<hbm>>
      %dma_start3A_131 = arith.constant 0 : i32
      %dma_start3A_132 = tpu.memref_slice %arg4[%add3A_59, %dma_start3A_131] : memref<8192x1024xf32, #tpu.memory_space<hbm>> -> memref<32x1024xf32, #tpu.memory_space<hbm>>
      tpu.enqueue_dma source(%arg5 : memref<32x1024xf32, #tpu.memory_space<vmem>>) target(%dma_start3A_132 : memref<32x1024xf32, #tpu.memory_space<hbm>>) target_semaphore(%run_scoped3A : memref<!tpu.dma_semaphore, #tpu.memory_space<semaphore_mem>>)
      %dma_wait3A_133 = arith.constant 0 : i32
      %dma_wait3A_134 = tpu.memref_slice %arg4[%add3A_59, %dma_wait3A_133] : memref<8192x1024xf32, #tpu.memory_space<hbm>> -> memref<32x1024xf32, #tpu.memory_space<hbm>>
      %dma_wait3A_135 = arith.constant 0 : i32
      %dma_wait3A_136 = tpu.memref_slice %arg4[%add3A_59, %dma_wait3A_135] : memref<8192x1024xf32, #tpu.memory_space<hbm>> -> memref<32x1024xf32, #tpu.memory_space<hbm>>
      tpu.wait_dma2 semaphore(%run_scoped3A : memref<!tpu.dma_semaphore, #tpu.memory_space<semaphore_mem>>) src(%arg5 : memref<32x1024xf32, #tpu.memory_space<vmem>>) dst(%dma_wait3A_136 : memref<32x1024xf32, #tpu.memory_space<hbm>>)
      tpu.yield
    }) : () -> ()
    %add3A_90 = arith.constant 192 : i32
    %add3A_91 = arith.addi %mul3A_2, %add3A_90 : i32
    %dma_start3A_92 = arith.constant 6 : i32
    %dma_start3A_93 = arith.constant 0 : i32
    %dma_start3A_94 = tpu.memref_slice %arg7[%dma_start3A_92, %dma_start3A_93] : memref<8x32xi32, #tpu.memory_space<vmem>> -> memref<1x32xi32, #tpu.memory_space<vmem>>
    %dma_start3A_95 = tpu.memref_squeeze %dma_start3A_94 : memref<1x32xi32, #tpu.memory_space<vmem>> -> memref<32xi32, #tpu.memory_space<vmem>>
    %dma_start3A_96 = arith.constant 0 : i32
    %dma_start3A_97 = arith.constant 0 : i32
    %dma_start3A_98 = tpu.memref_slice %arg2[%dma_start3A_96, %dma_start3A_97] : memref<8192x1024xf32, #tpu.memory_space<hbm>> -> memref<8192x1024xf32, #tpu.memory_space<hbm>>
    tpu.enqueue_indirect_dma source(%dma_start3A_98 : memref<8192x1024xf32, #tpu.memory_space<hbm>>) target(%arg5 : memref<32x1024xf32, #tpu.memory_space<vmem>>) offsets(%dma_start3A_95 : memref<32xi32, #tpu.memory_space<vmem>>) semaphore(%arg8 : memref<!tpu.dma_semaphore, #tpu.memory_space<semaphore_mem>>)
    %dma_wait3A_99 = arith.constant 5 : i32
    %dma_wait3A_100 = arith.constant 0 : i32
    %dma_wait3A_101 = tpu.memref_slice %arg7[%dma_wait3A_99, %dma_wait3A_100] : memref<8x32xi32, #tpu.memory_space<vmem>> -> memref<1x32xi32, #tpu.memory_space<vmem>>
    %dma_wait3A_102 = tpu.memref_squeeze %dma_wait3A_101 : memref<1x32xi32, #tpu.memory_space<vmem>> -> memref<32xi32, #tpu.memory_space<vmem>>
    %dma_wait3A_103 = arith.constant 0 : i32
    %dma_wait3A_104 = arith.constant 0 : i32
    %dma_wait3A_105 = tpu.memref_slice %arg2[%dma_wait3A_103, %dma_wait3A_104] : memref<8192x1024xf32, #tpu.memory_space<hbm>> -> memref<8192x1024xf32, #tpu.memory_space<hbm>>
    tpu.wait_indirect_dma semaphore(%arg9 : memref<!tpu.dma_semaphore, #tpu.memory_space<semaphore_mem>>) src(%dma_wait3A_105 : memref<8192x1024xf32, #tpu.memory_space<hbm>>) dst(%arg6 : memref<32x1024xf32, #tpu.memory_space<vmem>>)
    "tpu.region"() ({
      %run_scoped3A = tpu.sem_alloc : memref<!tpu.dma_semaphore, #tpu.memory_space<semaphore_mem>>
      %dma_start3A_129 = arith.constant 0 : i32
      %dma_start3A_130 = tpu.memref_slice %arg4[%add3A_75, %dma_start3A_129] : memref<8192x1024xf32, #tpu.memory_space<hbm>> -> memref<32x1024xf32, #tpu.memory_space<hbm>>
      %dma_start3A_131 = arith.constant 0 : i32
      %dma_start3A_132 = tpu.memref_slice %arg4[%add3A_75, %dma_start3A_131] : memref<8192x1024xf32, #tpu.memory_space<hbm>> -> memref<32x1024xf32, #tpu.memory_space<hbm>>
      tpu.enqueue_dma source(%arg6 : memref<32x1024xf32, #tpu.memory_space<vmem>>) target(%dma_start3A_132 : memref<32x1024xf32, #tpu.memory_space<hbm>>) target_semaphore(%run_scoped3A : memref<!tpu.dma_semaphore, #tpu.memory_space<semaphore_mem>>)
      %dma_wait3A_133 = arith.constant 0 : i32
      %dma_wait3A_134 = tpu.memref_slice %arg4[%add3A_75, %dma_wait3A_133] : memref<8192x1024xf32, #tpu.memory_space<hbm>> -> memref<32x1024xf32, #tpu.memory_space<hbm>>
      %dma_wait3A_135 = arith.constant 0 : i32
      %dma_wait3A_136 = tpu.memref_slice %arg4[%add3A_75, %dma_wait3A_135] : memref<8192x1024xf32, #tpu.memory_space<hbm>> -> memref<32x1024xf32, #tpu.memory_space<hbm>>
      tpu.wait_dma2 semaphore(%run_scoped3A : memref<!tpu.dma_semaphore, #tpu.memory_space<semaphore_mem>>) src(%arg6 : memref<32x1024xf32, #tpu.memory_space<vmem>>) dst(%dma_wait3A_136 : memref<32x1024xf32, #tpu.memory_space<hbm>>)
      tpu.yield
    }) : () -> ()
    %add3A_106 = arith.constant 224 : i32
    %add3A_107 = arith.addi %mul3A_2, %add3A_106 : i32
    %dma_start3A_108 = arith.constant 7 : i32
    %dma_start3A_109 = arith.constant 0 : i32
    %dma_start3A_110 = tpu.memref_slice %arg7[%dma_start3A_108, %dma_start3A_109] : memref<8x32xi32, #tpu.memory_space<vmem>> -> memref<1x32xi32, #tpu.memory_space<vmem>>
    %dma_start3A_111 = tpu.memref_squeeze %dma_start3A_110 : memref<1x32xi32, #tpu.memory_space<vmem>> -> memref<32xi32, #tpu.memory_space<vmem>>
    %dma_start3A_112 = arith.constant 0 : i32
    %dma_start3A_113 = arith.constant 0 : i32
    %dma_start3A_114 = tpu.memref_slice %arg2[%dma_start3A_112, %dma_start3A_113] : memref<8192x1024xf32, #tpu.memory_space<hbm>> -> memref<8192x1024xf32, #tpu.memory_space<hbm>>
    tpu.enqueue_indirect_dma source(%dma_start3A_114 : memref<8192x1024xf32, #tpu.memory_space<hbm>>) target(%arg6 : memref<32x1024xf32, #tpu.memory_space<vmem>>) offsets(%dma_start3A_111 : memref<32xi32, #tpu.memory_space<vmem>>) semaphore(%arg9 : memref<!tpu.dma_semaphore, #tpu.memory_space<semaphore_mem>>)
    %dma_wait3A_115 = arith.constant 6 : i32
    %dma_wait3A_116 = arith.constant 0 : i32
    %dma_wait3A_117 = tpu.memref_slice %arg7[%dma_wait3A_115, %dma_wait3A_116] : memref<8x32xi32, #tpu.memory_space<vmem>> -> memref<1x32xi32, #tpu.memory_space<vmem>>
    %dma_wait3A_118 = tpu.memref_squeeze %dma_wait3A_117 : memref<1x32xi32, #tpu.memory_space<vmem>> -> memref<32xi32, #tpu.memory_space<vmem>>
    %dma_wait3A_119 = arith.constant 0 : i32
    %dma_wait3A_120 = arith.constant 0 : i32
    %dma_wait3A_121 = tpu.memref_slice %arg2[%dma_wait3A_119, %dma_wait3A_120] : memref<8192x1024xf32, #tpu.memory_space<hbm>> -> memref<8192x1024xf32, #tpu.memory_space<hbm>>
    tpu.wait_indirect_dma semaphore(%arg8 : memref<!tpu.dma_semaphore, #tpu.memory_space<semaphore_mem>>) src(%dma_wait3A_121 : memref<8192x1024xf32, #tpu.memory_space<hbm>>) dst(%arg5 : memref<32x1024xf32, #tpu.memory_space<vmem>>)
    "tpu.region"() ({
      %run_scoped3A = tpu.sem_alloc : memref<!tpu.dma_semaphore, #tpu.memory_space<semaphore_mem>>
      %dma_start3A_129 = arith.constant 0 : i32
      %dma_start3A_130 = tpu.memref_slice %arg4[%add3A_91, %dma_start3A_129] : memref<8192x1024xf32, #tpu.memory_space<hbm>> -> memref<32x1024xf32, #tpu.memory_space<hbm>>
      %dma_start3A_131 = arith.constant 0 : i32
      %dma_start3A_132 = tpu.memref_slice %arg4[%add3A_91, %dma_start3A_131] : memref<8192x1024xf32, #tpu.memory_space<hbm>> -> memref<32x1024xf32, #tpu.memory_space<hbm>>
      tpu.enqueue_dma source(%arg5 : memref<32x1024xf32, #tpu.memory_space<vmem>>) target(%dma_start3A_132 : memref<32x1024xf32, #tpu.memory_space<hbm>>) target_semaphore(%run_scoped3A : memref<!tpu.dma_semaphore, #tpu.memory_space<semaphore_mem>>)
      %dma_wait3A_133 = arith.constant 0 : i32
      %dma_wait3A_134 = tpu.memref_slice %arg4[%add3A_91, %dma_wait3A_133] : memref<8192x1024xf32, #tpu.memory_space<hbm>> -> memref<32x1024xf32, #tpu.memory_space<hbm>>
      %dma_wait3A_135 = arith.constant 0 : i32
      %dma_wait3A_136 = tpu.memref_slice %arg4[%add3A_91, %dma_wait3A_135] : memref<8192x1024xf32, #tpu.memory_space<hbm>> -> memref<32x1024xf32, #tpu.memory_space<hbm>>
      tpu.wait_dma2 semaphore(%run_scoped3A : memref<!tpu.dma_semaphore, #tpu.memory_space<semaphore_mem>>) src(%arg5 : memref<32x1024xf32, #tpu.memory_space<vmem>>) dst(%dma_wait3A_136 : memref<32x1024xf32, #tpu.memory_space<hbm>>)
      tpu.yield
    }) : () -> ()
    %dma_wait3A_122 = arith.constant 7 : i32
    %dma_wait3A_123 = arith.constant 0 : i32
    %dma_wait3A_124 = tpu.memref_slice %arg7[%dma_wait3A_122, %dma_wait3A_123] : memref<8x32xi32, #tpu.memory_space<vmem>> -> memref<1x32xi32, #tpu.memory_space<vmem>>
    %dma_wait3A_125 = tpu.memref_squeeze %dma_wait3A_124 : memref<1x32xi32, #tpu.memory_space<vmem>> -> memref<32xi32, #tpu.memory_space<vmem>>
    %dma_wait3A_126 = arith.constant 0 : i32
    %dma_wait3A_127 = arith.constant 0 : i32
    %dma_wait3A_128 = tpu.memref_slice %arg2[%dma_wait3A_126, %dma_wait3A_127] : memref<8192x1024xf32, #tpu.memory_space<hbm>> -> memref<8192x1024xf32, #tpu.memory_space<hbm>>
    tpu.wait_indirect_dma semaphore(%arg9 : memref<!tpu.dma_semaphore, #tpu.memory_space<semaphore_mem>>) src(%dma_wait3A_128 : memref<8192x1024xf32, #tpu.memory_space<hbm>>) dst(%arg6 : memref<32x1024xf32, #tpu.memory_space<vmem>>)
    "tpu.region"() ({
      %run_scoped3A = tpu.sem_alloc : memref<!tpu.dma_semaphore, #tpu.memory_space<semaphore_mem>>
      %dma_start3A_129 = arith.constant 0 : i32
      %dma_start3A_130 = tpu.memref_slice %arg4[%add3A_107, %dma_start3A_129] : memref<8192x1024xf32, #tpu.memory_space<hbm>> -> memref<32x1024xf32, #tpu.memory_space<hbm>>
      %dma_start3A_131 = arith.constant 0 : i32
      %dma_start3A_132 = tpu.memref_slice %arg4[%add3A_107, %dma_start3A_131] : memref<8192x1024xf32, #tpu.memory_space<hbm>> -> memref<32x1024xf32, #tpu.memory_space<hbm>>
      tpu.enqueue_dma source(%arg6 : memref<32x1024xf32, #tpu.memory_space<vmem>>) target(%dma_start3A_132 : memref<32x1024xf32, #tpu.memory_space<hbm>>) target_semaphore(%run_scoped3A : memref<!tpu.dma_semaphore, #tpu.memory_space<semaphore_mem>>)
      %dma_wait3A_133 = arith.constant 0 : i32
      %dma_wait3A_134 = tpu.memref_slice %arg4[%add3A_107, %dma_wait3A_133] : memref<8192x1024xf32, #tpu.memory_space<hbm>> -> memref<32x1024xf32, #tpu.memory_space<hbm>>
      %dma_wait3A_135 = arith.constant 0 : i32
      %dma_wait3A_136 = tpu.memref_slice %arg4[%add3A_107, %dma_wait3A_135] : memref<8192x1024xf32, #tpu.memory_space<hbm>> -> memref<32x1024xf32, #tpu.memory_space<hbm>>
      tpu.wait_dma2 semaphore(%run_scoped3A : memref<!tpu.dma_semaphore, #tpu.memory_space<semaphore_mem>>) src(%arg6 : memref<32x1024xf32, #tpu.memory_space<vmem>>) dst(%dma_wait3A_136 : memref<32x1024xf32, #tpu.memory_space<hbm>>)
      tpu.yield
    }) : () -> ()
    return
  }
}

#map = affine_map<(d0, d1) -> (0, 0)>
#map1 = affine_map<(d0, d1) -> (0, 0, 0)>
module attributes {stable_mosaic.version = 14 : i64} {
  func.func @_sc_scatter_body(%arg0: i32, %arg1: i32, %arg2: memref<8192x2048xf32, #tpu.memory_space<hbm>>, %arg3: memref<32x16x16xi32, #tpu.memory_space<hbm>>, %arg4: memref<8192x2048xf32, #tpu.memory_space<hbm>>, %arg5: memref<16x2048xf32, #tpu.memory_space<vmem>>, %arg6: memref<16x2048xf32, #tpu.memory_space<vmem>>, %arg7: memref<16x16xi32, #tpu.memory_space<vmem>>, %arg8: memref<!tpu.dma_semaphore, #tpu.memory_space<semaphore_mem>>, %arg9: memref<!tpu.dma_semaphore, #tpu.memory_space<semaphore_mem>>) attributes {dimension_semantics = [#tpu.dimension_semantics<core_parallel>, #tpu.dimension_semantics<subcore_parallel>], iteration_bounds = array<i64: 2, 16>, scalar_prefetch = 0 : i64, scratch_operands = 5 : i64, tpu.core_type = #tpu.core_type<sc_vector_subcore>, window_params = [{transform_indices = #map}, {transform_indices = #map1}, {transform_indices = #map}]} {
    %mul3A = arith.constant 2 : i32
    %mul3A_0 = arith.muli %arg1, %mul3A : i32
    %add3A = arith.addi %mul3A_0, %arg0 : i32
    %mul3A_1 = arith.constant 256 : i32
    %mul3A_2 = arith.muli %add3A, %mul3A_1 : i32
    "tpu.region"() ({
      %run_scoped3A = tpu.sem_alloc : memref<!tpu.dma_semaphore, #tpu.memory_space<semaphore_mem>>
      %dma_start3A_257 = arith.constant 0 : i32
      %dma_start3A_258 = arith.constant 0 : i32
      %dma_start3A_259 = tpu.memref_slice %arg3[%add3A, %dma_start3A_257, %dma_start3A_258] : memref<32x16x16xi32, #tpu.memory_space<hbm>> -> memref<1x16x16xi32, #tpu.memory_space<hbm>>
      %dma_start3A_260 = tpu.memref_squeeze %dma_start3A_259 : memref<1x16x16xi32, #tpu.memory_space<hbm>> -> memref<16x16xi32, #tpu.memory_space<hbm>>
      %dma_start3A_261 = arith.constant 0 : i32
      %dma_start3A_262 = arith.constant 0 : i32
      %dma_start3A_263 = tpu.memref_slice %arg3[%add3A, %dma_start3A_261, %dma_start3A_262] : memref<32x16x16xi32, #tpu.memory_space<hbm>> -> memref<1x16x16xi32, #tpu.memory_space<hbm>>
      %dma_start3A_264 = tpu.memref_squeeze %dma_start3A_263 : memref<1x16x16xi32, #tpu.memory_space<hbm>> -> memref<16x16xi32, #tpu.memory_space<hbm>>
      tpu.enqueue_dma source(%dma_start3A_264 : memref<16x16xi32, #tpu.memory_space<hbm>>) target(%arg7 : memref<16x16xi32, #tpu.memory_space<vmem>>) target_semaphore(%run_scoped3A : memref<!tpu.dma_semaphore, #tpu.memory_space<semaphore_mem>>)
      %dma_wait3A_265 = arith.constant 0 : i32
      %dma_wait3A_266 = arith.constant 0 : i32
      %dma_wait3A_267 = tpu.memref_slice %arg3[%add3A, %dma_wait3A_265, %dma_wait3A_266] : memref<32x16x16xi32, #tpu.memory_space<hbm>> -> memref<1x16x16xi32, #tpu.memory_space<hbm>>
      %dma_wait3A_268 = tpu.memref_squeeze %dma_wait3A_267 : memref<1x16x16xi32, #tpu.memory_space<hbm>> -> memref<16x16xi32, #tpu.memory_space<hbm>>
      %dma_wait3A_269 = arith.constant 0 : i32
      %dma_wait3A_270 = arith.constant 0 : i32
      %dma_wait3A_271 = tpu.memref_slice %arg3[%add3A, %dma_wait3A_269, %dma_wait3A_270] : memref<32x16x16xi32, #tpu.memory_space<hbm>> -> memref<1x16x16xi32, #tpu.memory_space<hbm>>
      %dma_wait3A_272 = tpu.memref_squeeze %dma_wait3A_271 : memref<1x16x16xi32, #tpu.memory_space<hbm>> -> memref<16x16xi32, #tpu.memory_space<hbm>>
      tpu.wait_dma2 semaphore(%run_scoped3A : memref<!tpu.dma_semaphore, #tpu.memory_space<semaphore_mem>>) src(%dma_wait3A_272 : memref<16x16xi32, #tpu.memory_space<hbm>>) dst(%arg7 : memref<16x16xi32, #tpu.memory_space<vmem>>)
      tpu.yield
    }) : () -> ()
    %add3A_3 = arith.constant 0 : i32
    %add3A_4 = arith.addi %mul3A_2, %add3A_3 : i32
    "tpu.region"() ({
      %run_scoped3A = tpu.sem_alloc : memref<!tpu.dma_semaphore, #tpu.memory_space<semaphore_mem>>
      %dma_start3A_257 = arith.constant 0 : i32
      %dma_start3A_258 = tpu.memref_slice %arg2[%add3A_4, %dma_start3A_257] : memref<8192x2048xf32, #tpu.memory_space<hbm>> -> memref<16x2048xf32, #tpu.memory_space<hbm>>
      %dma_start3A_259 = arith.constant 0 : i32
      %dma_start3A_260 = tpu.memref_slice %arg2[%add3A_4, %dma_start3A_259] : memref<8192x2048xf32, #tpu.memory_space<hbm>> -> memref<16x2048xf32, #tpu.memory_space<hbm>>
      tpu.enqueue_dma source(%dma_start3A_260 : memref<16x2048xf32, #tpu.memory_space<hbm>>) target(%arg5 : memref<16x2048xf32, #tpu.memory_space<vmem>>) target_semaphore(%run_scoped3A : memref<!tpu.dma_semaphore, #tpu.memory_space<semaphore_mem>>)
      %dma_wait3A_261 = arith.constant 0 : i32
      %dma_wait3A_262 = tpu.memref_slice %arg2[%add3A_4, %dma_wait3A_261] : memref<8192x2048xf32, #tpu.memory_space<hbm>> -> memref<16x2048xf32, #tpu.memory_space<hbm>>
      %dma_wait3A_263 = arith.constant 0 : i32
      %dma_wait3A_264 = tpu.memref_slice %arg2[%add3A_4, %dma_wait3A_263] : memref<8192x2048xf32, #tpu.memory_space<hbm>> -> memref<16x2048xf32, #tpu.memory_space<hbm>>
      tpu.wait_dma2 semaphore(%run_scoped3A : memref<!tpu.dma_semaphore, #tpu.memory_space<semaphore_mem>>) src(%dma_wait3A_264 : memref<16x2048xf32, #tpu.memory_space<hbm>>) dst(%arg5 : memref<16x2048xf32, #tpu.memory_space<vmem>>)
      tpu.yield
    }) : () -> ()
    %dma_start3A = arith.constant 0 : i32
    %dma_start3A_5 = arith.constant 0 : i32
    %dma_start3A_6 = tpu.memref_slice %arg7[%dma_start3A, %dma_start3A_5] : memref<16x16xi32, #tpu.memory_space<vmem>> -> memref<1x16xi32, #tpu.memory_space<vmem>>
    %dma_start3A_7 = tpu.memref_squeeze %dma_start3A_6 : memref<1x16xi32, #tpu.memory_space<vmem>> -> memref<16xi32, #tpu.memory_space<vmem>>
    %dma_start3A_8 = arith.constant 0 : i32
    %dma_start3A_9 = arith.constant 0 : i32
    %dma_start3A_10 = tpu.memref_slice %arg4[%dma_start3A_8, %dma_start3A_9] : memref<8192x2048xf32, #tpu.memory_space<hbm>> -> memref<8192x2048xf32, #tpu.memory_space<hbm>>
    tpu.enqueue_indirect_dma source(%arg5 : memref<16x2048xf32, #tpu.memory_space<vmem>>) target(%dma_start3A_10 : memref<8192x2048xf32, #tpu.memory_space<hbm>>) offsets(%dma_start3A_7 : memref<16xi32, #tpu.memory_space<vmem>>) semaphore(%arg8 : memref<!tpu.dma_semaphore, #tpu.memory_space<semaphore_mem>>)
    %add3A_11 = arith.constant 16 : i32
    %add3A_12 = arith.addi %mul3A_2, %add3A_11 : i32
    "tpu.region"() ({
      %run_scoped3A = tpu.sem_alloc : memref<!tpu.dma_semaphore, #tpu.memory_space<semaphore_mem>>
      %dma_start3A_257 = arith.constant 0 : i32
      %dma_start3A_258 = tpu.memref_slice %arg2[%add3A_12, %dma_start3A_257] : memref<8192x2048xf32, #tpu.memory_space<hbm>> -> memref<16x2048xf32, #tpu.memory_space<hbm>>
      %dma_start3A_259 = arith.constant 0 : i32
      %dma_start3A_260 = tpu.memref_slice %arg2[%add3A_12, %dma_start3A_259] : memref<8192x2048xf32, #tpu.memory_space<hbm>> -> memref<16x2048xf32, #tpu.memory_space<hbm>>
      tpu.enqueue_dma source(%dma_start3A_260 : memref<16x2048xf32, #tpu.memory_space<hbm>>) target(%arg6 : memref<16x2048xf32, #tpu.memory_space<vmem>>) target_semaphore(%run_scoped3A : memref<!tpu.dma_semaphore, #tpu.memory_space<semaphore_mem>>)
      %dma_wait3A_261 = arith.constant 0 : i32
      %dma_wait3A_262 = tpu.memref_slice %arg2[%add3A_12, %dma_wait3A_261] : memref<8192x2048xf32, #tpu.memory_space<hbm>> -> memref<16x2048xf32, #tpu.memory_space<hbm>>
      %dma_wait3A_263 = arith.constant 0 : i32
      %dma_wait3A_264 = tpu.memref_slice %arg2[%add3A_12, %dma_wait3A_263] : memref<8192x2048xf32, #tpu.memory_space<hbm>> -> memref<16x2048xf32, #tpu.memory_space<hbm>>
      tpu.wait_dma2 semaphore(%run_scoped3A : memref<!tpu.dma_semaphore, #tpu.memory_space<semaphore_mem>>) src(%dma_wait3A_264 : memref<16x2048xf32, #tpu.memory_space<hbm>>) dst(%arg6 : memref<16x2048xf32, #tpu.memory_space<vmem>>)
      tpu.yield
    }) : () -> ()
    %dma_start3A_13 = arith.constant 1 : i32
    %dma_start3A_14 = arith.constant 0 : i32
    %dma_start3A_15 = tpu.memref_slice %arg7[%dma_start3A_13, %dma_start3A_14] : memref<16x16xi32, #tpu.memory_space<vmem>> -> memref<1x16xi32, #tpu.memory_space<vmem>>
    %dma_start3A_16 = tpu.memref_squeeze %dma_start3A_15 : memref<1x16xi32, #tpu.memory_space<vmem>> -> memref<16xi32, #tpu.memory_space<vmem>>
    %dma_start3A_17 = arith.constant 0 : i32
    %dma_start3A_18 = arith.constant 0 : i32
    %dma_start3A_19 = tpu.memref_slice %arg4[%dma_start3A_17, %dma_start3A_18] : memref<8192x2048xf32, #tpu.memory_space<hbm>> -> memref<8192x2048xf32, #tpu.memory_space<hbm>>
    tpu.enqueue_indirect_dma source(%arg6 : memref<16x2048xf32, #tpu.memory_space<vmem>>) target(%dma_start3A_19 : memref<8192x2048xf32, #tpu.memory_space<hbm>>) offsets(%dma_start3A_16 : memref<16xi32, #tpu.memory_space<vmem>>) semaphore(%arg9 : memref<!tpu.dma_semaphore, #tpu.memory_space<semaphore_mem>>)
    %dma_wait3A = arith.constant 0 : i32
    %dma_wait3A_20 = arith.constant 0 : i32
    %dma_wait3A_21 = tpu.memref_slice %arg7[%dma_wait3A, %dma_wait3A_20] : memref<16x16xi32, #tpu.memory_space<vmem>> -> memref<1x16xi32, #tpu.memory_space<vmem>>
    %dma_wait3A_22 = tpu.memref_squeeze %dma_wait3A_21 : memref<1x16xi32, #tpu.memory_space<vmem>> -> memref<16xi32, #tpu.memory_space<vmem>>
    %dma_wait3A_23 = arith.constant 0 : i32
    %dma_wait3A_24 = arith.constant 0 : i32
    %dma_wait3A_25 = tpu.memref_slice %arg4[%dma_wait3A_23, %dma_wait3A_24] : memref<8192x2048xf32, #tpu.memory_space<hbm>> -> memref<8192x2048xf32, #tpu.memory_space<hbm>>
    tpu.wait_indirect_dma semaphore(%arg8 : memref<!tpu.dma_semaphore, #tpu.memory_space<semaphore_mem>>) src(%arg5 : memref<16x2048xf32, #tpu.memory_space<vmem>>) dst(%dma_wait3A_25 : memref<8192x2048xf32, #tpu.memory_space<hbm>>)
    %add3A_26 = arith.constant 32 : i32
    %add3A_27 = arith.addi %mul3A_2, %add3A_26 : i32
    "tpu.region"() ({
      %run_scoped3A = tpu.sem_alloc : memref<!tpu.dma_semaphore, #tpu.memory_space<semaphore_mem>>
      %dma_start3A_257 = arith.constant 0 : i32
      %dma_start3A_258 = tpu.memref_slice %arg2[%add3A_27, %dma_start3A_257] : memref<8192x2048xf32, #tpu.memory_space<hbm>> -> memref<16x2048xf32, #tpu.memory_space<hbm>>
      %dma_start3A_259 = arith.constant 0 : i32
      %dma_start3A_260 = tpu.memref_slice %arg2[%add3A_27, %dma_start3A_259] : memref<8192x2048xf32, #tpu.memory_space<hbm>> -> memref<16x2048xf32, #tpu.memory_space<hbm>>
      tpu.enqueue_dma source(%dma_start3A_260 : memref<16x2048xf32, #tpu.memory_space<hbm>>) target(%arg5 : memref<16x2048xf32, #tpu.memory_space<vmem>>) target_semaphore(%run_scoped3A : memref<!tpu.dma_semaphore, #tpu.memory_space<semaphore_mem>>)
      %dma_wait3A_261 = arith.constant 0 : i32
      %dma_wait3A_262 = tpu.memref_slice %arg2[%add3A_27, %dma_wait3A_261] : memref<8192x2048xf32, #tpu.memory_space<hbm>> -> memref<16x2048xf32, #tpu.memory_space<hbm>>
      %dma_wait3A_263 = arith.constant 0 : i32
      %dma_wait3A_264 = tpu.memref_slice %arg2[%add3A_27, %dma_wait3A_263] : memref<8192x2048xf32, #tpu.memory_space<hbm>> -> memref<16x2048xf32, #tpu.memory_space<hbm>>
      tpu.wait_dma2 semaphore(%run_scoped3A : memref<!tpu.dma_semaphore, #tpu.memory_space<semaphore_mem>>) src(%dma_wait3A_264 : memref<16x2048xf32, #tpu.memory_space<hbm>>) dst(%arg5 : memref<16x2048xf32, #tpu.memory_space<vmem>>)
      tpu.yield
    }) : () -> ()
    %dma_start3A_28 = arith.constant 2 : i32
    %dma_start3A_29 = arith.constant 0 : i32
    %dma_start3A_30 = tpu.memref_slice %arg7[%dma_start3A_28, %dma_start3A_29] : memref<16x16xi32, #tpu.memory_space<vmem>> -> memref<1x16xi32, #tpu.memory_space<vmem>>
    %dma_start3A_31 = tpu.memref_squeeze %dma_start3A_30 : memref<1x16xi32, #tpu.memory_space<vmem>> -> memref<16xi32, #tpu.memory_space<vmem>>
    %dma_start3A_32 = arith.constant 0 : i32
    %dma_start3A_33 = arith.constant 0 : i32
    %dma_start3A_34 = tpu.memref_slice %arg4[%dma_start3A_32, %dma_start3A_33] : memref<8192x2048xf32, #tpu.memory_space<hbm>> -> memref<8192x2048xf32, #tpu.memory_space<hbm>>
    tpu.enqueue_indirect_dma source(%arg5 : memref<16x2048xf32, #tpu.memory_space<vmem>>) target(%dma_start3A_34 : memref<8192x2048xf32, #tpu.memory_space<hbm>>) offsets(%dma_start3A_31 : memref<16xi32, #tpu.memory_space<vmem>>) semaphore(%arg8 : memref<!tpu.dma_semaphore, #tpu.memory_space<semaphore_mem>>)
    %dma_wait3A_35 = arith.constant 1 : i32
    %dma_wait3A_36 = arith.constant 0 : i32
    %dma_wait3A_37 = tpu.memref_slice %arg7[%dma_wait3A_35, %dma_wait3A_36] : memref<16x16xi32, #tpu.memory_space<vmem>> -> memref<1x16xi32, #tpu.memory_space<vmem>>
    %dma_wait3A_38 = tpu.memref_squeeze %dma_wait3A_37 : memref<1x16xi32, #tpu.memory_space<vmem>> -> memref<16xi32, #tpu.memory_space<vmem>>
    %dma_wait3A_39 = arith.constant 0 : i32
    %dma_wait3A_40 = arith.constant 0 : i32
    %dma_wait3A_41 = tpu.memref_slice %arg4[%dma_wait3A_39, %dma_wait3A_40] : memref<8192x2048xf32, #tpu.memory_space<hbm>> -> memref<8192x2048xf32, #tpu.memory_space<hbm>>
    tpu.wait_indirect_dma semaphore(%arg9 : memref<!tpu.dma_semaphore, #tpu.memory_space<semaphore_mem>>) src(%arg6 : memref<16x2048xf32, #tpu.memory_space<vmem>>) dst(%dma_wait3A_41 : memref<8192x2048xf32, #tpu.memory_space<hbm>>)
    %add3A_42 = arith.constant 48 : i32
    %add3A_43 = arith.addi %mul3A_2, %add3A_42 : i32
    "tpu.region"() ({
      %run_scoped3A = tpu.sem_alloc : memref<!tpu.dma_semaphore, #tpu.memory_space<semaphore_mem>>
      %dma_start3A_257 = arith.constant 0 : i32
      %dma_start3A_258 = tpu.memref_slice %arg2[%add3A_43, %dma_start3A_257] : memref<8192x2048xf32, #tpu.memory_space<hbm>> -> memref<16x2048xf32, #tpu.memory_space<hbm>>
      %dma_start3A_259 = arith.constant 0 : i32
      %dma_start3A_260 = tpu.memref_slice %arg2[%add3A_43, %dma_start3A_259] : memref<8192x2048xf32, #tpu.memory_space<hbm>> -> memref<16x2048xf32, #tpu.memory_space<hbm>>
      tpu.enqueue_dma source(%dma_start3A_260 : memref<16x2048xf32, #tpu.memory_space<hbm>>) target(%arg6 : memref<16x2048xf32, #tpu.memory_space<vmem>>) target_semaphore(%run_scoped3A : memref<!tpu.dma_semaphore, #tpu.memory_space<semaphore_mem>>)
      %dma_wait3A_261 = arith.constant 0 : i32
      %dma_wait3A_262 = tpu.memref_slice %arg2[%add3A_43, %dma_wait3A_261] : memref<8192x2048xf32, #tpu.memory_space<hbm>> -> memref<16x2048xf32, #tpu.memory_space<hbm>>
      %dma_wait3A_263 = arith.constant 0 : i32
      %dma_wait3A_264 = tpu.memref_slice %arg2[%add3A_43, %dma_wait3A_263] : memref<8192x2048xf32, #tpu.memory_space<hbm>> -> memref<16x2048xf32, #tpu.memory_space<hbm>>
      tpu.wait_dma2 semaphore(%run_scoped3A : memref<!tpu.dma_semaphore, #tpu.memory_space<semaphore_mem>>) src(%dma_wait3A_264 : memref<16x2048xf32, #tpu.memory_space<hbm>>) dst(%arg6 : memref<16x2048xf32, #tpu.memory_space<vmem>>)
      tpu.yield
    }) : () -> ()
    %dma_start3A_44 = arith.constant 3 : i32
    %dma_start3A_45 = arith.constant 0 : i32
    %dma_start3A_46 = tpu.memref_slice %arg7[%dma_start3A_44, %dma_start3A_45] : memref<16x16xi32, #tpu.memory_space<vmem>> -> memref<1x16xi32, #tpu.memory_space<vmem>>
    %dma_start3A_47 = tpu.memref_squeeze %dma_start3A_46 : memref<1x16xi32, #tpu.memory_space<vmem>> -> memref<16xi32, #tpu.memory_space<vmem>>
    %dma_start3A_48 = arith.constant 0 : i32
    %dma_start3A_49 = arith.constant 0 : i32
    %dma_start3A_50 = tpu.memref_slice %arg4[%dma_start3A_48, %dma_start3A_49] : memref<8192x2048xf32, #tpu.memory_space<hbm>> -> memref<8192x2048xf32, #tpu.memory_space<hbm>>
    tpu.enqueue_indirect_dma source(%arg6 : memref<16x2048xf32, #tpu.memory_space<vmem>>) target(%dma_start3A_50 : memref<8192x2048xf32, #tpu.memory_space<hbm>>) offsets(%dma_start3A_47 : memref<16xi32, #tpu.memory_space<vmem>>) semaphore(%arg9 : memref<!tpu.dma_semaphore, #tpu.memory_space<semaphore_mem>>)
    %dma_wait3A_51 = arith.constant 2 : i32
    %dma_wait3A_52 = arith.constant 0 : i32
    %dma_wait3A_53 = tpu.memref_slice %arg7[%dma_wait3A_51, %dma_wait3A_52] : memref<16x16xi32, #tpu.memory_space<vmem>> -> memref<1x16xi32, #tpu.memory_space<vmem>>
    %dma_wait3A_54 = tpu.memref_squeeze %dma_wait3A_53 : memref<1x16xi32, #tpu.memory_space<vmem>> -> memref<16xi32, #tpu.memory_space<vmem>>
    %dma_wait3A_55 = arith.constant 0 : i32
    %dma_wait3A_56 = arith.constant 0 : i32
    %dma_wait3A_57 = tpu.memref_slice %arg4[%dma_wait3A_55, %dma_wait3A_56] : memref<8192x2048xf32, #tpu.memory_space<hbm>> -> memref<8192x2048xf32, #tpu.memory_space<hbm>>
    tpu.wait_indirect_dma semaphore(%arg8 : memref<!tpu.dma_semaphore, #tpu.memory_space<semaphore_mem>>) src(%arg5 : memref<16x2048xf32, #tpu.memory_space<vmem>>) dst(%dma_wait3A_57 : memref<8192x2048xf32, #tpu.memory_space<hbm>>)
    %add3A_58 = arith.constant 64 : i32
    %add3A_59 = arith.addi %mul3A_2, %add3A_58 : i32
    "tpu.region"() ({
      %run_scoped3A = tpu.sem_alloc : memref<!tpu.dma_semaphore, #tpu.memory_space<semaphore_mem>>
      %dma_start3A_257 = arith.constant 0 : i32
      %dma_start3A_258 = tpu.memref_slice %arg2[%add3A_59, %dma_start3A_257] : memref<8192x2048xf32, #tpu.memory_space<hbm>> -> memref<16x2048xf32, #tpu.memory_space<hbm>>
      %dma_start3A_259 = arith.constant 0 : i32
      %dma_start3A_260 = tpu.memref_slice %arg2[%add3A_59, %dma_start3A_259] : memref<8192x2048xf32, #tpu.memory_space<hbm>> -> memref<16x2048xf32, #tpu.memory_space<hbm>>
      tpu.enqueue_dma source(%dma_start3A_260 : memref<16x2048xf32, #tpu.memory_space<hbm>>) target(%arg5 : memref<16x2048xf32, #tpu.memory_space<vmem>>) target_semaphore(%run_scoped3A : memref<!tpu.dma_semaphore, #tpu.memory_space<semaphore_mem>>)
      %dma_wait3A_261 = arith.constant 0 : i32
      %dma_wait3A_262 = tpu.memref_slice %arg2[%add3A_59, %dma_wait3A_261] : memref<8192x2048xf32, #tpu.memory_space<hbm>> -> memref<16x2048xf32, #tpu.memory_space<hbm>>
      %dma_wait3A_263 = arith.constant 0 : i32
      %dma_wait3A_264 = tpu.memref_slice %arg2[%add3A_59, %dma_wait3A_263] : memref<8192x2048xf32, #tpu.memory_space<hbm>> -> memref<16x2048xf32, #tpu.memory_space<hbm>>
      tpu.wait_dma2 semaphore(%run_scoped3A : memref<!tpu.dma_semaphore, #tpu.memory_space<semaphore_mem>>) src(%dma_wait3A_264 : memref<16x2048xf32, #tpu.memory_space<hbm>>) dst(%arg5 : memref<16x2048xf32, #tpu.memory_space<vmem>>)
      tpu.yield
    }) : () -> ()
    %dma_start3A_60 = arith.constant 4 : i32
    %dma_start3A_61 = arith.constant 0 : i32
    %dma_start3A_62 = tpu.memref_slice %arg7[%dma_start3A_60, %dma_start3A_61] : memref<16x16xi32, #tpu.memory_space<vmem>> -> memref<1x16xi32, #tpu.memory_space<vmem>>
    %dma_start3A_63 = tpu.memref_squeeze %dma_start3A_62 : memref<1x16xi32, #tpu.memory_space<vmem>> -> memref<16xi32, #tpu.memory_space<vmem>>
    %dma_start3A_64 = arith.constant 0 : i32
    %dma_start3A_65 = arith.constant 0 : i32
    %dma_start3A_66 = tpu.memref_slice %arg4[%dma_start3A_64, %dma_start3A_65] : memref<8192x2048xf32, #tpu.memory_space<hbm>> -> memref<8192x2048xf32, #tpu.memory_space<hbm>>
    tpu.enqueue_indirect_dma source(%arg5 : memref<16x2048xf32, #tpu.memory_space<vmem>>) target(%dma_start3A_66 : memref<8192x2048xf32, #tpu.memory_space<hbm>>) offsets(%dma_start3A_63 : memref<16xi32, #tpu.memory_space<vmem>>) semaphore(%arg8 : memref<!tpu.dma_semaphore, #tpu.memory_space<semaphore_mem>>)
    %dma_wait3A_67 = arith.constant 3 : i32
    %dma_wait3A_68 = arith.constant 0 : i32
    %dma_wait3A_69 = tpu.memref_slice %arg7[%dma_wait3A_67, %dma_wait3A_68] : memref<16x16xi32, #tpu.memory_space<vmem>> -> memref<1x16xi32, #tpu.memory_space<vmem>>
    %dma_wait3A_70 = tpu.memref_squeeze %dma_wait3A_69 : memref<1x16xi32, #tpu.memory_space<vmem>> -> memref<16xi32, #tpu.memory_space<vmem>>
    %dma_wait3A_71 = arith.constant 0 : i32
    %dma_wait3A_72 = arith.constant 0 : i32
    %dma_wait3A_73 = tpu.memref_slice %arg4[%dma_wait3A_71, %dma_wait3A_72] : memref<8192x2048xf32, #tpu.memory_space<hbm>> -> memref<8192x2048xf32, #tpu.memory_space<hbm>>
    tpu.wait_indirect_dma semaphore(%arg9 : memref<!tpu.dma_semaphore, #tpu.memory_space<semaphore_mem>>) src(%arg6 : memref<16x2048xf32, #tpu.memory_space<vmem>>) dst(%dma_wait3A_73 : memref<8192x2048xf32, #tpu.memory_space<hbm>>)
    %add3A_74 = arith.constant 80 : i32
    %add3A_75 = arith.addi %mul3A_2, %add3A_74 : i32
    "tpu.region"() ({
      %run_scoped3A = tpu.sem_alloc : memref<!tpu.dma_semaphore, #tpu.memory_space<semaphore_mem>>
      %dma_start3A_257 = arith.constant 0 : i32
      %dma_start3A_258 = tpu.memref_slice %arg2[%add3A_75, %dma_start3A_257] : memref<8192x2048xf32, #tpu.memory_space<hbm>> -> memref<16x2048xf32, #tpu.memory_space<hbm>>
      %dma_start3A_259 = arith.constant 0 : i32
      %dma_start3A_260 = tpu.memref_slice %arg2[%add3A_75, %dma_start3A_259] : memref<8192x2048xf32, #tpu.memory_space<hbm>> -> memref<16x2048xf32, #tpu.memory_space<hbm>>
      tpu.enqueue_dma source(%dma_start3A_260 : memref<16x2048xf32, #tpu.memory_space<hbm>>) target(%arg6 : memref<16x2048xf32, #tpu.memory_space<vmem>>) target_semaphore(%run_scoped3A : memref<!tpu.dma_semaphore, #tpu.memory_space<semaphore_mem>>)
      %dma_wait3A_261 = arith.constant 0 : i32
      %dma_wait3A_262 = tpu.memref_slice %arg2[%add3A_75, %dma_wait3A_261] : memref<8192x2048xf32, #tpu.memory_space<hbm>> -> memref<16x2048xf32, #tpu.memory_space<hbm>>
      %dma_wait3A_263 = arith.constant 0 : i32
      %dma_wait3A_264 = tpu.memref_slice %arg2[%add3A_75, %dma_wait3A_263] : memref<8192x2048xf32, #tpu.memory_space<hbm>> -> memref<16x2048xf32, #tpu.memory_space<hbm>>
      tpu.wait_dma2 semaphore(%run_scoped3A : memref<!tpu.dma_semaphore, #tpu.memory_space<semaphore_mem>>) src(%dma_wait3A_264 : memref<16x2048xf32, #tpu.memory_space<hbm>>) dst(%arg6 : memref<16x2048xf32, #tpu.memory_space<vmem>>)
      tpu.yield
    }) : () -> ()
    %dma_start3A_76 = arith.constant 5 : i32
    %dma_start3A_77 = arith.constant 0 : i32
    %dma_start3A_78 = tpu.memref_slice %arg7[%dma_start3A_76, %dma_start3A_77] : memref<16x16xi32, #tpu.memory_space<vmem>> -> memref<1x16xi32, #tpu.memory_space<vmem>>
    %dma_start3A_79 = tpu.memref_squeeze %dma_start3A_78 : memref<1x16xi32, #tpu.memory_space<vmem>> -> memref<16xi32, #tpu.memory_space<vmem>>
    %dma_start3A_80 = arith.constant 0 : i32
    %dma_start3A_81 = arith.constant 0 : i32
    %dma_start3A_82 = tpu.memref_slice %arg4[%dma_start3A_80, %dma_start3A_81] : memref<8192x2048xf32, #tpu.memory_space<hbm>> -> memref<8192x2048xf32, #tpu.memory_space<hbm>>
    tpu.enqueue_indirect_dma source(%arg6 : memref<16x2048xf32, #tpu.memory_space<vmem>>) target(%dma_start3A_82 : memref<8192x2048xf32, #tpu.memory_space<hbm>>) offsets(%dma_start3A_79 : memref<16xi32, #tpu.memory_space<vmem>>) semaphore(%arg9 : memref<!tpu.dma_semaphore, #tpu.memory_space<semaphore_mem>>)
    %dma_wait3A_83 = arith.constant 4 : i32
    %dma_wait3A_84 = arith.constant 0 : i32
    %dma_wait3A_85 = tpu.memref_slice %arg7[%dma_wait3A_83, %dma_wait3A_84] : memref<16x16xi32, #tpu.memory_space<vmem>> -> memref<1x16xi32, #tpu.memory_space<vmem>>
    %dma_wait3A_86 = tpu.memref_squeeze %dma_wait3A_85 : memref<1x16xi32, #tpu.memory_space<vmem>> -> memref<16xi32, #tpu.memory_space<vmem>>
    %dma_wait3A_87 = arith.constant 0 : i32
    %dma_wait3A_88 = arith.constant 0 : i32
    %dma_wait3A_89 = tpu.memref_slice %arg4[%dma_wait3A_87, %dma_wait3A_88] : memref<8192x2048xf32, #tpu.memory_space<hbm>> -> memref<8192x2048xf32, #tpu.memory_space<hbm>>
    tpu.wait_indirect_dma semaphore(%arg8 : memref<!tpu.dma_semaphore, #tpu.memory_space<semaphore_mem>>) src(%arg5 : memref<16x2048xf32, #tpu.memory_space<vmem>>) dst(%dma_wait3A_89 : memref<8192x2048xf32, #tpu.memory_space<hbm>>)
    %add3A_90 = arith.constant 96 : i32
    %add3A_91 = arith.addi %mul3A_2, %add3A_90 : i32
    "tpu.region"() ({
      %run_scoped3A = tpu.sem_alloc : memref<!tpu.dma_semaphore, #tpu.memory_space<semaphore_mem>>
      %dma_start3A_257 = arith.constant 0 : i32
      %dma_start3A_258 = tpu.memref_slice %arg2[%add3A_91, %dma_start3A_257] : memref<8192x2048xf32, #tpu.memory_space<hbm>> -> memref<16x2048xf32, #tpu.memory_space<hbm>>
      %dma_start3A_259 = arith.constant 0 : i32
      %dma_start3A_260 = tpu.memref_slice %arg2[%add3A_91, %dma_start3A_259] : memref<8192x2048xf32, #tpu.memory_space<hbm>> -> memref<16x2048xf32, #tpu.memory_space<hbm>>
      tpu.enqueue_dma source(%dma_start3A_260 : memref<16x2048xf32, #tpu.memory_space<hbm>>) target(%arg5 : memref<16x2048xf32, #tpu.memory_space<vmem>>) target_semaphore(%run_scoped3A : memref<!tpu.dma_semaphore, #tpu.memory_space<semaphore_mem>>)
      %dma_wait3A_261 = arith.constant 0 : i32
      %dma_wait3A_262 = tpu.memref_slice %arg2[%add3A_91, %dma_wait3A_261] : memref<8192x2048xf32, #tpu.memory_space<hbm>> -> memref<16x2048xf32, #tpu.memory_space<hbm>>
      %dma_wait3A_263 = arith.constant 0 : i32
      %dma_wait3A_264 = tpu.memref_slice %arg2[%add3A_91, %dma_wait3A_263] : memref<8192x2048xf32, #tpu.memory_space<hbm>> -> memref<16x2048xf32, #tpu.memory_space<hbm>>
      tpu.wait_dma2 semaphore(%run_scoped3A : memref<!tpu.dma_semaphore, #tpu.memory_space<semaphore_mem>>) src(%dma_wait3A_264 : memref<16x2048xf32, #tpu.memory_space<hbm>>) dst(%arg5 : memref<16x2048xf32, #tpu.memory_space<vmem>>)
      tpu.yield
    }) : () -> ()
    %dma_start3A_92 = arith.constant 6 : i32
    %dma_start3A_93 = arith.constant 0 : i32
    %dma_start3A_94 = tpu.memref_slice %arg7[%dma_start3A_92, %dma_start3A_93] : memref<16x16xi32, #tpu.memory_space<vmem>> -> memref<1x16xi32, #tpu.memory_space<vmem>>
    %dma_start3A_95 = tpu.memref_squeeze %dma_start3A_94 : memref<1x16xi32, #tpu.memory_space<vmem>> -> memref<16xi32, #tpu.memory_space<vmem>>
    %dma_start3A_96 = arith.constant 0 : i32
    %dma_start3A_97 = arith.constant 0 : i32
    %dma_start3A_98 = tpu.memref_slice %arg4[%dma_start3A_96, %dma_start3A_97] : memref<8192x2048xf32, #tpu.memory_space<hbm>> -> memref<8192x2048xf32, #tpu.memory_space<hbm>>
    tpu.enqueue_indirect_dma source(%arg5 : memref<16x2048xf32, #tpu.memory_space<vmem>>) target(%dma_start3A_98 : memref<8192x2048xf32, #tpu.memory_space<hbm>>) offsets(%dma_start3A_95 : memref<16xi32, #tpu.memory_space<vmem>>) semaphore(%arg8 : memref<!tpu.dma_semaphore, #tpu.memory_space<semaphore_mem>>)
    %dma_wait3A_99 = arith.constant 5 : i32
    %dma_wait3A_100 = arith.constant 0 : i32
    %dma_wait3A_101 = tpu.memref_slice %arg7[%dma_wait3A_99, %dma_wait3A_100] : memref<16x16xi32, #tpu.memory_space<vmem>> -> memref<1x16xi32, #tpu.memory_space<vmem>>
    %dma_wait3A_102 = tpu.memref_squeeze %dma_wait3A_101 : memref<1x16xi32, #tpu.memory_space<vmem>> -> memref<16xi32, #tpu.memory_space<vmem>>
    %dma_wait3A_103 = arith.constant 0 : i32
    %dma_wait3A_104 = arith.constant 0 : i32
    %dma_wait3A_105 = tpu.memref_slice %arg4[%dma_wait3A_103, %dma_wait3A_104] : memref<8192x2048xf32, #tpu.memory_space<hbm>> -> memref<8192x2048xf32, #tpu.memory_space<hbm>>
    tpu.wait_indirect_dma semaphore(%arg9 : memref<!tpu.dma_semaphore, #tpu.memory_space<semaphore_mem>>) src(%arg6 : memref<16x2048xf32, #tpu.memory_space<vmem>>) dst(%dma_wait3A_105 : memref<8192x2048xf32, #tpu.memory_space<hbm>>)
    %add3A_106 = arith.constant 112 : i32
    %add3A_107 = arith.addi %mul3A_2, %add3A_106 : i32
    "tpu.region"() ({
      %run_scoped3A = tpu.sem_alloc : memref<!tpu.dma_semaphore, #tpu.memory_space<semaphore_mem>>
      %dma_start3A_257 = arith.constant 0 : i32
      %dma_start3A_258 = tpu.memref_slice %arg2[%add3A_107, %dma_start3A_257] : memref<8192x2048xf32, #tpu.memory_space<hbm>> -> memref<16x2048xf32, #tpu.memory_space<hbm>>
      %dma_start3A_259 = arith.constant 0 : i32
      %dma_start3A_260 = tpu.memref_slice %arg2[%add3A_107, %dma_start3A_259] : memref<8192x2048xf32, #tpu.memory_space<hbm>> -> memref<16x2048xf32, #tpu.memory_space<hbm>>
      tpu.enqueue_dma source(%dma_start3A_260 : memref<16x2048xf32, #tpu.memory_space<hbm>>) target(%arg6 : memref<16x2048xf32, #tpu.memory_space<vmem>>) target_semaphore(%run_scoped3A : memref<!tpu.dma_semaphore, #tpu.memory_space<semaphore_mem>>)
      %dma_wait3A_261 = arith.constant 0 : i32
      %dma_wait3A_262 = tpu.memref_slice %arg2[%add3A_107, %dma_wait3A_261] : memref<8192x2048xf32, #tpu.memory_space<hbm>> -> memref<16x2048xf32, #tpu.memory_space<hbm>>
      %dma_wait3A_263 = arith.constant 0 : i32
      %dma_wait3A_264 = tpu.memref_slice %arg2[%add3A_107, %dma_wait3A_263] : memref<8192x2048xf32, #tpu.memory_space<hbm>> -> memref<16x2048xf32, #tpu.memory_space<hbm>>
      tpu.wait_dma2 semaphore(%run_scoped3A : memref<!tpu.dma_semaphore, #tpu.memory_space<semaphore_mem>>) src(%dma_wait3A_264 : memref<16x2048xf32, #tpu.memory_space<hbm>>) dst(%arg6 : memref<16x2048xf32, #tpu.memory_space<vmem>>)
      tpu.yield
    }) : () -> ()
    %dma_start3A_108 = arith.constant 7 : i32
    %dma_start3A_109 = arith.constant 0 : i32
    %dma_start3A_110 = tpu.memref_slice %arg7[%dma_start3A_108, %dma_start3A_109] : memref<16x16xi32, #tpu.memory_space<vmem>> -> memref<1x16xi32, #tpu.memory_space<vmem>>
    %dma_start3A_111 = tpu.memref_squeeze %dma_start3A_110 : memref<1x16xi32, #tpu.memory_space<vmem>> -> memref<16xi32, #tpu.memory_space<vmem>>
    %dma_start3A_112 = arith.constant 0 : i32
    %dma_start3A_113 = arith.constant 0 : i32
    %dma_start3A_114 = tpu.memref_slice %arg4[%dma_start3A_112, %dma_start3A_113] : memref<8192x2048xf32, #tpu.memory_space<hbm>> -> memref<8192x2048xf32, #tpu.memory_space<hbm>>
    tpu.enqueue_indirect_dma source(%arg6 : memref<16x2048xf32, #tpu.memory_space<vmem>>) target(%dma_start3A_114 : memref<8192x2048xf32, #tpu.memory_space<hbm>>) offsets(%dma_start3A_111 : memref<16xi32, #tpu.memory_space<vmem>>) semaphore(%arg9 : memref<!tpu.dma_semaphore, #tpu.memory_space<semaphore_mem>>)
    %dma_wait3A_115 = arith.constant 6 : i32
    %dma_wait3A_116 = arith.constant 0 : i32
    %dma_wait3A_117 = tpu.memref_slice %arg7[%dma_wait3A_115, %dma_wait3A_116] : memref<16x16xi32, #tpu.memory_space<vmem>> -> memref<1x16xi32, #tpu.memory_space<vmem>>
    %dma_wait3A_118 = tpu.memref_squeeze %dma_wait3A_117 : memref<1x16xi32, #tpu.memory_space<vmem>> -> memref<16xi32, #tpu.memory_space<vmem>>
    %dma_wait3A_119 = arith.constant 0 : i32
    %dma_wait3A_120 = arith.constant 0 : i32
    %dma_wait3A_121 = tpu.memref_slice %arg4[%dma_wait3A_119, %dma_wait3A_120] : memref<8192x2048xf32, #tpu.memory_space<hbm>> -> memref<8192x2048xf32, #tpu.memory_space<hbm>>
    tpu.wait_indirect_dma semaphore(%arg8 : memref<!tpu.dma_semaphore, #tpu.memory_space<semaphore_mem>>) src(%arg5 : memref<16x2048xf32, #tpu.memory_space<vmem>>) dst(%dma_wait3A_121 : memref<8192x2048xf32, #tpu.memory_space<hbm>>)
    %add3A_122 = arith.constant 128 : i32
    %add3A_123 = arith.addi %mul3A_2, %add3A_122 : i32
    "tpu.region"() ({
      %run_scoped3A = tpu.sem_alloc : memref<!tpu.dma_semaphore, #tpu.memory_space<semaphore_mem>>
      %dma_start3A_257 = arith.constant 0 : i32
      %dma_start3A_258 = tpu.memref_slice %arg2[%add3A_123, %dma_start3A_257] : memref<8192x2048xf32, #tpu.memory_space<hbm>> -> memref<16x2048xf32, #tpu.memory_space<hbm>>
      %dma_start3A_259 = arith.constant 0 : i32
      %dma_start3A_260 = tpu.memref_slice %arg2[%add3A_123, %dma_start3A_259] : memref<8192x2048xf32, #tpu.memory_space<hbm>> -> memref<16x2048xf32, #tpu.memory_space<hbm>>
      tpu.enqueue_dma source(%dma_start3A_260 : memref<16x2048xf32, #tpu.memory_space<hbm>>) target(%arg5 : memref<16x2048xf32, #tpu.memory_space<vmem>>) target_semaphore(%run_scoped3A : memref<!tpu.dma_semaphore, #tpu.memory_space<semaphore_mem>>)
      %dma_wait3A_261 = arith.constant 0 : i32
      %dma_wait3A_262 = tpu.memref_slice %arg2[%add3A_123, %dma_wait3A_261] : memref<8192x2048xf32, #tpu.memory_space<hbm>> -> memref<16x2048xf32, #tpu.memory_space<hbm>>
      %dma_wait3A_263 = arith.constant 0 : i32
      %dma_wait3A_264 = tpu.memref_slice %arg2[%add3A_123, %dma_wait3A_263] : memref<8192x2048xf32, #tpu.memory_space<hbm>> -> memref<16x2048xf32, #tpu.memory_space<hbm>>
      tpu.wait_dma2 semaphore(%run_scoped3A : memref<!tpu.dma_semaphore, #tpu.memory_space<semaphore_mem>>) src(%dma_wait3A_264 : memref<16x2048xf32, #tpu.memory_space<hbm>>) dst(%arg5 : memref<16x2048xf32, #tpu.memory_space<vmem>>)
      tpu.yield
    }) : () -> ()
    %dma_start3A_124 = arith.constant 8 : i32
    %dma_start3A_125 = arith.constant 0 : i32
    %dma_start3A_126 = tpu.memref_slice %arg7[%dma_start3A_124, %dma_start3A_125] : memref<16x16xi32, #tpu.memory_space<vmem>> -> memref<1x16xi32, #tpu.memory_space<vmem>>
    %dma_start3A_127 = tpu.memref_squeeze %dma_start3A_126 : memref<1x16xi32, #tpu.memory_space<vmem>> -> memref<16xi32, #tpu.memory_space<vmem>>
    %dma_start3A_128 = arith.constant 0 : i32
    %dma_start3A_129 = arith.constant 0 : i32
    %dma_start3A_130 = tpu.memref_slice %arg4[%dma_start3A_128, %dma_start3A_129] : memref<8192x2048xf32, #tpu.memory_space<hbm>> -> memref<8192x2048xf32, #tpu.memory_space<hbm>>
    tpu.enqueue_indirect_dma source(%arg5 : memref<16x2048xf32, #tpu.memory_space<vmem>>) target(%dma_start3A_130 : memref<8192x2048xf32, #tpu.memory_space<hbm>>) offsets(%dma_start3A_127 : memref<16xi32, #tpu.memory_space<vmem>>) semaphore(%arg8 : memref<!tpu.dma_semaphore, #tpu.memory_space<semaphore_mem>>)
    %dma_wait3A_131 = arith.constant 7 : i32
    %dma_wait3A_132 = arith.constant 0 : i32
    %dma_wait3A_133 = tpu.memref_slice %arg7[%dma_wait3A_131, %dma_wait3A_132] : memref<16x16xi32, #tpu.memory_space<vmem>> -> memref<1x16xi32, #tpu.memory_space<vmem>>
    %dma_wait3A_134 = tpu.memref_squeeze %dma_wait3A_133 : memref<1x16xi32, #tpu.memory_space<vmem>> -> memref<16xi32, #tpu.memory_space<vmem>>
    %dma_wait3A_135 = arith.constant 0 : i32
    %dma_wait3A_136 = arith.constant 0 : i32
    %dma_wait3A_137 = tpu.memref_slice %arg4[%dma_wait3A_135, %dma_wait3A_136] : memref<8192x2048xf32, #tpu.memory_space<hbm>> -> memref<8192x2048xf32, #tpu.memory_space<hbm>>
    tpu.wait_indirect_dma semaphore(%arg9 : memref<!tpu.dma_semaphore, #tpu.memory_space<semaphore_mem>>) src(%arg6 : memref<16x2048xf32, #tpu.memory_space<vmem>>) dst(%dma_wait3A_137 : memref<8192x2048xf32, #tpu.memory_space<hbm>>)
    %add3A_138 = arith.constant 144 : i32
    %add3A_139 = arith.addi %mul3A_2, %add3A_138 : i32
    "tpu.region"() ({
      %run_scoped3A = tpu.sem_alloc : memref<!tpu.dma_semaphore, #tpu.memory_space<semaphore_mem>>
      %dma_start3A_257 = arith.constant 0 : i32
      %dma_start3A_258 = tpu.memref_slice %arg2[%add3A_139, %dma_start3A_257] : memref<8192x2048xf32, #tpu.memory_space<hbm>> -> memref<16x2048xf32, #tpu.memory_space<hbm>>
      %dma_start3A_259 = arith.constant 0 : i32
      %dma_start3A_260 = tpu.memref_slice %arg2[%add3A_139, %dma_start3A_259] : memref<8192x2048xf32, #tpu.memory_space<hbm>> -> memref<16x2048xf32, #tpu.memory_space<hbm>>
      tpu.enqueue_dma source(%dma_start3A_260 : memref<16x2048xf32, #tpu.memory_space<hbm>>) target(%arg6 : memref<16x2048xf32, #tpu.memory_space<vmem>>) target_semaphore(%run_scoped3A : memref<!tpu.dma_semaphore, #tpu.memory_space<semaphore_mem>>)
      %dma_wait3A_261 = arith.constant 0 : i32
      %dma_wait3A_262 = tpu.memref_slice %arg2[%add3A_139, %dma_wait3A_261] : memref<8192x2048xf32, #tpu.memory_space<hbm>> -> memref<16x2048xf32, #tpu.memory_space<hbm>>
      %dma_wait3A_263 = arith.constant 0 : i32
      %dma_wait3A_264 = tpu.memref_slice %arg2[%add3A_139, %dma_wait3A_263] : memref<8192x2048xf32, #tpu.memory_space<hbm>> -> memref<16x2048xf32, #tpu.memory_space<hbm>>
      tpu.wait_dma2 semaphore(%run_scoped3A : memref<!tpu.dma_semaphore, #tpu.memory_space<semaphore_mem>>) src(%dma_wait3A_264 : memref<16x2048xf32, #tpu.memory_space<hbm>>) dst(%arg6 : memref<16x2048xf32, #tpu.memory_space<vmem>>)
      tpu.yield
    }) : () -> ()
    %dma_start3A_140 = arith.constant 9 : i32
    %dma_start3A_141 = arith.constant 0 : i32
    %dma_start3A_142 = tpu.memref_slice %arg7[%dma_start3A_140, %dma_start3A_141] : memref<16x16xi32, #tpu.memory_space<vmem>> -> memref<1x16xi32, #tpu.memory_space<vmem>>
    %dma_start3A_143 = tpu.memref_squeeze %dma_start3A_142 : memref<1x16xi32, #tpu.memory_space<vmem>> -> memref<16xi32, #tpu.memory_space<vmem>>
    %dma_start3A_144 = arith.constant 0 : i32
    %dma_start3A_145 = arith.constant 0 : i32
    %dma_start3A_146 = tpu.memref_slice %arg4[%dma_start3A_144, %dma_start3A_145] : memref<8192x2048xf32, #tpu.memory_space<hbm>> -> memref<8192x2048xf32, #tpu.memory_space<hbm>>
    tpu.enqueue_indirect_dma source(%arg6 : memref<16x2048xf32, #tpu.memory_space<vmem>>) target(%dma_start3A_146 : memref<8192x2048xf32, #tpu.memory_space<hbm>>) offsets(%dma_start3A_143 : memref<16xi32, #tpu.memory_space<vmem>>) semaphore(%arg9 : memref<!tpu.dma_semaphore, #tpu.memory_space<semaphore_mem>>)
    %dma_wait3A_147 = arith.constant 8 : i32
    %dma_wait3A_148 = arith.constant 0 : i32
    %dma_wait3A_149 = tpu.memref_slice %arg7[%dma_wait3A_147, %dma_wait3A_148] : memref<16x16xi32, #tpu.memory_space<vmem>> -> memref<1x16xi32, #tpu.memory_space<vmem>>
    %dma_wait3A_150 = tpu.memref_squeeze %dma_wait3A_149 : memref<1x16xi32, #tpu.memory_space<vmem>> -> memref<16xi32, #tpu.memory_space<vmem>>
    %dma_wait3A_151 = arith.constant 0 : i32
    %dma_wait3A_152 = arith.constant 0 : i32
    %dma_wait3A_153 = tpu.memref_slice %arg4[%dma_wait3A_151, %dma_wait3A_152] : memref<8192x2048xf32, #tpu.memory_space<hbm>> -> memref<8192x2048xf32, #tpu.memory_space<hbm>>
    tpu.wait_indirect_dma semaphore(%arg8 : memref<!tpu.dma_semaphore, #tpu.memory_space<semaphore_mem>>) src(%arg5 : memref<16x2048xf32, #tpu.memory_space<vmem>>) dst(%dma_wait3A_153 : memref<8192x2048xf32, #tpu.memory_space<hbm>>)
    %add3A_154 = arith.constant 160 : i32
    %add3A_155 = arith.addi %mul3A_2, %add3A_154 : i32
    "tpu.region"() ({
      %run_scoped3A = tpu.sem_alloc : memref<!tpu.dma_semaphore, #tpu.memory_space<semaphore_mem>>
      %dma_start3A_257 = arith.constant 0 : i32
      %dma_start3A_258 = tpu.memref_slice %arg2[%add3A_155, %dma_start3A_257] : memref<8192x2048xf32, #tpu.memory_space<hbm>> -> memref<16x2048xf32, #tpu.memory_space<hbm>>
      %dma_start3A_259 = arith.constant 0 : i32
      %dma_start3A_260 = tpu.memref_slice %arg2[%add3A_155, %dma_start3A_259] : memref<8192x2048xf32, #tpu.memory_space<hbm>> -> memref<16x2048xf32, #tpu.memory_space<hbm>>
      tpu.enqueue_dma source(%dma_start3A_260 : memref<16x2048xf32, #tpu.memory_space<hbm>>) target(%arg5 : memref<16x2048xf32, #tpu.memory_space<vmem>>) target_semaphore(%run_scoped3A : memref<!tpu.dma_semaphore, #tpu.memory_space<semaphore_mem>>)
      %dma_wait3A_261 = arith.constant 0 : i32
      %dma_wait3A_262 = tpu.memref_slice %arg2[%add3A_155, %dma_wait3A_261] : memref<8192x2048xf32, #tpu.memory_space<hbm>> -> memref<16x2048xf32, #tpu.memory_space<hbm>>
      %dma_wait3A_263 = arith.constant 0 : i32
      %dma_wait3A_264 = tpu.memref_slice %arg2[%add3A_155, %dma_wait3A_263] : memref<8192x2048xf32, #tpu.memory_space<hbm>> -> memref<16x2048xf32, #tpu.memory_space<hbm>>
      tpu.wait_dma2 semaphore(%run_scoped3A : memref<!tpu.dma_semaphore, #tpu.memory_space<semaphore_mem>>) src(%dma_wait3A_264 : memref<16x2048xf32, #tpu.memory_space<hbm>>) dst(%arg5 : memref<16x2048xf32, #tpu.memory_space<vmem>>)
      tpu.yield
    }) : () -> ()
    %dma_start3A_156 = arith.constant 10 : i32
    %dma_start3A_157 = arith.constant 0 : i32
    %dma_start3A_158 = tpu.memref_slice %arg7[%dma_start3A_156, %dma_start3A_157] : memref<16x16xi32, #tpu.memory_space<vmem>> -> memref<1x16xi32, #tpu.memory_space<vmem>>
    %dma_start3A_159 = tpu.memref_squeeze %dma_start3A_158 : memref<1x16xi32, #tpu.memory_space<vmem>> -> memref<16xi32, #tpu.memory_space<vmem>>
    %dma_start3A_160 = arith.constant 0 : i32
    %dma_start3A_161 = arith.constant 0 : i32
    %dma_start3A_162 = tpu.memref_slice %arg4[%dma_start3A_160, %dma_start3A_161] : memref<8192x2048xf32, #tpu.memory_space<hbm>> -> memref<8192x2048xf32, #tpu.memory_space<hbm>>
    tpu.enqueue_indirect_dma source(%arg5 : memref<16x2048xf32, #tpu.memory_space<vmem>>) target(%dma_start3A_162 : memref<8192x2048xf32, #tpu.memory_space<hbm>>) offsets(%dma_start3A_159 : memref<16xi32, #tpu.memory_space<vmem>>) semaphore(%arg8 : memref<!tpu.dma_semaphore, #tpu.memory_space<semaphore_mem>>)
    %dma_wait3A_163 = arith.constant 9 : i32
    %dma_wait3A_164 = arith.constant 0 : i32
    %dma_wait3A_165 = tpu.memref_slice %arg7[%dma_wait3A_163, %dma_wait3A_164] : memref<16x16xi32, #tpu.memory_space<vmem>> -> memref<1x16xi32, #tpu.memory_space<vmem>>
    %dma_wait3A_166 = tpu.memref_squeeze %dma_wait3A_165 : memref<1x16xi32, #tpu.memory_space<vmem>> -> memref<16xi32, #tpu.memory_space<vmem>>
    %dma_wait3A_167 = arith.constant 0 : i32
    %dma_wait3A_168 = arith.constant 0 : i32
    %dma_wait3A_169 = tpu.memref_slice %arg4[%dma_wait3A_167, %dma_wait3A_168] : memref<8192x2048xf32, #tpu.memory_space<hbm>> -> memref<8192x2048xf32, #tpu.memory_space<hbm>>
    tpu.wait_indirect_dma semaphore(%arg9 : memref<!tpu.dma_semaphore, #tpu.memory_space<semaphore_mem>>) src(%arg6 : memref<16x2048xf32, #tpu.memory_space<vmem>>) dst(%dma_wait3A_169 : memref<8192x2048xf32, #tpu.memory_space<hbm>>)
    %add3A_170 = arith.constant 176 : i32
    %add3A_171 = arith.addi %mul3A_2, %add3A_170 : i32
    "tpu.region"() ({
      %run_scoped3A = tpu.sem_alloc : memref<!tpu.dma_semaphore, #tpu.memory_space<semaphore_mem>>
      %dma_start3A_257 = arith.constant 0 : i32
      %dma_start3A_258 = tpu.memref_slice %arg2[%add3A_171, %dma_start3A_257] : memref<8192x2048xf32, #tpu.memory_space<hbm>> -> memref<16x2048xf32, #tpu.memory_space<hbm>>
      %dma_start3A_259 = arith.constant 0 : i32
      %dma_start3A_260 = tpu.memref_slice %arg2[%add3A_171, %dma_start3A_259] : memref<8192x2048xf32, #tpu.memory_space<hbm>> -> memref<16x2048xf32, #tpu.memory_space<hbm>>
      tpu.enqueue_dma source(%dma_start3A_260 : memref<16x2048xf32, #tpu.memory_space<hbm>>) target(%arg6 : memref<16x2048xf32, #tpu.memory_space<vmem>>) target_semaphore(%run_scoped3A : memref<!tpu.dma_semaphore, #tpu.memory_space<semaphore_mem>>)
      %dma_wait3A_261 = arith.constant 0 : i32
      %dma_wait3A_262 = tpu.memref_slice %arg2[%add3A_171, %dma_wait3A_261] : memref<8192x2048xf32, #tpu.memory_space<hbm>> -> memref<16x2048xf32, #tpu.memory_space<hbm>>
      %dma_wait3A_263 = arith.constant 0 : i32
      %dma_wait3A_264 = tpu.memref_slice %arg2[%add3A_171, %dma_wait3A_263] : memref<8192x2048xf32, #tpu.memory_space<hbm>> -> memref<16x2048xf32, #tpu.memory_space<hbm>>
      tpu.wait_dma2 semaphore(%run_scoped3A : memref<!tpu.dma_semaphore, #tpu.memory_space<semaphore_mem>>) src(%dma_wait3A_264 : memref<16x2048xf32, #tpu.memory_space<hbm>>) dst(%arg6 : memref<16x2048xf32, #tpu.memory_space<vmem>>)
      tpu.yield
    }) : () -> ()
    %dma_start3A_172 = arith.constant 11 : i32
    %dma_start3A_173 = arith.constant 0 : i32
    %dma_start3A_174 = tpu.memref_slice %arg7[%dma_start3A_172, %dma_start3A_173] : memref<16x16xi32, #tpu.memory_space<vmem>> -> memref<1x16xi32, #tpu.memory_space<vmem>>
    %dma_start3A_175 = tpu.memref_squeeze %dma_start3A_174 : memref<1x16xi32, #tpu.memory_space<vmem>> -> memref<16xi32, #tpu.memory_space<vmem>>
    %dma_start3A_176 = arith.constant 0 : i32
    %dma_start3A_177 = arith.constant 0 : i32
    %dma_start3A_178 = tpu.memref_slice %arg4[%dma_start3A_176, %dma_start3A_177] : memref<8192x2048xf32, #tpu.memory_space<hbm>> -> memref<8192x2048xf32, #tpu.memory_space<hbm>>
    tpu.enqueue_indirect_dma source(%arg6 : memref<16x2048xf32, #tpu.memory_space<vmem>>) target(%dma_start3A_178 : memref<8192x2048xf32, #tpu.memory_space<hbm>>) offsets(%dma_start3A_175 : memref<16xi32, #tpu.memory_space<vmem>>) semaphore(%arg9 : memref<!tpu.dma_semaphore, #tpu.memory_space<semaphore_mem>>)
    %dma_wait3A_179 = arith.constant 10 : i32
    %dma_wait3A_180 = arith.constant 0 : i32
    %dma_wait3A_181 = tpu.memref_slice %arg7[%dma_wait3A_179, %dma_wait3A_180] : memref<16x16xi32, #tpu.memory_space<vmem>> -> memref<1x16xi32, #tpu.memory_space<vmem>>
    %dma_wait3A_182 = tpu.memref_squeeze %dma_wait3A_181 : memref<1x16xi32, #tpu.memory_space<vmem>> -> memref<16xi32, #tpu.memory_space<vmem>>
    %dma_wait3A_183 = arith.constant 0 : i32
    %dma_wait3A_184 = arith.constant 0 : i32
    %dma_wait3A_185 = tpu.memref_slice %arg4[%dma_wait3A_183, %dma_wait3A_184] : memref<8192x2048xf32, #tpu.memory_space<hbm>> -> memref<8192x2048xf32, #tpu.memory_space<hbm>>
    tpu.wait_indirect_dma semaphore(%arg8 : memref<!tpu.dma_semaphore, #tpu.memory_space<semaphore_mem>>) src(%arg5 : memref<16x2048xf32, #tpu.memory_space<vmem>>) dst(%dma_wait3A_185 : memref<8192x2048xf32, #tpu.memory_space<hbm>>)
    %add3A_186 = arith.constant 192 : i32
    %add3A_187 = arith.addi %mul3A_2, %add3A_186 : i32
    "tpu.region"() ({
      %run_scoped3A = tpu.sem_alloc : memref<!tpu.dma_semaphore, #tpu.memory_space<semaphore_mem>>
      %dma_start3A_257 = arith.constant 0 : i32
      %dma_start3A_258 = tpu.memref_slice %arg2[%add3A_187, %dma_start3A_257] : memref<8192x2048xf32, #tpu.memory_space<hbm>> -> memref<16x2048xf32, #tpu.memory_space<hbm>>
      %dma_start3A_259 = arith.constant 0 : i32
      %dma_start3A_260 = tpu.memref_slice %arg2[%add3A_187, %dma_start3A_259] : memref<8192x2048xf32, #tpu.memory_space<hbm>> -> memref<16x2048xf32, #tpu.memory_space<hbm>>
      tpu.enqueue_dma source(%dma_start3A_260 : memref<16x2048xf32, #tpu.memory_space<hbm>>) target(%arg5 : memref<16x2048xf32, #tpu.memory_space<vmem>>) target_semaphore(%run_scoped3A : memref<!tpu.dma_semaphore, #tpu.memory_space<semaphore_mem>>)
      %dma_wait3A_261 = arith.constant 0 : i32
      %dma_wait3A_262 = tpu.memref_slice %arg2[%add3A_187, %dma_wait3A_261] : memref<8192x2048xf32, #tpu.memory_space<hbm>> -> memref<16x2048xf32, #tpu.memory_space<hbm>>
      %dma_wait3A_263 = arith.constant 0 : i32
      %dma_wait3A_264 = tpu.memref_slice %arg2[%add3A_187, %dma_wait3A_263] : memref<8192x2048xf32, #tpu.memory_space<hbm>> -> memref<16x2048xf32, #tpu.memory_space<hbm>>
      tpu.wait_dma2 semaphore(%run_scoped3A : memref<!tpu.dma_semaphore, #tpu.memory_space<semaphore_mem>>) src(%dma_wait3A_264 : memref<16x2048xf32, #tpu.memory_space<hbm>>) dst(%arg5 : memref<16x2048xf32, #tpu.memory_space<vmem>>)
      tpu.yield
    }) : () -> ()
    %dma_start3A_188 = arith.constant 12 : i32
    %dma_start3A_189 = arith.constant 0 : i32
    %dma_start3A_190 = tpu.memref_slice %arg7[%dma_start3A_188, %dma_start3A_189] : memref<16x16xi32, #tpu.memory_space<vmem>> -> memref<1x16xi32, #tpu.memory_space<vmem>>
    %dma_start3A_191 = tpu.memref_squeeze %dma_start3A_190 : memref<1x16xi32, #tpu.memory_space<vmem>> -> memref<16xi32, #tpu.memory_space<vmem>>
    %dma_start3A_192 = arith.constant 0 : i32
    %dma_start3A_193 = arith.constant 0 : i32
    %dma_start3A_194 = tpu.memref_slice %arg4[%dma_start3A_192, %dma_start3A_193] : memref<8192x2048xf32, #tpu.memory_space<hbm>> -> memref<8192x2048xf32, #tpu.memory_space<hbm>>
    tpu.enqueue_indirect_dma source(%arg5 : memref<16x2048xf32, #tpu.memory_space<vmem>>) target(%dma_start3A_194 : memref<8192x2048xf32, #tpu.memory_space<hbm>>) offsets(%dma_start3A_191 : memref<16xi32, #tpu.memory_space<vmem>>) semaphore(%arg8 : memref<!tpu.dma_semaphore, #tpu.memory_space<semaphore_mem>>)
    %dma_wait3A_195 = arith.constant 11 : i32
    %dma_wait3A_196 = arith.constant 0 : i32
    %dma_wait3A_197 = tpu.memref_slice %arg7[%dma_wait3A_195, %dma_wait3A_196] : memref<16x16xi32, #tpu.memory_space<vmem>> -> memref<1x16xi32, #tpu.memory_space<vmem>>
    %dma_wait3A_198 = tpu.memref_squeeze %dma_wait3A_197 : memref<1x16xi32, #tpu.memory_space<vmem>> -> memref<16xi32, #tpu.memory_space<vmem>>
    %dma_wait3A_199 = arith.constant 0 : i32
    %dma_wait3A_200 = arith.constant 0 : i32
    %dma_wait3A_201 = tpu.memref_slice %arg4[%dma_wait3A_199, %dma_wait3A_200] : memref<8192x2048xf32, #tpu.memory_space<hbm>> -> memref<8192x2048xf32, #tpu.memory_space<hbm>>
    tpu.wait_indirect_dma semaphore(%arg9 : memref<!tpu.dma_semaphore, #tpu.memory_space<semaphore_mem>>) src(%arg6 : memref<16x2048xf32, #tpu.memory_space<vmem>>) dst(%dma_wait3A_201 : memref<8192x2048xf32, #tpu.memory_space<hbm>>)
    %add3A_202 = arith.constant 208 : i32
    %add3A_203 = arith.addi %mul3A_2, %add3A_202 : i32
    "tpu.region"() ({
      %run_scoped3A = tpu.sem_alloc : memref<!tpu.dma_semaphore, #tpu.memory_space<semaphore_mem>>
      %dma_start3A_257 = arith.constant 0 : i32
      %dma_start3A_258 = tpu.memref_slice %arg2[%add3A_203, %dma_start3A_257] : memref<8192x2048xf32, #tpu.memory_space<hbm>> -> memref<16x2048xf32, #tpu.memory_space<hbm>>
      %dma_start3A_259 = arith.constant 0 : i32
      %dma_start3A_260 = tpu.memref_slice %arg2[%add3A_203, %dma_start3A_259] : memref<8192x2048xf32, #tpu.memory_space<hbm>> -> memref<16x2048xf32, #tpu.memory_space<hbm>>
      tpu.enqueue_dma source(%dma_start3A_260 : memref<16x2048xf32, #tpu.memory_space<hbm>>) target(%arg6 : memref<16x2048xf32, #tpu.memory_space<vmem>>) target_semaphore(%run_scoped3A : memref<!tpu.dma_semaphore, #tpu.memory_space<semaphore_mem>>)
      %dma_wait3A_261 = arith.constant 0 : i32
      %dma_wait3A_262 = tpu.memref_slice %arg2[%add3A_203, %dma_wait3A_261] : memref<8192x2048xf32, #tpu.memory_space<hbm>> -> memref<16x2048xf32, #tpu.memory_space<hbm>>
      %dma_wait3A_263 = arith.constant 0 : i32
      %dma_wait3A_264 = tpu.memref_slice %arg2[%add3A_203, %dma_wait3A_263] : memref<8192x2048xf32, #tpu.memory_space<hbm>> -> memref<16x2048xf32, #tpu.memory_space<hbm>>
      tpu.wait_dma2 semaphore(%run_scoped3A : memref<!tpu.dma_semaphore, #tpu.memory_space<semaphore_mem>>) src(%dma_wait3A_264 : memref<16x2048xf32, #tpu.memory_space<hbm>>) dst(%arg6 : memref<16x2048xf32, #tpu.memory_space<vmem>>)
      tpu.yield
    }) : () -> ()
    %dma_start3A_204 = arith.constant 13 : i32
    %dma_start3A_205 = arith.constant 0 : i32
    %dma_start3A_206 = tpu.memref_slice %arg7[%dma_start3A_204, %dma_start3A_205] : memref<16x16xi32, #tpu.memory_space<vmem>> -> memref<1x16xi32, #tpu.memory_space<vmem>>
    %dma_start3A_207 = tpu.memref_squeeze %dma_start3A_206 : memref<1x16xi32, #tpu.memory_space<vmem>> -> memref<16xi32, #tpu.memory_space<vmem>>
    %dma_start3A_208 = arith.constant 0 : i32
    %dma_start3A_209 = arith.constant 0 : i32
    %dma_start3A_210 = tpu.memref_slice %arg4[%dma_start3A_208, %dma_start3A_209] : memref<8192x2048xf32, #tpu.memory_space<hbm>> -> memref<8192x2048xf32, #tpu.memory_space<hbm>>
    tpu.enqueue_indirect_dma source(%arg6 : memref<16x2048xf32, #tpu.memory_space<vmem>>) target(%dma_start3A_210 : memref<8192x2048xf32, #tpu.memory_space<hbm>>) offsets(%dma_start3A_207 : memref<16xi32, #tpu.memory_space<vmem>>) semaphore(%arg9 : memref<!tpu.dma_semaphore, #tpu.memory_space<semaphore_mem>>)
    %dma_wait3A_211 = arith.constant 12 : i32
    %dma_wait3A_212 = arith.constant 0 : i32
    %dma_wait3A_213 = tpu.memref_slice %arg7[%dma_wait3A_211, %dma_wait3A_212] : memref<16x16xi32, #tpu.memory_space<vmem>> -> memref<1x16xi32, #tpu.memory_space<vmem>>
    %dma_wait3A_214 = tpu.memref_squeeze %dma_wait3A_213 : memref<1x16xi32, #tpu.memory_space<vmem>> -> memref<16xi32, #tpu.memory_space<vmem>>
    %dma_wait3A_215 = arith.constant 0 : i32
    %dma_wait3A_216 = arith.constant 0 : i32
    %dma_wait3A_217 = tpu.memref_slice %arg4[%dma_wait3A_215, %dma_wait3A_216] : memref<8192x2048xf32, #tpu.memory_space<hbm>> -> memref<8192x2048xf32, #tpu.memory_space<hbm>>
    tpu.wait_indirect_dma semaphore(%arg8 : memref<!tpu.dma_semaphore, #tpu.memory_space<semaphore_mem>>) src(%arg5 : memref<16x2048xf32, #tpu.memory_space<vmem>>) dst(%dma_wait3A_217 : memref<8192x2048xf32, #tpu.memory_space<hbm>>)
    %add3A_218 = arith.constant 224 : i32
    %add3A_219 = arith.addi %mul3A_2, %add3A_218 : i32
    "tpu.region"() ({
      %run_scoped3A = tpu.sem_alloc : memref<!tpu.dma_semaphore, #tpu.memory_space<semaphore_mem>>
      %dma_start3A_257 = arith.constant 0 : i32
      %dma_start3A_258 = tpu.memref_slice %arg2[%add3A_219, %dma_start3A_257] : memref<8192x2048xf32, #tpu.memory_space<hbm>> -> memref<16x2048xf32, #tpu.memory_space<hbm>>
      %dma_start3A_259 = arith.constant 0 : i32
      %dma_start3A_260 = tpu.memref_slice %arg2[%add3A_219, %dma_start3A_259] : memref<8192x2048xf32, #tpu.memory_space<hbm>> -> memref<16x2048xf32, #tpu.memory_space<hbm>>
      tpu.enqueue_dma source(%dma_start3A_260 : memref<16x2048xf32, #tpu.memory_space<hbm>>) target(%arg5 : memref<16x2048xf32, #tpu.memory_space<vmem>>) target_semaphore(%run_scoped3A : memref<!tpu.dma_semaphore, #tpu.memory_space<semaphore_mem>>)
      %dma_wait3A_261 = arith.constant 0 : i32
      %dma_wait3A_262 = tpu.memref_slice %arg2[%add3A_219, %dma_wait3A_261] : memref<8192x2048xf32, #tpu.memory_space<hbm>> -> memref<16x2048xf32, #tpu.memory_space<hbm>>
      %dma_wait3A_263 = arith.constant 0 : i32
      %dma_wait3A_264 = tpu.memref_slice %arg2[%add3A_219, %dma_wait3A_263] : memref<8192x2048xf32, #tpu.memory_space<hbm>> -> memref<16x2048xf32, #tpu.memory_space<hbm>>
      tpu.wait_dma2 semaphore(%run_scoped3A : memref<!tpu.dma_semaphore, #tpu.memory_space<semaphore_mem>>) src(%dma_wait3A_264 : memref<16x2048xf32, #tpu.memory_space<hbm>>) dst(%arg5 : memref<16x2048xf32, #tpu.memory_space<vmem>>)
      tpu.yield
    }) : () -> ()
    %dma_start3A_220 = arith.constant 14 : i32
    %dma_start3A_221 = arith.constant 0 : i32
    %dma_start3A_222 = tpu.memref_slice %arg7[%dma_start3A_220, %dma_start3A_221] : memref<16x16xi32, #tpu.memory_space<vmem>> -> memref<1x16xi32, #tpu.memory_space<vmem>>
    %dma_start3A_223 = tpu.memref_squeeze %dma_start3A_222 : memref<1x16xi32, #tpu.memory_space<vmem>> -> memref<16xi32, #tpu.memory_space<vmem>>
    %dma_start3A_224 = arith.constant 0 : i32
    %dma_start3A_225 = arith.constant 0 : i32
    %dma_start3A_226 = tpu.memref_slice %arg4[%dma_start3A_224, %dma_start3A_225] : memref<8192x2048xf32, #tpu.memory_space<hbm>> -> memref<8192x2048xf32, #tpu.memory_space<hbm>>
    tpu.enqueue_indirect_dma source(%arg5 : memref<16x2048xf32, #tpu.memory_space<vmem>>) target(%dma_start3A_226 : memref<8192x2048xf32, #tpu.memory_space<hbm>>) offsets(%dma_start3A_223 : memref<16xi32, #tpu.memory_space<vmem>>) semaphore(%arg8 : memref<!tpu.dma_semaphore, #tpu.memory_space<semaphore_mem>>)
    %dma_wait3A_227 = arith.constant 13 : i32
    %dma_wait3A_228 = arith.constant 0 : i32
    %dma_wait3A_229 = tpu.memref_slice %arg7[%dma_wait3A_227, %dma_wait3A_228] : memref<16x16xi32, #tpu.memory_space<vmem>> -> memref<1x16xi32, #tpu.memory_space<vmem>>
    %dma_wait3A_230 = tpu.memref_squeeze %dma_wait3A_229 : memref<1x16xi32, #tpu.memory_space<vmem>> -> memref<16xi32, #tpu.memory_space<vmem>>
    %dma_wait3A_231 = arith.constant 0 : i32
    %dma_wait3A_232 = arith.constant 0 : i32
    %dma_wait3A_233 = tpu.memref_slice %arg4[%dma_wait3A_231, %dma_wait3A_232] : memref<8192x2048xf32, #tpu.memory_space<hbm>> -> memref<8192x2048xf32, #tpu.memory_space<hbm>>
    tpu.wait_indirect_dma semaphore(%arg9 : memref<!tpu.dma_semaphore, #tpu.memory_space<semaphore_mem>>) src(%arg6 : memref<16x2048xf32, #tpu.memory_space<vmem>>) dst(%dma_wait3A_233 : memref<8192x2048xf32, #tpu.memory_space<hbm>>)
    %add3A_234 = arith.constant 240 : i32
    %add3A_235 = arith.addi %mul3A_2, %add3A_234 : i32
    "tpu.region"() ({
      %run_scoped3A = tpu.sem_alloc : memref<!tpu.dma_semaphore, #tpu.memory_space<semaphore_mem>>
      %dma_start3A_257 = arith.constant 0 : i32
      %dma_start3A_258 = tpu.memref_slice %arg2[%add3A_235, %dma_start3A_257] : memref<8192x2048xf32, #tpu.memory_space<hbm>> -> memref<16x2048xf32, #tpu.memory_space<hbm>>
      %dma_start3A_259 = arith.constant 0 : i32
      %dma_start3A_260 = tpu.memref_slice %arg2[%add3A_235, %dma_start3A_259] : memref<8192x2048xf32, #tpu.memory_space<hbm>> -> memref<16x2048xf32, #tpu.memory_space<hbm>>
      tpu.enqueue_dma source(%dma_start3A_260 : memref<16x2048xf32, #tpu.memory_space<hbm>>) target(%arg6 : memref<16x2048xf32, #tpu.memory_space<vmem>>) target_semaphore(%run_scoped3A : memref<!tpu.dma_semaphore, #tpu.memory_space<semaphore_mem>>)
      %dma_wait3A_261 = arith.constant 0 : i32
      %dma_wait3A_262 = tpu.memref_slice %arg2[%add3A_235, %dma_wait3A_261] : memref<8192x2048xf32, #tpu.memory_space<hbm>> -> memref<16x2048xf32, #tpu.memory_space<hbm>>
      %dma_wait3A_263 = arith.constant 0 : i32
      %dma_wait3A_264 = tpu.memref_slice %arg2[%add3A_235, %dma_wait3A_263] : memref<8192x2048xf32, #tpu.memory_space<hbm>> -> memref<16x2048xf32, #tpu.memory_space<hbm>>
      tpu.wait_dma2 semaphore(%run_scoped3A : memref<!tpu.dma_semaphore, #tpu.memory_space<semaphore_mem>>) src(%dma_wait3A_264 : memref<16x2048xf32, #tpu.memory_space<hbm>>) dst(%arg6 : memref<16x2048xf32, #tpu.memory_space<vmem>>)
      tpu.yield
    }) : () -> ()
    %dma_start3A_236 = arith.constant 15 : i32
    %dma_start3A_237 = arith.constant 0 : i32
    %dma_start3A_238 = tpu.memref_slice %arg7[%dma_start3A_236, %dma_start3A_237] : memref<16x16xi32, #tpu.memory_space<vmem>> -> memref<1x16xi32, #tpu.memory_space<vmem>>
    %dma_start3A_239 = tpu.memref_squeeze %dma_start3A_238 : memref<1x16xi32, #tpu.memory_space<vmem>> -> memref<16xi32, #tpu.memory_space<vmem>>
    %dma_start3A_240 = arith.constant 0 : i32
    %dma_start3A_241 = arith.constant 0 : i32
    %dma_start3A_242 = tpu.memref_slice %arg4[%dma_start3A_240, %dma_start3A_241] : memref<8192x2048xf32, #tpu.memory_space<hbm>> -> memref<8192x2048xf32, #tpu.memory_space<hbm>>
    tpu.enqueue_indirect_dma source(%arg6 : memref<16x2048xf32, #tpu.memory_space<vmem>>) target(%dma_start3A_242 : memref<8192x2048xf32, #tpu.memory_space<hbm>>) offsets(%dma_start3A_239 : memref<16xi32, #tpu.memory_space<vmem>>) semaphore(%arg9 : memref<!tpu.dma_semaphore, #tpu.memory_space<semaphore_mem>>)
    %dma_wait3A_243 = arith.constant 14 : i32
    %dma_wait3A_244 = arith.constant 0 : i32
    %dma_wait3A_245 = tpu.memref_slice %arg7[%dma_wait3A_243, %dma_wait3A_244] : memref<16x16xi32, #tpu.memory_space<vmem>> -> memref<1x16xi32, #tpu.memory_space<vmem>>
    %dma_wait3A_246 = tpu.memref_squeeze %dma_wait3A_245 : memref<1x16xi32, #tpu.memory_space<vmem>> -> memref<16xi32, #tpu.memory_space<vmem>>
    %dma_wait3A_247 = arith.constant 0 : i32
    %dma_wait3A_248 = arith.constant 0 : i32
    %dma_wait3A_249 = tpu.memref_slice %arg4[%dma_wait3A_247, %dma_wait3A_248] : memref<8192x2048xf32, #tpu.memory_space<hbm>> -> memref<8192x2048xf32, #tpu.memory_space<hbm>>
    tpu.wait_indirect_dma semaphore(%arg8 : memref<!tpu.dma_semaphore, #tpu.memory_space<semaphore_mem>>) src(%arg5 : memref<16x2048xf32, #tpu.memory_space<vmem>>) dst(%dma_wait3A_249 : memref<8192x2048xf32, #tpu.memory_space<hbm>>)
    %dma_wait3A_250 = arith.constant 15 : i32
    %dma_wait3A_251 = arith.constant 0 : i32
    %dma_wait3A_252 = tpu.memref_slice %arg7[%dma_wait3A_250, %dma_wait3A_251] : memref<16x16xi32, #tpu.memory_space<vmem>> -> memref<1x16xi32, #tpu.memory_space<vmem>>
    %dma_wait3A_253 = tpu.memref_squeeze %dma_wait3A_252 : memref<1x16xi32, #tpu.memory_space<vmem>> -> memref<16xi32, #tpu.memory_space<vmem>>
    %dma_wait3A_254 = arith.constant 0 : i32
    %dma_wait3A_255 = arith.constant 0 : i32
    %dma_wait3A_256 = tpu.memref_slice %arg4[%dma_wait3A_254, %dma_wait3A_255] : memref<8192x2048xf32, #tpu.memory_space<hbm>> -> memref<8192x2048xf32, #tpu.memory_space<hbm>>
    tpu.wait_indirect_dma semaphore(%arg9 : memref<!tpu.dma_semaphore, #tpu.memory_space<semaphore_mem>>) src(%arg6 : memref<16x2048xf32, #tpu.memory_space<vmem>>) dst(%dma_wait3A_256 : memref<8192x2048xf32, #tpu.memory_space<hbm>>)
    return
  }
}

module attributes {stable_mosaic.version = 14 : i64} {
  func.func @_routing_body(%arg0: memref<64x128xi32, #tpu.memory_space<vmem>>, %arg1: memref<64x128xi32, #tpu.memory_space<vmem>>, %arg2: memref<2x8xi32, #tpu.memory_space<smem>>, %arg3: memref<2x23xi32, #tpu.memory_space<smem>>) attributes {dimension_semantics = [], scalar_prefetch = 0 : i64, scratch_operands = 0 : i64, tpu.core_type = #tpu.core_type<tc>} {
    %get3A = arith.constant 0 : index
    %get3A_0 = arith.constant 0 : index
    %get3A_1 = vector.load %arg0[%get3A, %get3A_0] : memref<64x128xi32, #tpu.memory_space<vmem>>, vector<64x128xi32>
    %jit3A = arith.constant 0 : i32
    %jit3A_2 = arith.constant 7 : i32
    %max3A = vector.broadcast %jit3A : i32 to vector<64x128xi32>
    %max3A_3 = arith.maxsi %max3A, %get3A_1 : vector<64x128xi32>
    %min3A = vector.broadcast %jit3A_2 : i32 to vector<64x128xi32>
    %min3A_4 = arith.minsi %min3A, %max3A_3 : vector<64x128xi32>
    %iota3A = tpu.iota {dimensions = array<i32: 0>} : vector<128x128xi32>
    %iota3A_5 = tpu.iota {dimensions = array<i32: 1>} : vector<128x128xi32>
    %lt3A = arith.cmpi slt, %iota3A, %iota3A_5 : vector<128x128xi32>
    %convert_element_type3A = arith.extui %lt3A : vector<128x128xi1> to vector<128x128xi32>
    %convert_element_type3A_6 = arith.sitofp %convert_element_type3A : vector<128x128xi32> to vector<128x128xf32>
    %iota3A_7 = tpu.iota {dimensions = array<i32: 0>} : vector<64x64xi32>
    %iota3A_8 = tpu.iota {dimensions = array<i32: 1>} : vector<64x64xi32>
    %gt3A = arith.cmpi sgt, %iota3A_7, %iota3A_8 : vector<64x64xi32>
    %convert_element_type3A_9 = arith.extui %gt3A : vector<64x64xi1> to vector<64x64xi32>
    %convert_element_type3A_10 = arith.sitofp %convert_element_type3A_9 : vector<64x64xi32> to vector<64x64xf32>
    %broadcast_in_dim3A = arith.constant 0 : i32
    %broadcast_in_dim3A_11 = vector.broadcast %broadcast_in_dim3A : i32 to vector<64x128xi32>
    %eq3A = arith.constant 0 : i32
    %eq3A_12 = vector.broadcast %eq3A : i32 to vector<64x128xi32>
    %eq3A_13 = arith.cmpi eq, %min3A_4, %eq3A_12 : vector<64x128xi32>
    %convert_element_type3A_14 = arith.extui %eq3A_13 : vector<64x128xi1> to vector<64x128xi32>
    %convert_element_type3A_15 = arith.sitofp %convert_element_type3A_14 : vector<64x128xi32> to vector<64x128xf32>
    %dot_general3A = arith.constant dense<0.000000e+00> : vector<64x128xf32>
    %dot_general3A_16 = tpu.matmul %convert_element_type3A_15, %convert_element_type3A_6, %dot_general3A {dimension_numbers = #tpu.dot_dimension_numbers<[1], [0], [0], [1], [0, 0, 1, 1], [], []>, transpose_lhs_hint = false} : vector<64x128xf32>, vector<128x128xf32>, vector<64x128xf32> -> vector<64x128xf32>
    %reduce_sum3A = arith.constant dense<0.000000e+00> : vector<64xf32>
    %reduce_sum3A_17 = vector.multi_reduction <add>, %convert_element_type3A_15, %reduce_sum3A [1] : vector<64x128xf32> to vector<64xf32>
    %broadcast_in_dim3A_18 = vector.shape_cast %reduce_sum3A_17 : vector<64xf32> to vector<64x1xf32>
    %dot_general3A_19 = arith.constant dense<0.000000e+00> : vector<64x1xf32>
    %dot_general3A_20 = tpu.matmul %convert_element_type3A_10, %broadcast_in_dim3A_18, %dot_general3A_19 {dimension_numbers = #tpu.dot_dimension_numbers<[1], [0], [0], [1], [0, 0, 1, 1], [], []>, transpose_lhs_hint = false} : vector<64x64xf32>, vector<64x1xf32>, vector<64x1xf32> -> vector<64x1xf32>
    %reduce_sum3A_21 = vector.shape_cast %broadcast_in_dim3A_18 : vector<64x1xf32> to vector<1x64x1xf32>
    %reduce_sum3A_22 = arith.constant dense<0.000000e+00> : vector<1xf32>
    %reduce_sum3A_23 = vector.multi_reduction <add>, %reduce_sum3A_21, %reduce_sum3A_22 [1, 2] : vector<1x64x1xf32> to vector<1xf32>
    %reduce_sum3A_24 = vector.shape_cast %reduce_sum3A_23 : vector<1xf32> to vector<1x1x1xf32>
    %reduce_sum3A_25 = vector.extract %reduce_sum3A_24[0, 0, 0] : f32 from vector<1x1x1xf32>
    %convert_element_type3A_26 = arith.fptosi %reduce_sum3A_25 : f32 to i32
    %add3A = vector.broadcast %dot_general3A_20 : vector<64x1xf32> to vector<64x128xf32>
    %add3A_27 = arith.addf %add3A, %dot_general3A_16 : vector<64x128xf32>
    %convert_element_type3A_28 = arith.fptosi %add3A_27 : vector<64x128xf32> to vector<64x128xi32>
    %add3A_29 = arith.constant 0 : i32
    %add3A_30 = vector.broadcast %add3A_29 : i32 to vector<64x128xi32>
    %add3A_31 = arith.addi %add3A_30, %convert_element_type3A_28 : vector<64x128xi32>
    %eq3A_32 = arith.constant 0 : i32
    %eq3A_33 = vector.broadcast %eq3A_32 : i32 to vector<64x128xi32>
    %eq3A_34 = arith.cmpi eq, %min3A_4, %eq3A_33 : vector<64x128xi32>
    %select_n3A = arith.select %eq3A_34, %add3A_31, %broadcast_in_dim3A_11 : vector<64x128xi1>, vector<64x128xi32>
    %swap3A = arith.constant 0 : i32
    %swap3A_35 = arith.constant 0 : index
    %swap3A_36 = arith.constant 0 : index
    %swap3A_37 = memref.load %arg2[%swap3A_35, %swap3A_36] : memref<2x8xi32, #tpu.memory_space<smem>>
    memref.store %swap3A, %arg2[%swap3A_35, %swap3A_36] : memref<2x8xi32, #tpu.memory_space<smem>>
    %add3A_38 = arith.constant 0 : i32
    %add3A_39 = arith.addi %add3A_38, %convert_element_type3A_26 : i32
    %swap3A_40 = arith.constant 1 : index
    %swap3A_41 = arith.constant 0 : index
    %swap3A_42 = memref.load %arg2[%swap3A_40, %swap3A_41] : memref<2x8xi32, #tpu.memory_space<smem>>
    memref.store %add3A_39, %arg2[%swap3A_40, %swap3A_41] : memref<2x8xi32, #tpu.memory_space<smem>>
    %eq3A_43 = arith.constant 1 : i32
    %eq3A_44 = vector.broadcast %eq3A_43 : i32 to vector<64x128xi32>
    %eq3A_45 = arith.cmpi eq, %min3A_4, %eq3A_44 : vector<64x128xi32>
    %convert_element_type3A_46 = arith.extui %eq3A_45 : vector<64x128xi1> to vector<64x128xi32>
    %convert_element_type3A_47 = arith.sitofp %convert_element_type3A_46 : vector<64x128xi32> to vector<64x128xf32>
    %dot_general3A_48 = arith.constant dense<0.000000e+00> : vector<64x128xf32>
    %dot_general3A_49 = tpu.matmul %convert_element_type3A_47, %convert_element_type3A_6, %dot_general3A_48 {dimension_numbers = #tpu.dot_dimension_numbers<[1], [0], [0], [1], [0, 0, 1, 1], [], []>, transpose_lhs_hint = false} : vector<64x128xf32>, vector<128x128xf32>, vector<64x128xf32> -> vector<64x128xf32>
    %reduce_sum3A_50 = arith.constant dense<0.000000e+00> : vector<64xf32>
    %reduce_sum3A_51 = vector.multi_reduction <add>, %convert_element_type3A_47, %reduce_sum3A_50 [1] : vector<64x128xf32> to vector<64xf32>
    %broadcast_in_dim3A_52 = vector.shape_cast %reduce_sum3A_51 : vector<64xf32> to vector<64x1xf32>
    %dot_general3A_53 = arith.constant dense<0.000000e+00> : vector<64x1xf32>
    %dot_general3A_54 = tpu.matmul %convert_element_type3A_10, %broadcast_in_dim3A_52, %dot_general3A_53 {dimension_numbers = #tpu.dot_dimension_numbers<[1], [0], [0], [1], [0, 0, 1, 1], [], []>, transpose_lhs_hint = false} : vector<64x64xf32>, vector<64x1xf32>, vector<64x1xf32> -> vector<64x1xf32>
    %reduce_sum3A_55 = vector.shape_cast %broadcast_in_dim3A_52 : vector<64x1xf32> to vector<1x64x1xf32>
    %reduce_sum3A_56 = arith.constant dense<0.000000e+00> : vector<1xf32>
    %reduce_sum3A_57 = vector.multi_reduction <add>, %reduce_sum3A_55, %reduce_sum3A_56 [1, 2] : vector<1x64x1xf32> to vector<1xf32>
    %reduce_sum3A_58 = vector.shape_cast %reduce_sum3A_57 : vector<1xf32> to vector<1x1x1xf32>
    %reduce_sum3A_59 = vector.extract %reduce_sum3A_58[0, 0, 0] : f32 from vector<1x1x1xf32>
    %convert_element_type3A_60 = arith.fptosi %reduce_sum3A_59 : f32 to i32
    %add3A_61 = vector.broadcast %dot_general3A_54 : vector<64x1xf32> to vector<64x128xf32>
    %add3A_62 = arith.addf %add3A_61, %dot_general3A_49 : vector<64x128xf32>
    %convert_element_type3A_63 = arith.fptosi %add3A_62 : vector<64x128xf32> to vector<64x128xi32>
    %add3A_64 = vector.broadcast %add3A_39 : i32 to vector<64x128xi32>
    %add3A_65 = arith.addi %add3A_64, %convert_element_type3A_63 : vector<64x128xi32>
    %eq3A_66 = arith.constant 1 : i32
    %eq3A_67 = vector.broadcast %eq3A_66 : i32 to vector<64x128xi32>
    %eq3A_68 = arith.cmpi eq, %min3A_4, %eq3A_67 : vector<64x128xi32>
    %select_n3A_69 = arith.select %eq3A_68, %add3A_65, %select_n3A : vector<64x128xi1>, vector<64x128xi32>
    %swap3A_70 = arith.constant 0 : index
    %swap3A_71 = arith.constant 1 : index
    %swap3A_72 = memref.load %arg2[%swap3A_70, %swap3A_71] : memref<2x8xi32, #tpu.memory_space<smem>>
    memref.store %add3A_39, %arg2[%swap3A_70, %swap3A_71] : memref<2x8xi32, #tpu.memory_space<smem>>
    %add3A_73 = arith.addi %add3A_39, %convert_element_type3A_60 : i32
    %swap3A_74 = arith.constant 1 : index
    %swap3A_75 = arith.constant 1 : index
    %swap3A_76 = memref.load %arg2[%swap3A_74, %swap3A_75] : memref<2x8xi32, #tpu.memory_space<smem>>
    memref.store %add3A_73, %arg2[%swap3A_74, %swap3A_75] : memref<2x8xi32, #tpu.memory_space<smem>>
    %eq3A_77 = arith.constant 2 : i32
    %eq3A_78 = vector.broadcast %eq3A_77 : i32 to vector<64x128xi32>
    %eq3A_79 = arith.cmpi eq, %min3A_4, %eq3A_78 : vector<64x128xi32>
    %convert_element_type3A_80 = arith.extui %eq3A_79 : vector<64x128xi1> to vector<64x128xi32>
    %convert_element_type3A_81 = arith.sitofp %convert_element_type3A_80 : vector<64x128xi32> to vector<64x128xf32>
    %dot_general3A_82 = arith.constant dense<0.000000e+00> : vector<64x128xf32>
    %dot_general3A_83 = tpu.matmul %convert_element_type3A_81, %convert_element_type3A_6, %dot_general3A_82 {dimension_numbers = #tpu.dot_dimension_numbers<[1], [0], [0], [1], [0, 0, 1, 1], [], []>, transpose_lhs_hint = false} : vector<64x128xf32>, vector<128x128xf32>, vector<64x128xf32> -> vector<64x128xf32>
    %reduce_sum3A_84 = arith.constant dense<0.000000e+00> : vector<64xf32>
    %reduce_sum3A_85 = vector.multi_reduction <add>, %convert_element_type3A_81, %reduce_sum3A_84 [1] : vector<64x128xf32> to vector<64xf32>
    %broadcast_in_dim3A_86 = vector.shape_cast %reduce_sum3A_85 : vector<64xf32> to vector<64x1xf32>
    %dot_general3A_87 = arith.constant dense<0.000000e+00> : vector<64x1xf32>
    %dot_general3A_88 = tpu.matmul %convert_element_type3A_10, %broadcast_in_dim3A_86, %dot_general3A_87 {dimension_numbers = #tpu.dot_dimension_numbers<[1], [0], [0], [1], [0, 0, 1, 1], [], []>, transpose_lhs_hint = false} : vector<64x64xf32>, vector<64x1xf32>, vector<64x1xf32> -> vector<64x1xf32>
    %reduce_sum3A_89 = vector.shape_cast %broadcast_in_dim3A_86 : vector<64x1xf32> to vector<1x64x1xf32>
    %reduce_sum3A_90 = arith.constant dense<0.000000e+00> : vector<1xf32>
    %reduce_sum3A_91 = vector.multi_reduction <add>, %reduce_sum3A_89, %reduce_sum3A_90 [1, 2] : vector<1x64x1xf32> to vector<1xf32>
    %reduce_sum3A_92 = vector.shape_cast %reduce_sum3A_91 : vector<1xf32> to vector<1x1x1xf32>
    %reduce_sum3A_93 = vector.extract %reduce_sum3A_92[0, 0, 0] : f32 from vector<1x1x1xf32>
    %convert_element_type3A_94 = arith.fptosi %reduce_sum3A_93 : f32 to i32
    %add3A_95 = vector.broadcast %dot_general3A_88 : vector<64x1xf32> to vector<64x128xf32>
    %add3A_96 = arith.addf %add3A_95, %dot_general3A_83 : vector<64x128xf32>
    %convert_element_type3A_97 = arith.fptosi %add3A_96 : vector<64x128xf32> to vector<64x128xi32>
    %add3A_98 = vector.broadcast %add3A_73 : i32 to vector<64x128xi32>
    %add3A_99 = arith.addi %add3A_98, %convert_element_type3A_97 : vector<64x128xi32>
    %eq3A_100 = arith.constant 2 : i32
    %eq3A_101 = vector.broadcast %eq3A_100 : i32 to vector<64x128xi32>
    %eq3A_102 = arith.cmpi eq, %min3A_4, %eq3A_101 : vector<64x128xi32>
    %select_n3A_103 = arith.select %eq3A_102, %add3A_99, %select_n3A_69 : vector<64x128xi1>, vector<64x128xi32>
    %swap3A_104 = arith.constant 0 : index
    %swap3A_105 = arith.constant 2 : index
    %swap3A_106 = memref.load %arg2[%swap3A_104, %swap3A_105] : memref<2x8xi32, #tpu.memory_space<smem>>
    memref.store %add3A_73, %arg2[%swap3A_104, %swap3A_105] : memref<2x8xi32, #tpu.memory_space<smem>>
    %add3A_107 = arith.addi %add3A_73, %convert_element_type3A_94 : i32
    %swap3A_108 = arith.constant 1 : index
    %swap3A_109 = arith.constant 2 : index
    %swap3A_110 = memref.load %arg2[%swap3A_108, %swap3A_109] : memref<2x8xi32, #tpu.memory_space<smem>>
    memref.store %add3A_107, %arg2[%swap3A_108, %swap3A_109] : memref<2x8xi32, #tpu.memory_space<smem>>
    %eq3A_111 = arith.constant 3 : i32
    %eq3A_112 = vector.broadcast %eq3A_111 : i32 to vector<64x128xi32>
    %eq3A_113 = arith.cmpi eq, %min3A_4, %eq3A_112 : vector<64x128xi32>
    %convert_element_type3A_114 = arith.extui %eq3A_113 : vector<64x128xi1> to vector<64x128xi32>
    %convert_element_type3A_115 = arith.sitofp %convert_element_type3A_114 : vector<64x128xi32> to vector<64x128xf32>
    %dot_general3A_116 = arith.constant dense<0.000000e+00> : vector<64x128xf32>
    %dot_general3A_117 = tpu.matmul %convert_element_type3A_115, %convert_element_type3A_6, %dot_general3A_116 {dimension_numbers = #tpu.dot_dimension_numbers<[1], [0], [0], [1], [0, 0, 1, 1], [], []>, transpose_lhs_hint = false} : vector<64x128xf32>, vector<128x128xf32>, vector<64x128xf32> -> vector<64x128xf32>
    %reduce_sum3A_118 = arith.constant dense<0.000000e+00> : vector<64xf32>
    %reduce_sum3A_119 = vector.multi_reduction <add>, %convert_element_type3A_115, %reduce_sum3A_118 [1] : vector<64x128xf32> to vector<64xf32>
    %broadcast_in_dim3A_120 = vector.shape_cast %reduce_sum3A_119 : vector<64xf32> to vector<64x1xf32>
    %dot_general3A_121 = arith.constant dense<0.000000e+00> : vector<64x1xf32>
    %dot_general3A_122 = tpu.matmul %convert_element_type3A_10, %broadcast_in_dim3A_120, %dot_general3A_121 {dimension_numbers = #tpu.dot_dimension_numbers<[1], [0], [0], [1], [0, 0, 1, 1], [], []>, transpose_lhs_hint = false} : vector<64x64xf32>, vector<64x1xf32>, vector<64x1xf32> -> vector<64x1xf32>
    %reduce_sum3A_123 = vector.shape_cast %broadcast_in_dim3A_120 : vector<64x1xf32> to vector<1x64x1xf32>
    %reduce_sum3A_124 = arith.constant dense<0.000000e+00> : vector<1xf32>
    %reduce_sum3A_125 = vector.multi_reduction <add>, %reduce_sum3A_123, %reduce_sum3A_124 [1, 2] : vector<1x64x1xf32> to vector<1xf32>
    %reduce_sum3A_126 = vector.shape_cast %reduce_sum3A_125 : vector<1xf32> to vector<1x1x1xf32>
    %reduce_sum3A_127 = vector.extract %reduce_sum3A_126[0, 0, 0] : f32 from vector<1x1x1xf32>
    %convert_element_type3A_128 = arith.fptosi %reduce_sum3A_127 : f32 to i32
    %add3A_129 = vector.broadcast %dot_general3A_122 : vector<64x1xf32> to vector<64x128xf32>
    %add3A_130 = arith.addf %add3A_129, %dot_general3A_117 : vector<64x128xf32>
    %convert_element_type3A_131 = arith.fptosi %add3A_130 : vector<64x128xf32> to vector<64x128xi32>
    %add3A_132 = vector.broadcast %add3A_107 : i32 to vector<64x128xi32>
    %add3A_133 = arith.addi %add3A_132, %convert_element_type3A_131 : vector<64x128xi32>
    %eq3A_134 = arith.constant 3 : i32
    %eq3A_135 = vector.broadcast %eq3A_134 : i32 to vector<64x128xi32>
    %eq3A_136 = arith.cmpi eq, %min3A_4, %eq3A_135 : vector<64x128xi32>
    %select_n3A_137 = arith.select %eq3A_136, %add3A_133, %select_n3A_103 : vector<64x128xi1>, vector<64x128xi32>
    %swap3A_138 = arith.constant 0 : index
    %swap3A_139 = arith.constant 3 : index
    %swap3A_140 = memref.load %arg2[%swap3A_138, %swap3A_139] : memref<2x8xi32, #tpu.memory_space<smem>>
    memref.store %add3A_107, %arg2[%swap3A_138, %swap3A_139] : memref<2x8xi32, #tpu.memory_space<smem>>
    %add3A_141 = arith.addi %add3A_107, %convert_element_type3A_128 : i32
    %swap3A_142 = arith.constant 1 : index
    %swap3A_143 = arith.constant 3 : index
    %swap3A_144 = memref.load %arg2[%swap3A_142, %swap3A_143] : memref<2x8xi32, #tpu.memory_space<smem>>
    memref.store %add3A_141, %arg2[%swap3A_142, %swap3A_143] : memref<2x8xi32, #tpu.memory_space<smem>>
    %eq3A_145 = arith.constant 4 : i32
    %eq3A_146 = vector.broadcast %eq3A_145 : i32 to vector<64x128xi32>
    %eq3A_147 = arith.cmpi eq, %min3A_4, %eq3A_146 : vector<64x128xi32>
    %convert_element_type3A_148 = arith.extui %eq3A_147 : vector<64x128xi1> to vector<64x128xi32>
    %convert_element_type3A_149 = arith.sitofp %convert_element_type3A_148 : vector<64x128xi32> to vector<64x128xf32>
    %dot_general3A_150 = arith.constant dense<0.000000e+00> : vector<64x128xf32>
    %dot_general3A_151 = tpu.matmul %convert_element_type3A_149, %convert_element_type3A_6, %dot_general3A_150 {dimension_numbers = #tpu.dot_dimension_numbers<[1], [0], [0], [1], [0, 0, 1, 1], [], []>, transpose_lhs_hint = false} : vector<64x128xf32>, vector<128x128xf32>, vector<64x128xf32> -> vector<64x128xf32>
    %reduce_sum3A_152 = arith.constant dense<0.000000e+00> : vector<64xf32>
    %reduce_sum3A_153 = vector.multi_reduction <add>, %convert_element_type3A_149, %reduce_sum3A_152 [1] : vector<64x128xf32> to vector<64xf32>
    %broadcast_in_dim3A_154 = vector.shape_cast %reduce_sum3A_153 : vector<64xf32> to vector<64x1xf32>
    %dot_general3A_155 = arith.constant dense<0.000000e+00> : vector<64x1xf32>
    %dot_general3A_156 = tpu.matmul %convert_element_type3A_10, %broadcast_in_dim3A_154, %dot_general3A_155 {dimension_numbers = #tpu.dot_dimension_numbers<[1], [0], [0], [1], [0, 0, 1, 1], [], []>, transpose_lhs_hint = false} : vector<64x64xf32>, vector<64x1xf32>, vector<64x1xf32> -> vector<64x1xf32>
    %reduce_sum3A_157 = vector.shape_cast %broadcast_in_dim3A_154 : vector<64x1xf32> to vector<1x64x1xf32>
    %reduce_sum3A_158 = arith.constant dense<0.000000e+00> : vector<1xf32>
    %reduce_sum3A_159 = vector.multi_reduction <add>, %reduce_sum3A_157, %reduce_sum3A_158 [1, 2] : vector<1x64x1xf32> to vector<1xf32>
    %reduce_sum3A_160 = vector.shape_cast %reduce_sum3A_159 : vector<1xf32> to vector<1x1x1xf32>
    %reduce_sum3A_161 = vector.extract %reduce_sum3A_160[0, 0, 0] : f32 from vector<1x1x1xf32>
    %convert_element_type3A_162 = arith.fptosi %reduce_sum3A_161 : f32 to i32
    %add3A_163 = vector.broadcast %dot_general3A_156 : vector<64x1xf32> to vector<64x128xf32>
    %add3A_164 = arith.addf %add3A_163, %dot_general3A_151 : vector<64x128xf32>
    %convert_element_type3A_165 = arith.fptosi %add3A_164 : vector<64x128xf32> to vector<64x128xi32>
    %add3A_166 = vector.broadcast %add3A_141 : i32 to vector<64x128xi32>
    %add3A_167 = arith.addi %add3A_166, %convert_element_type3A_165 : vector<64x128xi32>
    %eq3A_168 = arith.constant 4 : i32
    %eq3A_169 = vector.broadcast %eq3A_168 : i32 to vector<64x128xi32>
    %eq3A_170 = arith.cmpi eq, %min3A_4, %eq3A_169 : vector<64x128xi32>
    %select_n3A_171 = arith.select %eq3A_170, %add3A_167, %select_n3A_137 : vector<64x128xi1>, vector<64x128xi32>
    %swap3A_172 = arith.constant 0 : index
    %swap3A_173 = arith.constant 4 : index
    %swap3A_174 = memref.load %arg2[%swap3A_172, %swap3A_173] : memref<2x8xi32, #tpu.memory_space<smem>>
    memref.store %add3A_141, %arg2[%swap3A_172, %swap3A_173] : memref<2x8xi32, #tpu.memory_space<smem>>
    %add3A_175 = arith.addi %add3A_141, %convert_element_type3A_162 : i32
    %swap3A_176 = arith.constant 1 : index
    %swap3A_177 = arith.constant 4 : index
    %swap3A_178 = memref.load %arg2[%swap3A_176, %swap3A_177] : memref<2x8xi32, #tpu.memory_space<smem>>
    memref.store %add3A_175, %arg2[%swap3A_176, %swap3A_177] : memref<2x8xi32, #tpu.memory_space<smem>>
    %eq3A_179 = arith.constant 5 : i32
    %eq3A_180 = vector.broadcast %eq3A_179 : i32 to vector<64x128xi32>
    %eq3A_181 = arith.cmpi eq, %min3A_4, %eq3A_180 : vector<64x128xi32>
    %convert_element_type3A_182 = arith.extui %eq3A_181 : vector<64x128xi1> to vector<64x128xi32>
    %convert_element_type3A_183 = arith.sitofp %convert_element_type3A_182 : vector<64x128xi32> to vector<64x128xf32>
    %dot_general3A_184 = arith.constant dense<0.000000e+00> : vector<64x128xf32>
    %dot_general3A_185 = tpu.matmul %convert_element_type3A_183, %convert_element_type3A_6, %dot_general3A_184 {dimension_numbers = #tpu.dot_dimension_numbers<[1], [0], [0], [1], [0, 0, 1, 1], [], []>, transpose_lhs_hint = false} : vector<64x128xf32>, vector<128x128xf32>, vector<64x128xf32> -> vector<64x128xf32>
    %reduce_sum3A_186 = arith.constant dense<0.000000e+00> : vector<64xf32>
    %reduce_sum3A_187 = vector.multi_reduction <add>, %convert_element_type3A_183, %reduce_sum3A_186 [1] : vector<64x128xf32> to vector<64xf32>
    %broadcast_in_dim3A_188 = vector.shape_cast %reduce_sum3A_187 : vector<64xf32> to vector<64x1xf32>
    %dot_general3A_189 = arith.constant dense<0.000000e+00> : vector<64x1xf32>
    %dot_general3A_190 = tpu.matmul %convert_element_type3A_10, %broadcast_in_dim3A_188, %dot_general3A_189 {dimension_numbers = #tpu.dot_dimension_numbers<[1], [0], [0], [1], [0, 0, 1, 1], [], []>, transpose_lhs_hint = false} : vector<64x64xf32>, vector<64x1xf32>, vector<64x1xf32> -> vector<64x1xf32>
    %reduce_sum3A_191 = vector.shape_cast %broadcast_in_dim3A_188 : vector<64x1xf32> to vector<1x64x1xf32>
    %reduce_sum3A_192 = arith.constant dense<0.000000e+00> : vector<1xf32>
    %reduce_sum3A_193 = vector.multi_reduction <add>, %reduce_sum3A_191, %reduce_sum3A_192 [1, 2] : vector<1x64x1xf32> to vector<1xf32>
    %reduce_sum3A_194 = vector.shape_cast %reduce_sum3A_193 : vector<1xf32> to vector<1x1x1xf32>
    %reduce_sum3A_195 = vector.extract %reduce_sum3A_194[0, 0, 0] : f32 from vector<1x1x1xf32>
    %convert_element_type3A_196 = arith.fptosi %reduce_sum3A_195 : f32 to i32
    %add3A_197 = vector.broadcast %dot_general3A_190 : vector<64x1xf32> to vector<64x128xf32>
    %add3A_198 = arith.addf %add3A_197, %dot_general3A_185 : vector<64x128xf32>
    %convert_element_type3A_199 = arith.fptosi %add3A_198 : vector<64x128xf32> to vector<64x128xi32>
    %add3A_200 = vector.broadcast %add3A_175 : i32 to vector<64x128xi32>
    %add3A_201 = arith.addi %add3A_200, %convert_element_type3A_199 : vector<64x128xi32>
    %eq3A_202 = arith.constant 5 : i32
    %eq3A_203 = vector.broadcast %eq3A_202 : i32 to vector<64x128xi32>
    %eq3A_204 = arith.cmpi eq, %min3A_4, %eq3A_203 : vector<64x128xi32>
    %select_n3A_205 = arith.select %eq3A_204, %add3A_201, %select_n3A_171 : vector<64x128xi1>, vector<64x128xi32>
    %swap3A_206 = arith.constant 0 : index
    %swap3A_207 = arith.constant 5 : index
    %swap3A_208 = memref.load %arg2[%swap3A_206, %swap3A_207] : memref<2x8xi32, #tpu.memory_space<smem>>
    memref.store %add3A_175, %arg2[%swap3A_206, %swap3A_207] : memref<2x8xi32, #tpu.memory_space<smem>>
    %add3A_209 = arith.addi %add3A_175, %convert_element_type3A_196 : i32
    %swap3A_210 = arith.constant 1 : index
    %swap3A_211 = arith.constant 5 : index
    %swap3A_212 = memref.load %arg2[%swap3A_210, %swap3A_211] : memref<2x8xi32, #tpu.memory_space<smem>>
    memref.store %add3A_209, %arg2[%swap3A_210, %swap3A_211] : memref<2x8xi32, #tpu.memory_space<smem>>
    %eq3A_213 = arith.constant 6 : i32
    %eq3A_214 = vector.broadcast %eq3A_213 : i32 to vector<64x128xi32>
    %eq3A_215 = arith.cmpi eq, %min3A_4, %eq3A_214 : vector<64x128xi32>
    %convert_element_type3A_216 = arith.extui %eq3A_215 : vector<64x128xi1> to vector<64x128xi32>
    %convert_element_type3A_217 = arith.sitofp %convert_element_type3A_216 : vector<64x128xi32> to vector<64x128xf32>
    %dot_general3A_218 = arith.constant dense<0.000000e+00> : vector<64x128xf32>
    %dot_general3A_219 = tpu.matmul %convert_element_type3A_217, %convert_element_type3A_6, %dot_general3A_218 {dimension_numbers = #tpu.dot_dimension_numbers<[1], [0], [0], [1], [0, 0, 1, 1], [], []>, transpose_lhs_hint = false} : vector<64x128xf32>, vector<128x128xf32>, vector<64x128xf32> -> vector<64x128xf32>
    %reduce_sum3A_220 = arith.constant dense<0.000000e+00> : vector<64xf32>
    %reduce_sum3A_221 = vector.multi_reduction <add>, %convert_element_type3A_217, %reduce_sum3A_220 [1] : vector<64x128xf32> to vector<64xf32>
    %broadcast_in_dim3A_222 = vector.shape_cast %reduce_sum3A_221 : vector<64xf32> to vector<64x1xf32>
    %dot_general3A_223 = arith.constant dense<0.000000e+00> : vector<64x1xf32>
    %dot_general3A_224 = tpu.matmul %convert_element_type3A_10, %broadcast_in_dim3A_222, %dot_general3A_223 {dimension_numbers = #tpu.dot_dimension_numbers<[1], [0], [0], [1], [0, 0, 1, 1], [], []>, transpose_lhs_hint = false} : vector<64x64xf32>, vector<64x1xf32>, vector<64x1xf32> -> vector<64x1xf32>
    %reduce_sum3A_225 = vector.shape_cast %broadcast_in_dim3A_222 : vector<64x1xf32> to vector<1x64x1xf32>
    %reduce_sum3A_226 = arith.constant dense<0.000000e+00> : vector<1xf32>
    %reduce_sum3A_227 = vector.multi_reduction <add>, %reduce_sum3A_225, %reduce_sum3A_226 [1, 2] : vector<1x64x1xf32> to vector<1xf32>
    %reduce_sum3A_228 = vector.shape_cast %reduce_sum3A_227 : vector<1xf32> to vector<1x1x1xf32>
    %reduce_sum3A_229 = vector.extract %reduce_sum3A_228[0, 0, 0] : f32 from vector<1x1x1xf32>
    %convert_element_type3A_230 = arith.fptosi %reduce_sum3A_229 : f32 to i32
    %add3A_231 = vector.broadcast %dot_general3A_224 : vector<64x1xf32> to vector<64x128xf32>
    %add3A_232 = arith.addf %add3A_231, %dot_general3A_219 : vector<64x128xf32>
    %convert_element_type3A_233 = arith.fptosi %add3A_232 : vector<64x128xf32> to vector<64x128xi32>
    %add3A_234 = vector.broadcast %add3A_209 : i32 to vector<64x128xi32>
    %add3A_235 = arith.addi %add3A_234, %convert_element_type3A_233 : vector<64x128xi32>
    %eq3A_236 = arith.constant 6 : i32
    %eq3A_237 = vector.broadcast %eq3A_236 : i32 to vector<64x128xi32>
    %eq3A_238 = arith.cmpi eq, %min3A_4, %eq3A_237 : vector<64x128xi32>
    %select_n3A_239 = arith.select %eq3A_238, %add3A_235, %select_n3A_205 : vector<64x128xi1>, vector<64x128xi32>
    %swap3A_240 = arith.constant 0 : index
    %swap3A_241 = arith.constant 6 : index
    %swap3A_242 = memref.load %arg2[%swap3A_240, %swap3A_241] : memref<2x8xi32, #tpu.memory_space<smem>>
    memref.store %add3A_209, %arg2[%swap3A_240, %swap3A_241] : memref<2x8xi32, #tpu.memory_space<smem>>
    %add3A_243 = arith.addi %add3A_209, %convert_element_type3A_230 : i32
    %swap3A_244 = arith.constant 1 : index
    %swap3A_245 = arith.constant 6 : index
    %swap3A_246 = memref.load %arg2[%swap3A_244, %swap3A_245] : memref<2x8xi32, #tpu.memory_space<smem>>
    memref.store %add3A_243, %arg2[%swap3A_244, %swap3A_245] : memref<2x8xi32, #tpu.memory_space<smem>>
    %eq3A_247 = arith.constant 7 : i32
    %eq3A_248 = vector.broadcast %eq3A_247 : i32 to vector<64x128xi32>
    %eq3A_249 = arith.cmpi eq, %min3A_4, %eq3A_248 : vector<64x128xi32>
    %convert_element_type3A_250 = arith.extui %eq3A_249 : vector<64x128xi1> to vector<64x128xi32>
    %convert_element_type3A_251 = arith.sitofp %convert_element_type3A_250 : vector<64x128xi32> to vector<64x128xf32>
    %dot_general3A_252 = arith.constant dense<0.000000e+00> : vector<64x128xf32>
    %dot_general3A_253 = tpu.matmul %convert_element_type3A_251, %convert_element_type3A_6, %dot_general3A_252 {dimension_numbers = #tpu.dot_dimension_numbers<[1], [0], [0], [1], [0, 0, 1, 1], [], []>, transpose_lhs_hint = false} : vector<64x128xf32>, vector<128x128xf32>, vector<64x128xf32> -> vector<64x128xf32>
    %reduce_sum3A_254 = arith.constant dense<0.000000e+00> : vector<64xf32>
    %reduce_sum3A_255 = vector.multi_reduction <add>, %convert_element_type3A_251, %reduce_sum3A_254 [1] : vector<64x128xf32> to vector<64xf32>
    %broadcast_in_dim3A_256 = vector.shape_cast %reduce_sum3A_255 : vector<64xf32> to vector<64x1xf32>
    %dot_general3A_257 = arith.constant dense<0.000000e+00> : vector<64x1xf32>
    %dot_general3A_258 = tpu.matmul %convert_element_type3A_10, %broadcast_in_dim3A_256, %dot_general3A_257 {dimension_numbers = #tpu.dot_dimension_numbers<[1], [0], [0], [1], [0, 0, 1, 1], [], []>, transpose_lhs_hint = false} : vector<64x64xf32>, vector<64x1xf32>, vector<64x1xf32> -> vector<64x1xf32>
    %reduce_sum3A_259 = vector.shape_cast %broadcast_in_dim3A_256 : vector<64x1xf32> to vector<1x64x1xf32>
    %reduce_sum3A_260 = arith.constant dense<0.000000e+00> : vector<1xf32>
    %reduce_sum3A_261 = vector.multi_reduction <add>, %reduce_sum3A_259, %reduce_sum3A_260 [1, 2] : vector<1x64x1xf32> to vector<1xf32>
    %reduce_sum3A_262 = vector.shape_cast %reduce_sum3A_261 : vector<1xf32> to vector<1x1x1xf32>
    %reduce_sum3A_263 = vector.extract %reduce_sum3A_262[0, 0, 0] : f32 from vector<1x1x1xf32>
    %convert_element_type3A_264 = arith.fptosi %reduce_sum3A_263 : f32 to i32
    %add3A_265 = vector.broadcast %dot_general3A_258 : vector<64x1xf32> to vector<64x128xf32>
    %add3A_266 = arith.addf %add3A_265, %dot_general3A_253 : vector<64x128xf32>
    %convert_element_type3A_267 = arith.fptosi %add3A_266 : vector<64x128xf32> to vector<64x128xi32>
    %add3A_268 = vector.broadcast %add3A_243 : i32 to vector<64x128xi32>
    %add3A_269 = arith.addi %add3A_268, %convert_element_type3A_267 : vector<64x128xi32>
    %eq3A_270 = arith.constant 7 : i32
    %eq3A_271 = vector.broadcast %eq3A_270 : i32 to vector<64x128xi32>
    %eq3A_272 = arith.cmpi eq, %min3A_4, %eq3A_271 : vector<64x128xi32>
    %select_n3A_273 = arith.select %eq3A_272, %add3A_269, %select_n3A_239 : vector<64x128xi1>, vector<64x128xi32>
    %swap3A_274 = arith.constant 0 : index
    %swap3A_275 = arith.constant 7 : index
    %swap3A_276 = memref.load %arg2[%swap3A_274, %swap3A_275] : memref<2x8xi32, #tpu.memory_space<smem>>
    memref.store %add3A_243, %arg2[%swap3A_274, %swap3A_275] : memref<2x8xi32, #tpu.memory_space<smem>>
    %add3A_277 = arith.addi %add3A_243, %convert_element_type3A_264 : i32
    %swap3A_278 = arith.constant 1 : index
    %swap3A_279 = arith.constant 7 : index
    %swap3A_280 = memref.load %arg2[%swap3A_278, %swap3A_279] : memref<2x8xi32, #tpu.memory_space<smem>>
    memref.store %add3A_277, %arg2[%swap3A_278, %swap3A_279] : memref<2x8xi32, #tpu.memory_space<smem>>
    %swap3A_281 = arith.constant 0 : index
    %swap3A_282 = arith.constant 0 : index
    %swap3A_283 = vector.load %arg1[%swap3A_281, %swap3A_282] : memref<64x128xi32, #tpu.memory_space<vmem>>, vector<64x128xi32>
    tpu.vector_store %arg1[%swap3A_281, %swap3A_282], %select_n3A_273 {strides = array<i32>} : memref<64x128xi32, #tpu.memory_space<vmem>>, vector<64x128xi32>,
    %scan3A = arith.constant 0 : i32
    %scan3A_284 = arith.constant 23 : i32
    %scan3A_285 = arith.addi %scan3A, %scan3A_284 : i32
    %scan3A_286 = arith.constant 1 : i32
    scf.for %scan3A_295 = %scan3A to %scan3A_285 step %scan3A_286  : i32 {
      %swap3A_296 = arith.constant 0 : i32
      %swap3A_297 = arith.constant 0 : index
      %swap3A_298 = arith.index_cast %scan3A_295 : i32 to index
      %swap3A_299 = memref.load %arg3[%swap3A_297, %swap3A_298] : memref<2x23xi32, #tpu.memory_space<smem>>
      memref.store %swap3A_296, %arg3[%swap3A_297, %swap3A_298] : memref<2x23xi32, #tpu.memory_space<smem>>
      %swap3A_300 = arith.constant 0 : i32
      %swap3A_301 = arith.constant 1 : index
      %swap3A_302 = arith.index_cast %scan3A_295 : i32 to index
      %swap3A_303 = memref.load %arg3[%swap3A_301, %swap3A_302] : memref<2x23xi32, #tpu.memory_space<smem>>
      memref.store %swap3A_300, %arg3[%swap3A_301, %swap3A_302] : memref<2x23xi32, #tpu.memory_space<smem>>
    }
    %scan3A_287 = arith.constant 23 : i32
    %scan3A_288 = arith.constant 0 : i32
    %scan3A_289 = arith.constant 0 : i32
    %scan3A_290 = arith.constant 128 : i32
    %scan3A_291 = arith.addi %scan3A_289, %scan3A_290 : i32
    %scan3A_292 = arith.constant 1 : i32
    %scan3A_293 = scf.for %scan3A_295 = %scan3A_289 to %scan3A_291 step %scan3A_292 iter_args(%scan3A_296 = %scan3A_288) -> (i32)  : i32 {
      %jit3A_297 = arith.constant 16 : i32
      %div3A = arith.divsi %scan3A_295, %jit3A_297 : i32
      %sign3A = arith.constant 0 : i32
      %sign3A_298 = arith.cmpi sgt, %scan3A_295, %sign3A : i32
      %sign3A_299 = arith.extui %sign3A_298 : i1 to i32
      %sign3A_300 = arith.constant 0 : i32
      %sign3A_301 = arith.cmpi slt, %scan3A_295, %sign3A_300 : i32
      %sign3A_302 = arith.extui %sign3A_301 : i1 to i32
      %sign3A_303 = arith.subi %sign3A_299, %sign3A_302 : i32
      %sign3A_304 = arith.constant 0 : i32
      %sign3A_305 = arith.cmpi sgt, %jit3A_297, %sign3A_304 : i32
      %sign3A_306 = arith.extui %sign3A_305 : i1 to i32
      %sign3A_307 = arith.constant 0 : i32
      %sign3A_308 = arith.cmpi slt, %jit3A_297, %sign3A_307 : i32
      %sign3A_309 = arith.extui %sign3A_308 : i1 to i32
      %sign3A_310 = arith.subi %sign3A_306, %sign3A_309 : i32
      %ne3A = arith.cmpi ne, %sign3A_303, %sign3A_310 : i32
      %rem3A = arith.remsi %scan3A_295, %jit3A_297 : i32
      %ne3A_311 = arith.constant 0 : i32
      %ne3A_312 = arith.cmpi ne, %rem3A, %ne3A_311 : i32
      %and3A = arith.andi %ne3A, %ne3A_312 : i1
      %sub3A = arith.constant 1 : i32
      %sub3A_313 = arith.subi %div3A, %sub3A : i32
      %select_n3A_314 = arith.select %and3A, %sub3A_313, %div3A : i32
      %mul3A = arith.constant 16 : i32
      %mul3A_315 = arith.muli %select_n3A_314, %mul3A : i32
      %sub3A_316 = arith.subi %scan3A_295, %mul3A_315 : i32
      %get3A_317 = arith.constant 0 : index
      %get3A_318 = arith.index_cast %select_n3A_314 : i32 to index
      %get3A_319 = memref.load %arg2[%get3A_317, %get3A_318] : memref<2x8xi32, #tpu.memory_space<smem>>
      %get3A_320 = arith.constant 1 : index
      %get3A_321 = arith.index_cast %select_n3A_314 : i32 to index
      %get3A_322 = memref.load %arg2[%get3A_320, %get3A_321] : memref<2x8xi32, #tpu.memory_space<smem>>
      %add3A_323 = arith.constant 1 : i32
      %add3A_324 = arith.addi %sub3A_316, %add3A_323 : i32
      %mul3A_325 = arith.constant 512 : i32
      %mul3A_326 = arith.muli %add3A_324, %mul3A_325 : i32
      %lt3A_327 = arith.cmpi slt, %get3A_319, %mul3A_326 : i32
      %mul3A_328 = arith.constant 512 : i32
      %mul3A_329 = arith.muli %sub3A_316, %mul3A_328 : i32
      %gt3A_330 = arith.cmpi sgt, %get3A_322, %mul3A_329 : i32
      %and3A_331 = arith.andi %lt3A_327, %gt3A_330 : i1
      %convert_element_type3A_332 = arith.extui %and3A_331 : i1 to i32
      %cond3A = arith.constant 0 : i32
      %cond3A_333 = arith.cmpi ne, %convert_element_type3A_332, %cond3A : i32
      scf.if %cond3A_333 {
        %swap3A_336 = arith.constant 0 : index
        %swap3A_337 = arith.index_cast %scan3A_296 : i32 to index
        %swap3A_338 = memref.load %arg3[%swap3A_336, %swap3A_337] : memref<2x23xi32, #tpu.memory_space<smem>>
        memref.store %select_n3A_314, %arg3[%swap3A_336, %swap3A_337] : memref<2x23xi32, #tpu.memory_space<smem>>
        %swap3A_339 = arith.constant 1 : index
        %swap3A_340 = arith.index_cast %scan3A_296 : i32 to index
        %swap3A_341 = memref.load %arg3[%swap3A_339, %swap3A_340] : memref<2x23xi32, #tpu.memory_space<smem>>
        memref.store %sub3A_316, %arg3[%swap3A_339, %swap3A_340] : memref<2x23xi32, #tpu.memory_space<smem>>
      } else {
      }
      %convert_element_type3A_334 = arith.extui %and3A_331 : i1 to i32
      %add3A_335 = arith.addi %scan3A_296, %convert_element_type3A_334 : i32
      scf.yield %add3A_335 : i32
    }
    %scan3A_294 = arith.constant 128 : i32
    return
  }
}

module attributes {stable_mosaic.version = 14 : i64} {
  func.func @_mlp_body(%arg0: i32, %arg1: memref<2x8xi32, #tpu.memory_space<smem>>, %arg2: memref<2x23xi32, #tpu.memory_space<smem>>, %arg3: memref<512x2048xf32, #tpu.memory_space<vmem>>, %arg4: memref<1x2048x512xf32, #tpu.memory_space<vmem>>, %arg5: memref<8x1x512xf32, #tpu.memory_space<vmem>>, %arg6: memref<8x512x256xf32, #tpu.memory_space<vmem>>, %arg7: memref<8x1x256xf32, #tpu.memory_space<vmem>>, %arg8: memref<8x256x1024xf32, #tpu.memory_space<vmem>>, %arg9: memref<8x1x1024xf32, #tpu.memory_space<vmem>>, %arg10: memref<512x1024xf32, #tpu.memory_space<vmem>>) attributes {dimension_semantics = [#tpu.dimension_semantics<arbitrary>], iteration_bounds = array<i64: 23>, scalar_prefetch = 2 : i64, scratch_operands = 0 : i64, tpu.core_type = #tpu.core_type<tc>, window_params = [{transform_indices = @transform_0, window_bounds = array<i64: 512, 2048>}, {transform_indices = @transform_1, window_bounds = array<i64: 1, 2048, 512>}, {pipeline_mode = #tpu.pipeline_mode<synchronous>, transform_indices = @transform_2, window_bounds = array<i64: 8, 1, 512>}, {pipeline_mode = #tpu.pipeline_mode<synchronous>, transform_indices = @transform_3, window_bounds = array<i64: 8, 512, 256>}, {pipeline_mode = #tpu.pipeline_mode<synchronous>, transform_indices = @transform_4, window_bounds = array<i64: 8, 1, 256>}, {pipeline_mode = #tpu.pipeline_mode<synchronous>, transform_indices = @transform_5, window_bounds = array<i64: 8, 256, 1024>}, {pipeline_mode = #tpu.pipeline_mode<synchronous>, transform_indices = @transform_6, window_bounds = array<i64: 8, 1, 1024>}, {transform_indices = @transform_7, window_bounds = array<i64: 512, 1024>}]} {
    %get3A = arith.constant 0 : index
    %get3A_0 = arith.index_cast %arg0 : i32 to index
    %get3A_1 = memref.load %arg2[%get3A, %get3A_0] : memref<2x23xi32, #tpu.memory_space<smem>>
    %get3A_2 = arith.constant 1 : index
    %get3A_3 = arith.index_cast %arg0 : i32 to index
    %get3A_4 = memref.load %arg2[%get3A_2, %get3A_3] : memref<2x23xi32, #tpu.memory_space<smem>>
    %get3A_5 = arith.constant 0 : index
    %get3A_6 = arith.index_cast %get3A_1 : i32 to index
    %get3A_7 = memref.load %arg1[%get3A_5, %get3A_6] : memref<2x8xi32, #tpu.memory_space<smem>>
    %get3A_8 = arith.constant 1 : index
    %get3A_9 = arith.index_cast %get3A_1 : i32 to index
    %get3A_10 = memref.load %arg1[%get3A_8, %get3A_9] : memref<2x8xi32, #tpu.memory_space<smem>>
    %mul3A = arith.constant 512 : i32
    %mul3A_11 = arith.muli %get3A_4, %mul3A : i32
    %get3A_12 = arith.constant 0 : index
    %get3A_13 = arith.constant 0 : index
    %get3A_14 = vector.load %arg3[%get3A_12, %get3A_13] : memref<512x2048xf32, #tpu.memory_space<vmem>>, vector<512x2048xf32>
    %get3A_15 = arith.constant 0 : index
    %get3A_16 = arith.constant 0 : index
    %get3A_17 = arith.constant 0 : index
    %get3A_18 = vector.load %arg4[%get3A_15, %get3A_16, %get3A_17] : memref<1x2048x512xf32, #tpu.memory_space<vmem>>, vector<1x2048x512xf32>
    %get3A_19 = vector.shape_cast %get3A_18 : vector<1x2048x512xf32> to vector<2048x512xf32>
    %dot_general3A = arith.constant dense<0.000000e+00> : vector<512x512xf32>
    %dot_general3A_20 = tpu.matmul %get3A_14, %get3A_19, %dot_general3A {dimension_numbers = #tpu.dot_dimension_numbers<[1], [0], [0], [1], [0, 0, 1, 1], [], []>, transpose_lhs_hint = false} : vector<512x2048xf32>, vector<2048x512xf32>, vector<512x512xf32> -> vector<512x512xf32>
    %get3A_21 = arith.index_cast %get3A_1 : i32 to index
    %get3A_22 = arith.constant 0 : index
    %get3A_23 = arith.constant 0 : index
    %get3A_24 = vector.load %arg5[%get3A_21, %get3A_22, %get3A_23] : memref<8x1x512xf32, #tpu.memory_space<vmem>>, vector<1x1x512xf32>
    %get3A_25 = vector.shape_cast %get3A_24 : vector<1x1x512xf32> to vector<1x512xf32>
    %add3A = vector.broadcast %get3A_25 : vector<1x512xf32> to vector<512x512xf32>
    %add3A_26 = arith.addf %dot_general3A_20, %add3A : vector<512x512xf32>
    %ge3A = arith.constant 0.000000e+00 : f32
    %ge3A_27 = vector.broadcast %ge3A : f32 to vector<512x512xf32>
    %ge3A_28 = arith.cmpf oge, %add3A_26, %ge3A_27 : vector<512x512xf32>
    %mul3A_29 = arith.constant 2.000000e-01 : f32
    %mul3A_30 = vector.broadcast %mul3A_29 : f32 to vector<512x512xf32>
    %mul3A_31 = arith.mulf %mul3A_30, %add3A_26 : vector<512x512xf32>
    %select_n3A = arith.select %ge3A_28, %add3A_26, %mul3A_31 : vector<512x512xi1>, vector<512x512xf32>
    %get3A_32 = arith.index_cast %get3A_1 : i32 to index
    %get3A_33 = arith.constant 0 : index
    %get3A_34 = arith.constant 0 : index
    %get3A_35 = vector.load %arg6[%get3A_32, %get3A_33, %get3A_34] : memref<8x512x256xf32, #tpu.memory_space<vmem>>, vector<1x512x256xf32>
    %get3A_36 = vector.shape_cast %get3A_35 : vector<1x512x256xf32> to vector<512x256xf32>
    %dot_general3A_37 = arith.constant dense<0.000000e+00> : vector<512x256xf32>
    %dot_general3A_38 = tpu.matmul %select_n3A, %get3A_36, %dot_general3A_37 {dimension_numbers = #tpu.dot_dimension_numbers<[1], [0], [0], [1], [0, 0, 1, 1], [], []>, transpose_lhs_hint = false} : vector<512x512xf32>, vector<512x256xf32>, vector<512x256xf32> -> vector<512x256xf32>
    %get3A_39 = arith.index_cast %get3A_1 : i32 to index
    %get3A_40 = arith.constant 0 : index
    %get3A_41 = arith.constant 0 : index
    %get3A_42 = vector.load %arg7[%get3A_39, %get3A_40, %get3A_41] : memref<8x1x256xf32, #tpu.memory_space<vmem>>, vector<1x1x256xf32>
    %get3A_43 = vector.shape_cast %get3A_42 : vector<1x1x256xf32> to vector<1x256xf32>
    %add3A_44 = vector.broadcast %get3A_43 : vector<1x256xf32> to vector<512x256xf32>
    %add3A_45 = arith.addf %dot_general3A_38, %add3A_44 : vector<512x256xf32>
    %ge3A_46 = arith.constant 0.000000e+00 : f32
    %ge3A_47 = vector.broadcast %ge3A_46 : f32 to vector<512x256xf32>
    %ge3A_48 = arith.cmpf oge, %add3A_45, %ge3A_47 : vector<512x256xf32>
    %mul3A_49 = arith.constant 2.000000e-01 : f32
    %mul3A_50 = vector.broadcast %mul3A_49 : f32 to vector<512x256xf32>
    %mul3A_51 = arith.mulf %mul3A_50, %add3A_45 : vector<512x256xf32>
    %select_n3A_52 = arith.select %ge3A_48, %add3A_45, %mul3A_51 : vector<512x256xi1>, vector<512x256xf32>
    %get3A_53 = arith.index_cast %get3A_1 : i32 to index
    %get3A_54 = arith.constant 0 : index
    %get3A_55 = arith.constant 0 : index
    %get3A_56 = vector.load %arg8[%get3A_53, %get3A_54, %get3A_55] : memref<8x256x1024xf32, #tpu.memory_space<vmem>>, vector<1x256x1024xf32>
    %get3A_57 = vector.shape_cast %get3A_56 : vector<1x256x1024xf32> to vector<256x1024xf32>
    %dot_general3A_58 = arith.constant dense<0.000000e+00> : vector<512x1024xf32>
    %dot_general3A_59 = tpu.matmul %select_n3A_52, %get3A_57, %dot_general3A_58 {dimension_numbers = #tpu.dot_dimension_numbers<[1], [0], [0], [1], [0, 0, 1, 1], [], []>, transpose_lhs_hint = false} : vector<512x256xf32>, vector<256x1024xf32>, vector<512x1024xf32> -> vector<512x1024xf32>
    %get3A_60 = arith.index_cast %get3A_1 : i32 to index
    %get3A_61 = arith.constant 0 : index
    %get3A_62 = arith.constant 0 : index
    %get3A_63 = vector.load %arg9[%get3A_60, %get3A_61, %get3A_62] : memref<8x1x1024xf32, #tpu.memory_space<vmem>>, vector<1x1x1024xf32>
    %get3A_64 = vector.shape_cast %get3A_63 : vector<1x1x1024xf32> to vector<1x1024xf32>
    %add3A_65 = vector.broadcast %get3A_64 : vector<1x1024xf32> to vector<512x1024xf32>
    %add3A_66 = arith.addf %dot_general3A_59, %add3A_65 : vector<512x1024xf32>
    %iota3A = tpu.iota {dimensions = array<i32: 0>} : vector<512x1xi32>
    %add3A_67 = vector.broadcast %mul3A_11 : i32 to vector<512x1xi32>
    %add3A_68 = arith.addi %add3A_67, %iota3A : vector<512x1xi32>
    %ge3A_69 = vector.broadcast %get3A_7 : i32 to vector<512x1xi32>
    %ge3A_70 = arith.cmpi sge, %add3A_68, %ge3A_69 : vector<512x1xi32>
    %lt3A = vector.broadcast %get3A_10 : i32 to vector<512x1xi32>
    %lt3A_71 = arith.cmpi slt, %add3A_68, %lt3A : vector<512x1xi32>
    %and3A = arith.andi %ge3A_70, %lt3A_71 : vector<512x1xi1>
    %get3A_72 = arith.constant 0 : index
    %get3A_73 = arith.constant 0 : index
    %get3A_74 = vector.load %arg10[%get3A_72, %get3A_73] : memref<512x1024xf32, #tpu.memory_space<vmem>>, vector<512x1024xf32>
    %broadcast_in_dim3A = vector.shape_cast %and3A : vector<512x1xi1> to vector<512x1xi1>
    %broadcast_in_dim3A_75 = vector.broadcast %broadcast_in_dim3A : vector<512x1xi1> to vector<512x1024xi1>
    %select_n3A_76 = arith.select %broadcast_in_dim3A_75, %add3A_66, %get3A_74 : vector<512x1024xi1>, vector<512x1024xf32>
    %swap3A = arith.constant 0 : index
    %swap3A_77 = arith.constant 0 : index
    %swap3A_78 = vector.load %arg10[%swap3A, %swap3A_77] : memref<512x1024xf32, #tpu.memory_space<vmem>>, vector<512x1024xf32>
    tpu.vector_store %arg10[%swap3A, %swap3A_77], %select_n3A_76 {strides = array<i32>} : memref<512x1024xf32, #tpu.memory_space<vmem>>, vector<512x1024xf32>,
    return
  }
  func.func @transform_0(%arg0: i32, %arg1: memref<2x8xi32, #tpu.memory_space<smem>>, %arg2: memref<2x23xi32, #tpu.memory_space<smem>>) -> (i32, i32) {
    %get3A = arith.constant 1 : index
    %get3A_0 = arith.index_cast %arg0 : i32 to index
    %get3A_1 = memref.load %arg2[%get3A, %get3A_0] : memref<2x23xi32, #tpu.memory_space<smem>>
    %c0_i32 = arith.constant 0 : i32
    %c0_i32_2 = arith.constant 0 : i32
    return %get3A_1, %c0_i32 : i32, i32
  }
  func.func @transform_1(%arg0: i32, %arg1: memref<2x8xi32, #tpu.memory_space<smem>>, %arg2: memref<2x23xi32, #tpu.memory_space<smem>>) -> (i32, i32, i32) {
    %get3A = arith.constant 0 : index
    %get3A_0 = arith.index_cast %arg0 : i32 to index
    %get3A_1 = memref.load %arg2[%get3A, %get3A_0] : memref<2x23xi32, #tpu.memory_space<smem>>
    %c0_i32 = arith.constant 0 : i32
    %c0_i32_2 = arith.constant 0 : i32
    %c0_i32_3 = arith.constant 0 : i32
    return %get3A_1, %c0_i32, %c0_i32_2 : i32, i32, i32
  }
  func.func @transform_2(%arg0: i32, %arg1: memref<2x8xi32, #tpu.memory_space<smem>>, %arg2: memref<2x23xi32, #tpu.memory_space<smem>>) -> (i32, i32, i32) {
    %c0_i32 = arith.constant 0 : i32
    %c0_i32_0 = arith.constant 0 : i32
    %c0_i32_1 = arith.constant 0 : i32
    %c0_i32_2 = arith.constant 0 : i32
    return %c0_i32, %c0_i32_0, %c0_i32_1 : i32, i32, i32
  }
  func.func @transform_3(%arg0: i32, %arg1: memref<2x8xi32, #tpu.memory_space<smem>>, %arg2: memref<2x23xi32, #tpu.memory_space<smem>>) -> (i32, i32, i32) {
    %c0_i32 = arith.constant 0 : i32
    %c0_i32_0 = arith.constant 0 : i32
    %c0_i32_1 = arith.constant 0 : i32
    %c0_i32_2 = arith.constant 0 : i32
    return %c0_i32, %c0_i32_0, %c0_i32_1 : i32, i32, i32
  }
  func.func @transform_4(%arg0: i32, %arg1: memref<2x8xi32, #tpu.memory_space<smem>>, %arg2: memref<2x23xi32, #tpu.memory_space<smem>>) -> (i32, i32, i32) {
    %c0_i32 = arith.constant 0 : i32
    %c0_i32_0 = arith.constant 0 : i32
    %c0_i32_1 = arith.constant 0 : i32
    %c0_i32_2 = arith.constant 0 : i32
    return %c0_i32, %c0_i32_0, %c0_i32_1 : i32, i32, i32
  }
  func.func @transform_5(%arg0: i32, %arg1: memref<2x8xi32, #tpu.memory_space<smem>>, %arg2: memref<2x23xi32, #tpu.memory_space<smem>>) -> (i32, i32, i32) {
    %c0_i32 = arith.constant 0 : i32
    %c0_i32_0 = arith.constant 0 : i32
    %c0_i32_1 = arith.constant 0 : i32
    %c0_i32_2 = arith.constant 0 : i32
    return %c0_i32, %c0_i32_0, %c0_i32_1 : i32, i32, i32
  }
  func.func @transform_6(%arg0: i32, %arg1: memref<2x8xi32, #tpu.memory_space<smem>>, %arg2: memref<2x23xi32, #tpu.memory_space<smem>>) -> (i32, i32, i32) {
    %c0_i32 = arith.constant 0 : i32
    %c0_i32_0 = arith.constant 0 : i32
    %c0_i32_1 = arith.constant 0 : i32
    %c0_i32_2 = arith.constant 0 : i32
    return %c0_i32, %c0_i32_0, %c0_i32_1 : i32, i32, i32
  }
  func.func @transform_7(%arg0: i32, %arg1: memref<2x8xi32, #tpu.memory_space<smem>>, %arg2: memref<2x23xi32, #tpu.memory_space<smem>>) -> (i32, i32) {
    %get3A = arith.constant 1 : index
    %get3A_0 = arith.index_cast %arg0 : i32 to index
    %get3A_1 = memref.load %arg2[%get3A, %get3A_0] : memref<2x23xi32, #tpu.memory_space<smem>>
    %c0_i32 = arith.constant 0 : i32
    %c0_i32_2 = arith.constant 0 : i32
    return %get3A_1, %c0_i32 : i32, i32
  }
}

</mosaic_0001>

<sc_bundles>
// kernel: kernel.6.cloned.1.call-start
scs
__scs_entry_jumppad:
0x0: {  	(pc) =	sbr.rel $0x88, $3  }
0x1: {  	(tag) =	ssettag $0x0;
	lr =	simm.s32 $0x1  }
0x2: {  	[smem:$0x3F99] =	sst lr;
	_ =	strace $0xD0000000  }
0x3: {  	_ = 	snop  }
0x4: {  	_ = 	snop  }
0x5: {  	_ = 	snop  }
0x6: {  	_ = 	snop  }
0x7: {  	_ = 	snop  }
__scs_overlays_trampoline_lowered:
0x8: {  	[smem:$0x3FA8] =	sst s0  }
0x9: {  	[smem:$0x3FA9] =	sst s1  }
0xa: {  	[smem:$0x3FAA] =	sst s2  }
0xb: {  	[smem:$0x3FAB] =	sst s3  }
0xc: {  	[smem:$0x3FAC] =	sst s4  }
0xd: {  	[smem:$0x3FAD] =	sst s5  }
0xe: {  	[smem:$0x3FAE] =	sst s6  }
0xf: {  	[smem:$0x3FAF] =	sst s7  }
0x10: {  	[smem:$0x3FB0] =	sst s8  }
0x11: {  	[smem:$0x3FB1] =	sst s9;
	s0 =	simm.s32 @!p0 $0x0  }
0x12: {  	s1 =	sld [smem:$0x3F97];
	s0 =	simm.s32 @p0 $0x1  }
0x13: {  	[smem:$0x3FB2] =	sst s0;
	s0 =	simm.s32 @!p1 $0x0  }
0x14: {  	s2 =	sld [smem:$0x3F96];
	s0 =	simm.s32 @p1 $0x1  }
0x15: {  	[smem:$0x3FB3] =	sst s0;
	s0 =	simm.s32 @!p2 $0x0  }
0x16: {  	s3 =	sld [smem:$0x3FDB];
	s0 =	simm.s32 @p2 $0x1  }
0x17: {  	s4 =	simm.s32 $0x1BF5;
	[smem:$0x3FB5] =	sst s0  }
0x18: {  	s0 =	sld [smem:$0x3F98];
	_ =	swait.ge [sflag:s4], $0x0  }
0x19: {  	s7 =	sld [smem:$0x3F99]  }
0x1a: {  	s8 =	sadd.s32 $0xFFFFE003, lr  }
0x1b: {  	s9 =	sadd.s32 $0xFFFFFEF7, lr;
	s5 =	simm.s32 $0xFFFFFFFF;
	p2 =	slt.u32 s8, $0xFFFFF086  }
0x1c: {  	p1 =	slt.u32 s9, $0xF7A;
	s5 =	simm.s32 @!p2 $0x0  }
0x1d: {  	s5 =	simm.s32 @p1 $0x1;
	p0 =	seq.s32 s7, s2  }
0x1e: {  	s7 =	smul.u32 @!p0 $0xF7A, s2;
	p2 =	seq.s32 @!p0 s5, $0x0  }
0x1f: {  	s9 =	smul.u32 $0xF7A, s1;
	s8 =	simm.s32 @!p0 $0x1BF5;
	p2 =	por !p2, p0  }
0x20: {  	[sflag:s8] =	ssyncset.s32 @!p0 $0xFFFFF086;
	s6 =	sadd.s32 @!p0 s3, s7;
	s7 =	simm.s32 @!p0 $0x108  }
0x21: {  	s3 =	sadd.s32 s3, s9;
	s6 =	sadd.s32 @!p0 $0x88, s6;
	s7 =	simm.s32 @p2 $0x1082  }
0x22: {  	[simem:s7], [sflag:s8] =	dma.local @!p0 [hbm:s6], $0xF7A  }
0x23: {  	s9 =	sor.u32 $0xD0000000, s2;
	s6 =	simm.s32 $0x108;
	_ =	swait.ge @!p0 [sflag:s8], $0x0  }
0x24: {  	s3 =	sadd.s32 $0x88, s3;
	s6 =	simm.s32 @!p1 $0x1082;
	[sflag:s4] =	ssyncset.s32 $0xFFFFF086  }
0x25: {  	[simem:s6], [sflag:s4] =	dma.local [hbm:s3], $0xF7A  }
0x26: {  	[smem:$0x3F99] =	sst s1;
	(tag) =	ssettag s2;
	_ =	strace s9  }
0x27: {  	s1 =	sld [smem:$0x3FA9]  }
0x28: {  	s2 =	sld [smem:$0x3FAA]  }
0x29: {  	s4 =	sld [smem:$0x3FAC]  }
0x2a: {  	p0 =	seq.s32 s5, $0x0;
	s5 =	sld [smem:$0x3FAD]  }
0x2b: {  	s6 =	sld [smem:$0x3FAE]  }
0x2c: {  	s7 =	sld [smem:$0x3FAF]  }
0x2d: {  	s3 =	simm.s32 $0x108;
	s8 =	sld [smem:$0x3FB0]  }
0x2e: {  	s3 =	simm.s32 @!p0 $0x1082;
	s9 =	sld [smem:$0x3FB1]  }
0x2f: {  	lr =	sadd.s32 s0, s3;
	s0 =	sld [smem:$0x3FA8]  }
0x30: {  	s3 =	sld [smem:$0x3FAB]  }
0x31: {  	[smem:$0x3FB4] =	sst s10  }
0x32: {  	s10 =	sld [smem:$0x3FB2];
	_ =	sdelay $0x3  }
0x33: {  	p0 =	seq.s32 s10, $0x1;
	s10 =	sld [smem:$0x3FB4];
	_ =	sdelay $0x3  }
0x34: {  	[smem:$0x3FB4] =	sst s10  }
0x35: {  	s10 =	sld [smem:$0x3FB3];
	_ =	sdelay $0x3  }
0x36: {  	p1 =	seq.s32 s10, $0x1;
	s10 =	sld [smem:$0x3FB4];
	_ =	sdelay $0x3  }
0x37: {  	[smem:$0x3FB4] =	sst s10  }
0x38: {  	s10 =	sld [smem:$0x3FB5]  }
0x39: {  	_ = 	snop;
	(pc) =	sbr.ind lr, $3  }
0x3a: {  	_ = 	snop  }
0x3b: {  	_ = 	snop  }
0x3c: {  	p2 =	seq.s32 s10, $0x1;
	s10 =	sld [smem:$0x3FB4]  }
0x3d: {  	_ =	shalt  }
0x3e: {  	_ =	shalt  }
0x3f: {  	_ =	shalt  }
0x40: {  	_ =	shalt  }
0x41: {  	_ =	shalt  }
0x42: {  	_ =	shalt  }
0x43: {  	_ =	shalt  }
0x44: {  	_ =	shalt  }
0x45: {  	_ =	shalt  }
0x46: {  	_ =	shalt  }
0x47: {  	_ =	shalt  }
0x48: {  	_ =	shalt  }
0x49: {  	_ =	shalt  }
0x4a: {  	_ =	shalt  }
0x4b: {  	_ =	shalt  }
0x4c: {  	_ =	shalt  }
0x4d: {  	_ =	shalt  }
0x4e: {  	_ =	shalt  }
0x4f: {  	_ =	shalt  }
0x50: {  	_ =	shalt  }
0x51: {  	_ =	shalt  }
0x52: {  	_ =	shalt  }
0x53: {  	_ =	shalt  }
0x54: {  	_ =	shalt  }
0x55: {  	_ =	shalt  }
0x56: {  	_ =	shalt  }
0x57: {  	_ =	shalt  }
0x58: {  	_ =	shalt  }
0x59: {  	_ =	shalt  }
0x5a: {  	_ =	shalt  }
0x5b: {  	_ =	shalt  }
0x5c: {  	_ =	shalt  }
0x5d: {  	_ =	shalt  }
0x5e: {  	_ =	shalt  }
0x5f: {  	_ =	shalt  }
0x60: {  	_ =	shalt  }
0x61: {  	_ =	shalt  }
0x62: {  	_ =	shalt  }
0x63: {  	_ =	shalt  }
0x64: {  	_ =	shalt  }
0x65: {  	_ =	shalt  }
0x66: {  	_ =	shalt  }
0x67: {  	_ =	shalt  }
0x68: {  	_ =	shalt  }
0x69: {  	_ =	shalt  }
0x6a: {  	_ =	shalt  }
0x6b: {  	_ =	shalt  }
0x6c: {  	_ =	shalt  }
0x6d: {  	_ =	shalt  }
0x6e: {  	_ =	shalt  }
0x6f: {  	_ =	shalt  }
0x70: {  	_ =	shalt  }
0x71: {  	_ =	shalt  }
0x72: {  	_ =	shalt  }
0x73: {  	_ =	shalt  }
0x74: {  	_ =	shalt  }
0x75: {  	_ =	shalt  }
0x76: {  	_ =	shalt  }
0x77: {  	_ =	shalt  }
0x78: {  	_ =	shalt  }
0x79: {  	_ =	shalt  }
0x7a: {  	_ =	shalt  }
0x7b: {  	_ =	shalt  }
0x7c: {  	_ =	shalt  }
0x7d: {  	_ =	shalt  }
0x7e: {  	_ =	shalt  }
0x7f: {  	_ =	shalt  }
0x80: {  	_ =	shalt  }
0x81: {  	_ =	shalt  }
0x82: {  	_ =	shalt  }
0x83: {  	_ =	shalt  }
0x84: {  	_ =	shalt  }
0x85: {  	_ =	shalt  }
0x86: {  	_ =	shalt  }
0x87: {  	_ =	shalt  }
.Lfunc_end0:
.L_simem_size_0:
called_computation_lowered:
.L_overlay_start_0:
0x88: {  	s2 =	sld [smem:$0x3FD9]  }
0x89: {  	s3 =	sld [smem:$0x3FFE];
	_ =	sdelay $0x1  }
0x8a: {  	s1 =	srdreg.scid  }
0x8b: {  	s0 =	sand.u32 $0x1, s1  }
0x8c: {  	s17 =	sshll.u32 s0, $0xA;
	s2 =	sadd.s32 s3, s2  }
0x8d: {  	s2 =	sadd.s32 s2, s17  }
0x8e: {  	[smem:$0x3FC0] =	sst s2  }
0x8f: {  	_ = 	snop  }
0x90: {  	s2 =	sld [smem:$0x3FC9]  }
0x91: {  	s18 =	sld [smem:$0x3FD0];
	(tm) =	ssettm $0x1  }
0x92: {  	s4 =	sld [smem:$0x3FFB];
	_ =	sdelay $0x3  }
0x93: {  	_ =	strace s4  }
0x94: {  	s4 =	sld [smem:$0x3FFC];
	_ =	sdelay $0x3  }
0x95: {  	_ =	strace s4  }
0x96: {  	s4 =	sld [smem:$0x3FFD];
	_ =	sdelay $0x3  }
0x97: {  	_ =	strace s4  }
0x98: {  	_ =	strace $0x8FFFFFFF  }
0x99: {  	s19 =	sld [smem:$0x3FDB];
	_ =	sdelay $0x1  }
0x9a: {  	s5 =	simm.s32 $_scs_section_size  }
0x9b: {  	s6 =	simm.s32 $_size__tile_overlayer_lowered;
	s7 =	simm.s32 $_tile_overlayer_lowered  }
0x9c: {  	s22 =	simm.s32 $0x1BFF;
	s21 =	sshll.u32 s7, $0x1;
	s4 =	sadd.s32 s5, s19  }
0x9d: {  	s8 =	simm.s32 $0x0;
	s20 =	sshll.u32 s6, $0x1;
	s6 =	sadd.s32 s21, s4  }
0x9e: {  	[timem:s8], [sflag:s22] =	dma.local [hbm:s6], s20  }
0x9f: {  	_ =	swait.ge [sflag:s22], s20  }
0xa0: {  	s5 =	ssub.s32 $0x0, s20;
	[sflag:s22] =	ssyncset.done $0x0  }
0xa1: {  	[sflag:s22] =	ssyncadd.s32 s5;
	_ =	sdelay $0x1  }
0xa2: {  	s23 =	simm.s32 $0x1B8B  }
0xa3: {  	_ =	swait.ge [sflag:s23], $0x1  }
0xa4: {  	[sflag:s23] =	ssyncset.done $0x0  }
0xa5: {  	s25 =	simm.s32 $0x1B8E;
	s24 =	sld [smem:$0x3FFE];
	[sflag:s23] =	ssyncadd.s32 $0xFFFFFFFF  }
0xa6: {  	s26 =	simm.s32 $execute0_lowered;
	[smem:$0x3FD2] =	sst s25  }
0xa7: {  	s6 =	sshll.u32 s26, $0x1;
	_ =	strace $0x80000046;
	[dreg:$0x1] =	wrdreg $0xFFFFFFFF  }
0xa8: {  	s28 =	simm.s32 $_size_execute0_lowered;
	s4 =	sadd.s32 s4, s6;
	[dreg:$0x0] =	wrdreg $0x0  }
0xa9: {  	s6 =	sshll.u32 s28, $0x1;
	[dreg:$0x2] =	wrdreg s4  }
0xaa: {  	[dreg:$0x3] =	wrdreg s6  }
0xab: {  	[dreg:$0x4] =	wrdreg $0xC0  }
0xac: {  	_ =	task [dreg:s8], $0x5FFFF  }
0xad: {  	[dreg:$0x1] =	wrdreg $0xFFFFFFFF  }
0xae: {  	[dreg:$0x0] =	wrdreg $0x60  }
0xaf: {  	[dreg:$0x2] =	wrdreg s2  }
0xb0: {  	[dreg:$0x3] =	wrdreg s18  }
0xb1: {  	[dreg:$0x4] =	wrdreg s24  }
0xb2: {  	[dreg:$0x5] =	wrdreg $0x9  }
0xb3: {  	_ =	task.clear_ibuf [dreg:s8], $0x6FFFF;
	_ =	strace $0x90000046  }
0xb4: {  	s29 =	simm.s32 $0x9;
	_ =	strace $0x80000048  }
0xb5: {  	_ =	swait.ge [sflag:s29], $0x1  }
0xb6: {  	[sflag:s29] =	ssyncadd.s32 $0xFFFFFFFF  }
0xb7: {  	_ =	strace $0x90000048  }
0xb8: {  	_ =	sfence  }
0xb9: {  	s30 =	sld [smem:$0x0];
	_ =	sdelay $0x2  }
0xba: {  	s31 =	sshll.u32 s1, $0xD;
	s1 =	sshrl.u32 s1, $0x2  }
0xbb: {  	s3 =	sand.u32 $0x4000, s31;
	s1 =	sadd.s32 s1, s30  }
0xbc: {  	s0 =	sor.u32 s3, s0;
	s1 =	sshll.u32 s1, $0x11  }
0xbd: {  	s0 =	sor.u32 s1, s0  }
0xbe: {  	s0 =	sadd.s32 $0x8F2B, s0  }
0xbf: {  	[sflag:s0] =	ssyncadd.remote.s32 $0x1  }
0xc0: {  	_ =	sfence.sel $0xFFFF  }
0xc1: {  	[dreg:$0x0] =	wrdreg $0xFFFFFFFF;
	(pc) =	sbr.abs _section_cstart, $3  }
0xc2: {  	[dreg:$0x1] =	wrdreg $0xFFFFFFFF  }
0xc3: {  	_ =	task.clear_ibuf [dreg:s8], $0x2FFFF;
	_ =	strace $0x9FFFFFFF  }
0xc4: {  	(tm) =	ssettm $0x7FFFFFFF  }
0xc5: {  	_ =	shalt  }
tec
execute0_lowered:
.L_overlay_start_1:
0x0: {  	(tag) =	ssettag $0x1  }
0x1: {  	s0 =	rddreg [dreg:$0x0]  }
0x2: {  	s1 =	rddreg [dreg:$0x1]  }
0x3: {  	s2 =	srdreg.scid;
	s4 =	stileid.u32  }
0x4: {  	s3 =	rddreg [dreg:$0x2];
	s5 =	sand.u32 $0x1, s2;
	s4 =	sshll.u32 s4, $0x1  }
0x5: {  	s29 =	simm.s32 $0x10000;
	s2 =	simm.s32 $0x0;
	s4 =	sor.u32 s5, s4  }
0x6: {  	[smem:$0x7FF] =	sst s2;
	s6 =	sshll.u32 s4, $0x8;
	s4 =	sshll.u32 s4, $0x10  }
0x7: {  	_ =	strace $0x80000047;
	[dreg:$0x14] =	wrdreg s29;
	s1 =	sadd.s32 s1, s6  }
0x8: {  	s11 =	sadd.s32 s0, s4;
	[dreg:$0x4] =	wrdreg s1  }
0x9: {  	s0 =	sadd.s32 $0x1000, s11;
	[dreg:$0x15] =	wrdreg s11  }
0xa: {  	s13 =	sadd.s32 $0x2000, s11;
	[dreg:$0x5] =	wrdreg s0  }
0xb: {  	s14 =	sadd.s32 $0x3000, s11;
	[dreg:$0x6] =	wrdreg s13  }
0xc: {  	s15 =	sadd.s32 $0x4000, s11;
	[dreg:$0x7] =	wrdreg s14  }
0xd: {  	s30 =	simm.s32 $0x8000;
	s16 =	sadd.s32 $0x5000, s11;
	[dreg:$0x8] =	wrdreg s15  }
0xe: {  	s7 =	sadd.s32 $0x1900, s3;
	s17 =	sadd.s32 $0x6000, s11;
	[dreg:$0x9] =	wrdreg s16  }
0xf: {  	s8 =	sadd.s32 $0x1A00, s3;
	s19 =	sadd.s32 $0x7000, s11;
	[dreg:$0xa] =	wrdreg s17  }
0x10: {  	s9 =	sadd.s32 $0x1B00, s3;
	s20 =	sadd.s32 $0x8000, s11;
	[dreg:$0xb] =	wrdreg s19  }
0x11: {  	s10 =	sadd.s32 $0x1C00, s3;
	s21 =	sadd.s32 $0x9000, s11;
	[dreg:$0xc] =	wrdreg s20  }
0x12: {  	s18 =	ssub.s32 $0x2, s5;
	s22 =	sadd.s32 $0xA000, s11;
	[dreg:$0xd] =	wrdreg s21  }
0x13: {  	s5 =	sshrl.u32 s18, $0x1;
	s23 =	sadd.s32 $0xB000, s11;
	[dreg:$0xe] =	wrdreg s22  }
0x14: {  	s4 =	sadd.s32 $0x1600, s3;
	s24 =	sadd.s32 $0xC000, s11;
	[dreg:$0xf] =	wrdreg s23  }
0x15: {  	s6 =	sadd.s32 $0x1800, s3;
	s25 =	sadd.s32 $0xD000, s11;
	[dreg:$0x10] =	wrdreg s24  }
0x16: {  	s1 =	ssub.s32 s18, s5;
	s26 =	sadd.s32 $0xE000, s11;
	[dreg:$0x11] =	wrdreg s25  }
0x17: {  	v2 =	vlaneseq.u32;
	s5 =	sadd.s32 $0x1700, s3;
	s28 =	sadd.s32 $0xF000, s11;
	[dreg:$0x12] =	wrdreg s26  }
0x18: {  	vm0 =	vmmov $0xffff;
	v1 =	vshrl.u32 v2, $0x3;
	s11 =	sadd.s32 $0x1D00, s3;
	[dreg:$0x13] =	wrdreg s28;
	s31 =	smax.u32 s1, $0x1  }
0x19: {  	v0 =	vand.u32 $0x7, v2;
	v2 =	vor.u32 $0x8, v2;
	v1 =	vmul.u32 $0x8, v1;
	s13 =	simm.s32 $0x3;
	s25 =	simm.s32 $0x1;
	s26 =	simm.s32 $0x2  }
.LBB2_1:
0x1a: {  	s28 =	rddreg [dreg:$0x4]  }
0x1b: {  	s29 =	rddreg [dreg:$0x14]  }
0x1c: {  	[tilespmem:s29], [sflag:$0x3] =	stream.linear.gather [hbm4b:s28+s2], $0x800, $0x38;
	[tilespmem:$0x10800] =	vst v63  }
0x1d: {  	_ =	swait.ge [sflag:s13], $0x800  }
0x1e: {  	[sflag:s13] =	ssyncset.done $0x0  }
0x1f: {  	s18 =	rddreg [dreg:$0x15];
	[sflag:s13] =	ssyncadd.s32 $0xFFFFF800  }
0x20: {  	[tilespmem:s2], [sflag:$0x3] =	stream.linear.gather [hbm4b:s18+s2], $0x8000, $0x38;
	[tilespmem:$0x10800] =	vst v63  }
0x21: {  	_ =	swait.ge [sflag:s13], $0x8000  }
0x22: {  	[sflag:s13] =	ssyncset.done $0x0  }
0x23: {  	[sflag:s13] =	ssyncadd.s32 $0xFFFF8000  }
0x24: {  	v3 =	vld [tilespmem:$0x10000];
	_ =	sdelay $0x4  }
0x25: {  	v4 =	vshll.u32 v3, $0x4  }
0x26: {  	v3 =	vand.u32 $0x7, v3;
	v4 =	vand.u32 $0xFFFFFF80, v4  }
0x27: {  	v3 =	vor.u32 v3, v4  }
0x28: {  	v4 =	vperm.xlane v3, v0;
	_ =	sdelay $0x1  }
0x29: {  	v4 =	vadd.s32 v1, v4;
	_ =	sdelay $0x4  }
0x2a: {  	[hbm4b:s4+s2] =	stream.indirect_vreg.scatter [tilespmem:s2], [sflag:$0x1], $0x80, v4, vm0, $0xb8;
	[tilespmem:$0x10800] =	vst v63  }
0x2b: {  	s0 =	simm.s32 $0x800  }
0x2c: {  	[hbm4b:s5+s2] =	stream.indirect_vreg.scatter [tilespmem:s0], [sflag:$0x1], $0x80, v4, vm0, $0xb8;
	[tilespmem:$0x10800] =	vst v63  }
0x2d: {  	s19 =	simm.s32 $0x1000  }
0x2e: {  	[hbm4b:s6+s2] =	stream.indirect_vreg.scatter [tilespmem:s19], [sflag:$0x1], $0x80, v4, vm0, $0xb8;
	[tilespmem:$0x10800] =	vst v63  }
0x2f: {  	s20 =	simm.s32 $0x1800  }
0x30: {  	[hbm4b:s7+s2] =	stream.indirect_vreg.scatter [tilespmem:s20], [sflag:$0x1], $0x80, v4, vm0, $0xb8;
	[tilespmem:$0x10800] =	vst v63  }
0x31: {  	s21 =	simm.s32 $0x2000  }
0x32: {  	[hbm4b:s8+s2] =	stream.indirect_vreg.scatter [tilespmem:s21], [sflag:$0x1], $0x80, v4, vm0, $0xb8;
	[tilespmem:$0x10800] =	vst v63  }
0x33: {  	s22 =	simm.s32 $0x2800;
	v3 =	vperm.xlane v3, v2  }
0x34: {  	[hbm4b:s9+s2] =	stream.indirect_vreg.scatter [tilespmem:s22], [sflag:$0x1], $0x80, v4, vm0, $0xb8;
	[tilespmem:$0x10800] =	vst v63  }
0x35: {  	s23 =	simm.s32 $0x3000;
	v3 =	vadd.s32 v1, v3  }
0x36: {  	[hbm4b:s10+s2] =	stream.indirect_vreg.scatter [tilespmem:s23], [sflag:$0x1], $0x80, v4, vm0, $0xb8;
	[tilespmem:$0x10800] =	vst v63  }
0x37: {  	s24 =	simm.s32 $0x3800  }
0x38: {  	[hbm4b:s11+s2] =	stream.indirect_vreg.scatter [tilespmem:s24], [sflag:$0x1], $0x80, v4, vm0, $0xb8;
	[tilespmem:$0x10800] =	vst v63  }
0x39: {  	s28 =	simm.s32 $0x4000  }
0x3a: {  	[hbm4b:s4+s2] =	stream.indirect_vreg.scatter [tilespmem:s28], [sflag:$0x1], $0x80, v3, vm0, $0xb8;
	[tilespmem:$0x10800] =	vst v63  }
0x3b: {  	s29 =	simm.s32 $0x4800  }
0x3c: {  	[hbm4b:s5+s2] =	stream.indirect_vreg.scatter [tilespmem:s29], [sflag:$0x1], $0x80, v3, vm0, $0xb8;
	[tilespmem:$0x10800] =	vst v63  }
0x3d: {  	s1 =	simm.s32 $0x5000  }
0x3e: {  	[hbm4b:s6+s2] =	stream.indirect_vreg.scatter [tilespmem:s1], [sflag:$0x1], $0x80, v3, vm0, $0xb8;
	[tilespmem:$0x10800] =	vst v63  }
0x3f: {  	s3 =	simm.s32 $0x5800  }
0x40: {  	[hbm4b:s7+s2] =	stream.indirect_vreg.scatter [tilespmem:s3], [sflag:$0x1], $0x80, v3, vm0, $0xb8;
	[tilespmem:$0x10800] =	vst v63  }
0x41: {  	s15 =	simm.s32 $0x6000  }
0x42: {  	[hbm4b:s8+s2] =	stream.indirect_vreg.scatter [tilespmem:s15], [sflag:$0x1], $0x80, v3, vm0, $0xb8;
	[tilespmem:$0x10800] =	vst v63  }
0x43: {  	s16 =	simm.s32 $0x6800  }
0x44: {  	[hbm4b:s9+s2] =	stream.indirect_vreg.scatter [tilespmem:s16], [sflag:$0x1], $0x80, v3, vm0, $0xb8;
	[tilespmem:$0x10800] =	vst v63  }
0x45: {  	s17 =	simm.s32 $0x7000  }
0x46: {  	[hbm4b:s10+s2] =	stream.indirect_vreg.scatter [tilespmem:s17], [sflag:$0x1], $0x80, v3, vm0, $0xb8;
	[tilespmem:$0x10800] =	vst v63  }
0x47: {  	s19 =	simm.s32 $0x7800  }
0x48: {  	[hbm4b:s11+s2] =	stream.indirect_vreg.scatter [tilespmem:s19], [sflag:$0x1], $0x80, v3, vm0, $0xb8;
	[tilespmem:$0x10800] =	vst v63  }
0x49: {  	s18 =	rddreg [dreg:$0x5]  }
0x4a: {  	[tilespmem:s30], [sflag:$0x3] =	stream.linear.gather [hbm4b:s18+s2], $0x8000, $0x38;
	[tilespmem:$0x10800] =	vst v63  }
0x4b: {  	_ =	swait.ge [sflag:s13], $0x8000  }
0x4c: {  	[sflag:s13] =	ssyncset.done $0x0  }
0x4d: {  	[sflag:s13] =	ssyncadd.s32 $0xFFFF8000  }
0x4e: {  	v3 =	vld [tilespmem:$0x10080];
	_ =	sdelay $0x4  }
0x4f: {  	v49 =	vshll.u32 v3, $0x4  }
0x50: {  	v3 =	vand.u32 $0x7, v3;
	v4 =	vand.u32 $0xFFFFFF80, v49  }
0x51: {  	v3 =	vor.u32 v3, v4  }
0x52: {  	v4 =	vperm.xlane v3, v0;
	_ =	sdelay $0x1  }
0x53: {  	v4 =	vadd.s32 v1, v4;
	_ =	sdelay $0x4  }
0x54: {  	[hbm4b:s4+s2] =	stream.indirect_vreg.scatter [tilespmem:s30], [sflag:$0x2], $0x80, v4, vm0, $0xb8;
	[tilespmem:$0x10800] =	vst v63  }
0x55: {  	s20 =	simm.s32 $0x8800  }
0x56: {  	[hbm4b:s5+s2] =	stream.indirect_vreg.scatter [tilespmem:s20], [sflag:$0x2], $0x80, v4, vm0, $0xb8;
	[tilespmem:$0x10800] =	vst v63  }
0x57: {  	s21 =	simm.s32 $0x9000  }
0x58: {  	[hbm4b:s6+s2] =	stream.indirect_vreg.scatter [tilespmem:s21], [sflag:$0x2], $0x80, v4, vm0, $0xb8;
	[tilespmem:$0x10800] =	vst v63  }
0x59: {  	s22 =	simm.s32 $0x9800  }
0x5a: {  	[hbm4b:s7+s2] =	stream.indirect_vreg.scatter [tilespmem:s22], [sflag:$0x2], $0x80, v4, vm0, $0xb8;
	[tilespmem:$0x10800] =	vst v63  }
0x5b: {  	s23 =	simm.s32 $0xA000  }
0x5c: {  	[hbm4b:s8+s2] =	stream.indirect_vreg.scatter [tilespmem:s23], [sflag:$0x2], $0x80, v4, vm0, $0xb8;
	[tilespmem:$0x10800] =	vst v63  }
0x5d: {  	s24 =	simm.s32 $0xA800;
	v3 =	vperm.xlane v3, v2  }
0x5e: {  	[hbm4b:s9+s2] =	stream.indirect_vreg.scatter [tilespmem:s24], [sflag:$0x2], $0x80, v4, vm0, $0xb8;
	[tilespmem:$0x10800] =	vst v63  }
0x5f: {  	s0 =	simm.s32 $0xB000;
	v3 =	vadd.s32 v1, v3  }
0x60: {  	[hbm4b:s10+s2] =	stream.indirect_vreg.scatter [tilespmem:s0], [sflag:$0x2], $0x80, v4, vm0, $0xb8;
	[tilespmem:$0x10800] =	vst v63  }
0x61: {  	s1 =	simm.s32 $0xB800  }
0x62: {  	[hbm4b:s11+s2] =	stream.indirect_vreg.scatter [tilespmem:s1], [sflag:$0x2], $0x80, v4, vm0, $0xb8;
	[tilespmem:$0x10800] =	vst v63  }
0x63: {  	s3 =	simm.s32 $0xC000  }
0x64: {  	[hbm4b:s4+s2] =	stream.indirect_vreg.scatter [tilespmem:s3], [sflag:$0x2], $0x80, v3, vm0, $0xb8;
	[tilespmem:$0x10800] =	vst v63  }
0x65: {  	s15 =	simm.s32 $0xC800  }
0x66: {  	[hbm4b:s5+s2] =	stream.indirect_vreg.scatter [tilespmem:s15], [sflag:$0x2], $0x80, v3, vm0, $0xb8;
	[tilespmem:$0x10800] =	vst v63  }
0x67: {  	s16 =	simm.s32 $0xD000  }
0x68: {  	[hbm4b:s6+s2] =	stream.indirect_vreg.scatter [tilespmem:s16], [sflag:$0x2], $0x80, v3, vm0, $0xb8;
	[tilespmem:$0x10800] =	vst v63  }
0x69: {  	s17 =	simm.s32 $0xD800  }
0x6a: {  	[hbm4b:s7+s2] =	stream.indirect_vreg.scatter [tilespmem:s17], [sflag:$0x2], $0x80, v3, vm0, $0xb8;
	[tilespmem:$0x10800] =	vst v63  }
0x6b: {  	s18 =	simm.s32 $0xE000  }
0x6c: {  	[hbm4b:s8+s2] =	stream.indirect_vreg.scatter [tilespmem:s18], [sflag:$0x2], $0x80, v3, vm0, $0xb8;
	[tilespmem:$0x10800] =	vst v63  }
0x6d: {  	s19 =	simm.s32 $0xE800  }
0x6e: {  	[hbm4b:s9+s2] =	stream.indirect_vreg.scatter [tilespmem:s19], [sflag:$0x2], $0x80, v3, vm0, $0xb8;
	[tilespmem:$0x10800] =	vst v63  }
0x6f: {  	s20 =	simm.s32 $0xF000  }
0x70: {  	[hbm4b:s10+s2] =	stream.indirect_vreg.scatter [tilespmem:s20], [sflag:$0x2], $0x80, v3, vm0, $0xb8;
	[tilespmem:$0x10800] =	vst v63  }
0x71: {  	s21 =	simm.s32 $0xF800  }
0x72: {  	[hbm4b:s11+s2] =	stream.indirect_vreg.scatter [tilespmem:s21], [sflag:$0x2], $0x80, v3, vm0, $0xb8;
	[tilespmem:$0x10800] =	vst v63  }
0x73: {  	_ =	swait.ge [sflag:s25], $0x8000  }
0x74: {  	[sflag:s25] =	ssyncset.done $0x0  }
0x75: {  	s22 =	rddreg [dreg:$0x6];
	[sflag:s25] =	ssyncadd.s32 $0xFFFF8000  }
0x76: {  	[tilespmem:s2], [sflag:$0x3] =	stream.linear.gather [hbm4b:s22+s2], $0x8000, $0x38;
	[tilespmem:$0x10800] =	vst v63  }
0x77: {  	_ =	swait.ge [sflag:s13], $0x8000  }
0x78: {  	[sflag:s13] =	ssyncset.done $0x0  }
0x79: {  	[sflag:s13] =	ssyncadd.s32 $0xFFFF8000  }
0x7a: {  	v3 =	vld [tilespmem:$0x10100];
	_ =	sdelay $0x4  }
0x7b: {  	v50 =	vshll.u32 v3, $0x4  }
0x7c: {  	v3 =	vand.u32 $0x7, v3;
	v4 =	vand.u32 $0xFFFFFF80, v50  }
0x7d: {  	v3 =	vor.u32 v3, v4  }
0x7e: {  	v4 =	vperm.xlane v3, v0;
	_ =	sdelay $0x1  }
0x7f: {  	v4 =	vadd.s32 v1, v4;
	_ =	sdelay $0x4  }
0x80: {  	[hbm4b:s4+s2] =	stream.indirect_vreg.scatter [tilespmem:s2], [sflag:$0x1], $0x80, v4, vm0, $0xb8;
	[tilespmem:$0x10800] =	vst v63  }
0x81: {  	s0 =	simm.s32 $0x800  }
0x82: {  	[hbm4b:s5+s2] =	stream.indirect_vreg.scatter [tilespmem:s0], [sflag:$0x1], $0x80, v4, vm0, $0xb8;
	[tilespmem:$0x10800] =	vst v63  }
0x83: {  	s1 =	simm.s32 $0x1000  }
0x84: {  	[hbm4b:s6+s2] =	stream.indirect_vreg.scatter [tilespmem:s1], [sflag:$0x1], $0x80, v4, vm0, $0xb8;
	[tilespmem:$0x10800] =	vst v63  }
0x85: {  	s3 =	simm.s32 $0x1800  }
0x86: {  	[hbm4b:s7+s2] =	stream.indirect_vreg.scatter [tilespmem:s3], [sflag:$0x1], $0x80, v4, vm0, $0xb8;
	[tilespmem:$0x10800] =	vst v63  }
0x87: {  	s12 =	simm.s32 $0x2000  }
0x88: {  	[hbm4b:s8+s2] =	stream.indirect_vreg.scatter [tilespmem:s12], [sflag:$0x1], $0x80, v4, vm0, $0xb8;
	[tilespmem:$0x10800] =	vst v63  }
0x89: {  	s14 =	simm.s32 $0x2800;
	v3 =	vperm.xlane v3, v2  }
0x8a: {  	[hbm4b:s9+s2] =	stream.indirect_vreg.scatter [tilespmem:s14], [sflag:$0x1], $0x80, v4, vm0, $0xb8;
	[tilespmem:$0x10800] =	vst v63  }
0x8b: {  	v3 =	vadd.s32 v1, v3;
	s12 =	simm.s32 $0x3000  }
0x8c: {  	[hbm4b:s10+s2] =	stream.indirect_vreg.scatter [tilespmem:s12], [sflag:$0x1], $0x80, v4, vm0, $0xb8;
	[tilespmem:$0x10800] =	vst v63  }
0x8d: {  	s14 =	simm.s32 $0x3800  }
0x8e: {  	[hbm4b:s11+s2] =	stream.indirect_vreg.scatter [tilespmem:s14], [sflag:$0x1], $0x80, v4, vm0, $0xb8;
	[tilespmem:$0x10800] =	vst v63  }
0x8f: {  	s15 =	simm.s32 $0x4000  }
0x90: {  	[hbm4b:s4+s2] =	stream.indirect_vreg.scatter [tilespmem:s15], [sflag:$0x1], $0x80, v3, vm0, $0xb8;
	[tilespmem:$0x10800] =	vst v63  }
0x91: {  	s16 =	simm.s32 $0x4800  }
0x92: {  	[hbm4b:s5+s2] =	stream.indirect_vreg.scatter [tilespmem:s16], [sflag:$0x1], $0x80, v3, vm0, $0xb8;
	[tilespmem:$0x10800] =	vst v63  }
0x93: {  	s17 =	simm.s32 $0x5000  }
0x94: {  	[hbm4b:s6+s2] =	stream.indirect_vreg.scatter [tilespmem:s17], [sflag:$0x1], $0x80, v3, vm0, $0xb8;
	[tilespmem:$0x10800] =	vst v63  }
0x95: {  	s18 =	simm.s32 $0x5800  }
0x96: {  	[hbm4b:s7+s2] =	stream.indirect_vreg.scatter [tilespmem:s18], [sflag:$0x1], $0x80, v3, vm0, $0xb8;
	[tilespmem:$0x10800] =	vst v63  }
0x97: {  	s19 =	simm.s32 $0x6000  }
0x98: {  	[hbm4b:s8+s2] =	stream.indirect_vreg.scatter [tilespmem:s19], [sflag:$0x1], $0x80, v3, vm0, $0xb8;
	[tilespmem:$0x10800] =	vst v63  }
0x99: {  	s20 =	simm.s32 $0x6800  }
0x9a: {  	[hbm4b:s9+s2] =	stream.indirect_vreg.scatter [tilespmem:s20], [sflag:$0x1], $0x80, v3, vm0, $0xb8;
	[tilespmem:$0x10800] =	vst v63  }
0x9b: {  	s21 =	simm.s32 $0x7000  }
0x9c: {  	[hbm4b:s10+s2] =	stream.indirect_vreg.scatter [tilespmem:s21], [sflag:$0x1], $0x80, v3, vm0, $0xb8;
	[tilespmem:$0x10800] =	vst v63  }
0x9d: {  	s22 =	simm.s32 $0x7800  }
0x9e: {  	[hbm4b:s11+s2] =	stream.indirect_vreg.scatter [tilespmem:s22], [sflag:$0x1], $0x80, v3, vm0, $0xb8;
	[tilespmem:$0x10800] =	vst v63  }
0x9f: {  	_ =	swait.ge [sflag:s26], $0x8000  }
0xa0: {  	[sflag:s26] =	ssyncset.done $0x0  }
0xa1: {  	s28 =	rddreg [dreg:$0x7];
	[sflag:s26] =	ssyncadd.s32 $0xFFFF8000  }
0xa2: {  	[tilespmem:s30], [sflag:$0x3] =	stream.linear.gather [hbm4b:s28+s2], $0x8000, $0x38;
	[tilespmem:$0x10800] =	vst v63  }
0xa3: {  	_ =	swait.ge [sflag:s13], $0x8000  }
0xa4: {  	[sflag:s13] =	ssyncset.done $0x0  }
0xa5: {  	[sflag:s13] =	ssyncadd.s32 $0xFFFF8000  }
0xa6: {  	v3 =	vld [tilespmem:$0x10180];
	_ =	sdelay $0x4  }
0xa7: {  	v51 =	vshll.u32 v3, $0x4  }
0xa8: {  	v3 =	vand.u32 $0x7, v3;
	v4 =	vand.u32 $0xFFFFFF80, v51  }
0xa9: {  	v3 =	vor.u32 v3, v4  }
0xaa: {  	v4 =	vperm.xlane v3, v0;
	_ =	sdelay $0x1  }
0xab: {  	v4 =	vadd.s32 v1, v4;
	_ =	sdelay $0x4  }
0xac: {  	[hbm4b:s4+s2] =	stream.indirect_vreg.scatter [tilespmem:s30], [sflag:$0x2], $0x80, v4, vm0, $0xb8;
	[tilespmem:$0x10800] =	vst v63  }
0xad: {  	s28 =	simm.s32 $0x8800  }
0xae: {  	[hbm4b:s5+s2] =	stream.indirect_vreg.scatter [tilespmem:s28], [sflag:$0x2], $0x80, v4, vm0, $0xb8;
	[tilespmem:$0x10800] =	vst v63  }
0xaf: {  	s28 =	simm.s32 $0x9000  }
0xb0: {  	[hbm4b:s6+s2] =	stream.indirect_vreg.scatter [tilespmem:s28], [sflag:$0x2], $0x80, v4, vm0, $0xb8;
	[tilespmem:$0x10800] =	vst v63  }
0xb1: {  	s28 =	simm.s32 $0x9800  }
0xb2: {  	[hbm4b:s7+s2] =	stream.indirect_vreg.scatter [tilespmem:s28], [sflag:$0x2], $0x80, v4, vm0, $0xb8;
	[tilespmem:$0x10800] =	vst v63  }
0xb3: {  	s29 =	simm.s32 $0xA000  }
0xb4: {  	[hbm4b:s8+s2] =	stream.indirect_vreg.scatter [tilespmem:s29], [sflag:$0x2], $0x80, v4, vm0, $0xb8;
	[tilespmem:$0x10800] =	vst v63  }
0xb5: {  	s23 =	simm.s32 $0xA800;
	v3 =	vperm.xlane v3, v2  }
0xb6: {  	[hbm4b:s9+s2] =	stream.indirect_vreg.scatter [tilespmem:s23], [sflag:$0x2], $0x80, v4, vm0, $0xb8;
	[tilespmem:$0x10800] =	vst v63  }
0xb7: {  	v3 =	vadd.s32 v1, v3;
	s28 =	simm.s32 $0xB000  }
0xb8: {  	[hbm4b:s10+s2] =	stream.indirect_vreg.scatter [tilespmem:s28], [sflag:$0x2], $0x80, v4, vm0, $0xb8;
	[tilespmem:$0x10800] =	vst v63  }
0xb9: {  	s29 =	simm.s32 $0xB800  }
0xba: {  	[hbm4b:s11+s2] =	stream.indirect_vreg.scatter [tilespmem:s29], [sflag:$0x2], $0x80, v4, vm0, $0xb8;
	[tilespmem:$0x10800] =	vst v63  }
0xbb: {  	s28 =	simm.s32 $0xC000  }
0xbc: {  	[hbm4b:s4+s2] =	stream.indirect_vreg.scatter [tilespmem:s28], [sflag:$0x2], $0x80, v3, vm0, $0xb8;
	[tilespmem:$0x10800] =	vst v63  }
0xbd: {  	s28 =	simm.s32 $0xC800  }
0xbe: {  	[hbm4b:s5+s2] =	stream.indirect_vreg.scatter [tilespmem:s28], [sflag:$0x2], $0x80, v3, vm0, $0xb8;
	[tilespmem:$0x10800] =	vst v63  }
0xbf: {  	s28 =	simm.s32 $0xD000  }
0xc0: {  	[hbm4b:s6+s2] =	stream.indirect_vreg.scatter [tilespmem:s28], [sflag:$0x2], $0x80, v3, vm0, $0xb8;
	[tilespmem:$0x10800] =	vst v63  }
0xc1: {  	s28 =	simm.s32 $0xD800  }
0xc2: {  	[hbm4b:s7+s2] =	stream.indirect_vreg.scatter [tilespmem:s28], [sflag:$0x2], $0x80, v3, vm0, $0xb8;
	[tilespmem:$0x10800] =	vst v63  }
0xc3: {  	s28 =	simm.s32 $0xE000  }
0xc4: {  	[hbm4b:s8+s2] =	stream.indirect_vreg.scatter [tilespmem:s28], [sflag:$0x2], $0x80, v3, vm0, $0xb8;
	[tilespmem:$0x10800] =	vst v63  }
0xc5: {  	s28 =	simm.s32 $0xE800  }
0xc6: {  	[hbm4b:s9+s2] =	stream.indirect_vreg.scatter [tilespmem:s28], [sflag:$0x2], $0x80, v3, vm0, $0xb8;
	[tilespmem:$0x10800] =	vst v63  }
0xc7: {  	s28 =	simm.s32 $0xF000  }
0xc8: {  	[hbm4b:s10+s2] =	stream.indirect_vreg.scatter [tilespmem:s28], [sflag:$0x2], $0x80, v3, vm0, $0xb8;
	[tilespmem:$0x10800] =	vst v63  }
0xc9: {  	s24 =	simm.s32 $0xF800  }
0xca: {  	[hbm4b:s11+s2] =	stream.indirect_vreg.scatter [tilespmem:s24], [sflag:$0x2], $0x80, v3, vm0, $0xb8;
	[tilespmem:$0x10800] =	vst v63  }
0xcb: {  	_ =	swait.ge [sflag:s25], $0x8000  }
0xcc: {  	[sflag:s25] =	ssyncset.done $0x0  }
0xcd: {  	s28 =	rddreg [dreg:$0x8];
	[sflag:s25] =	ssyncadd.s32 $0xFFFF8000  }
0xce: {  	[tilespmem:s2], [sflag:$0x3] =	stream.linear.gather [hbm4b:s28+s2], $0x8000, $0x38;
	[tilespmem:$0x10800] =	vst v63  }
0xcf: {  	_ =	swait.ge [sflag:s13], $0x8000  }
0xd0: {  	[sflag:s13] =	ssyncset.done $0x0  }
0xd1: {  	[sflag:s13] =	ssyncadd.s32 $0xFFFF8000  }
0xd2: {  	v3 =	vld [tilespmem:$0x10200];
	_ =	sdelay $0x4  }
0xd3: {  	v52 =	vshll.u32 v3, $0x4  }
0xd4: {  	v3 =	vand.u32 $0x7, v3;
	v4 =	vand.u32 $0xFFFFFF80, v52  }
0xd5: {  	v3 =	vor.u32 v3, v4  }
0xd6: {  	v4 =	vperm.xlane v3, v0;
	_ =	sdelay $0x1  }
0xd7: {  	v4 =	vadd.s32 v1, v4;
	_ =	sdelay $0x4  }
0xd8: {  	[hbm4b:s4+s2] =	stream.indirect_vreg.scatter [tilespmem:s2], [sflag:$0x1], $0x80, v4, vm0, $0xb8;
	[tilespmem:$0x10800] =	vst v63  }
0xd9: {  	_ = 	snop  }
0xda: {  	[hbm4b:s5+s2] =	stream.indirect_vreg.scatter [tilespmem:s0], [sflag:$0x1], $0x80, v4, vm0, $0xb8;
	[tilespmem:$0x10800] =	vst v63  }
0xdb: {  	_ = 	snop  }
0xdc: {  	[hbm4b:s6+s2] =	stream.indirect_vreg.scatter [tilespmem:s1], [sflag:$0x1], $0x80, v4, vm0, $0xb8;
	[tilespmem:$0x10800] =	vst v63  }
0xdd: {  	_ = 	snop  }
0xde: {  	[hbm4b:s7+s2] =	stream.indirect_vreg.scatter [tilespmem:s3], [sflag:$0x1], $0x80, v4, vm0, $0xb8;
	[tilespmem:$0x10800] =	vst v63  }
0xdf: {  	s28 =	simm.s32 $0x2000  }
0xe0: {  	[hbm4b:s8+s2] =	stream.indirect_vreg.scatter [tilespmem:s28], [sflag:$0x1], $0x80, v4, vm0, $0xb8;
	[tilespmem:$0x10800] =	vst v63  }
0xe1: {  	v3 =	vperm.xlane v3, v2;
	s28 =	simm.s32 $0x2800  }
0xe2: {  	[hbm4b:s9+s2] =	stream.indirect_vreg.scatter [tilespmem:s28], [sflag:$0x1], $0x80, v4, vm0, $0xb8;
	[tilespmem:$0x10800] =	vst v63  }
0xe3: {  	v3 =	vadd.s32 v1, v3  }
0xe4: {  	[hbm4b:s10+s2] =	stream.indirect_vreg.scatter [tilespmem:s12], [sflag:$0x1], $0x80, v4, vm0, $0xb8;
	[tilespmem:$0x10800] =	vst v63  }
0xe5: {  	_ = 	snop  }
0xe6: {  	[hbm4b:s11+s2] =	stream.indirect_vreg.scatter [tilespmem:s14], [sflag:$0x1], $0x80, v4, vm0, $0xb8;
	[tilespmem:$0x10800] =	vst v63  }
0xe7: {  	_ = 	snop  }
0xe8: {  	[hbm4b:s4+s2] =	stream.indirect_vreg.scatter [tilespmem:s15], [sflag:$0x1], $0x80, v3, vm0, $0xb8;
	[tilespmem:$0x10800] =	vst v63  }
0xe9: {  	_ = 	snop  }
0xea: {  	[hbm4b:s5+s2] =	stream.indirect_vreg.scatter [tilespmem:s16], [sflag:$0x1], $0x80, v3, vm0, $0xb8;
	[tilespmem:$0x10800] =	vst v63  }
0xeb: {  	_ = 	snop  }
0xec: {  	[hbm4b:s6+s2] =	stream.indirect_vreg.scatter [tilespmem:s17], [sflag:$0x1], $0x80, v3, vm0, $0xb8;
	[tilespmem:$0x10800] =	vst v63  }
0xed: {  	_ = 	snop  }
0xee: {  	[hbm4b:s7+s2] =	stream.indirect_vreg.scatter [tilespmem:s18], [sflag:$0x1], $0x80, v3, vm0, $0xb8;
	[tilespmem:$0x10800] =	vst v63  }
0xef: {  	_ = 	snop  }
0xf0: {  	[hbm4b:s8+s2] =	stream.indirect_vreg.scatter [tilespmem:s19], [sflag:$0x1], $0x80, v3, vm0, $0xb8;
	[tilespmem:$0x10800] =	vst v63  }
0xf1: {  	_ = 	snop  }
0xf2: {  	[hbm4b:s9+s2] =	stream.indirect_vreg.scatter [tilespmem:s20], [sflag:$0x1], $0x80, v3, vm0, $0xb8;
	[tilespmem:$0x10800] =	vst v63  }
0xf3: {  	_ = 	snop  }
0xf4: {  	[hbm4b:s10+s2] =	stream.indirect_vreg.scatter [tilespmem:s21], [sflag:$0x1], $0x80, v3, vm0, $0xb8;
	[tilespmem:$0x10800] =	vst v63  }
0xf5: {  	_ = 	snop  }
0xf6: {  	[hbm4b:s11+s2] =	stream.indirect_vreg.scatter [tilespmem:s22], [sflag:$0x1], $0x80, v3, vm0, $0xb8;
	[tilespmem:$0x10800] =	vst v63  }
0xf7: {  	_ =	swait.ge [sflag:s26], $0x8000  }
0xf8: {  	[sflag:s26] =	ssyncset.done $0x0  }
0xf9: {  	s28 =	rddreg [dreg:$0x9];
	[sflag:s26] =	ssyncadd.s32 $0xFFFF8000  }
0xfa: {  	[tilespmem:s30], [sflag:$0x3] =	stream.linear.gather [hbm4b:s28+s2], $0x8000, $0x38;
	[tilespmem:$0x10800] =	vst v63  }
0xfb: {  	_ =	swait.ge [sflag:s13], $0x8000  }
0xfc: {  	[sflag:s13] =	ssyncset.done $0x0  }
0xfd: {  	[sflag:s13] =	ssyncadd.s32 $0xFFFF8000  }
0xfe: {  	v3 =	vld [tilespmem:$0x10280];
	_ =	sdelay $0x4  }
0xff: {  	v53 =	vshll.u32 v3, $0x4  }
0x100: {  	v3 =	vand.u32 $0x7, v3;
	v4 =	vand.u32 $0xFFFFFF80, v53  }
0x101: {  	v3 =	vor.u32 v3, v4  }
0x102: {  	v4 =	vperm.xlane v3, v0;
	_ =	sdelay $0x1  }
0x103: {  	v4 =	vadd.s32 v1, v4;
	_ =	sdelay $0x4  }
0x104: {  	[hbm4b:s4+s2] =	stream.indirect_vreg.scatter [tilespmem:s30], [sflag:$0x2], $0x80, v4, vm0, $0xb8;
	[tilespmem:$0x10800] =	vst v63  }
0x105: {  	s28 =	simm.s32 $0x8800  }
0x106: {  	[hbm4b:s5+s2] =	stream.indirect_vreg.scatter [tilespmem:s28], [sflag:$0x2], $0x80, v4, vm0, $0xb8;
	[tilespmem:$0x10800] =	vst v63  }
0x107: {  	s28 =	simm.s32 $0x9000  }
0x108: {  	[hbm4b:s6+s2] =	stream.indirect_vreg.scatter [tilespmem:s28], [sflag:$0x2], $0x80, v4, vm0, $0xb8;
	[tilespmem:$0x10800] =	vst v63  }
0x109: {  	s28 =	simm.s32 $0x9800  }
0x10a: {  	[hbm4b:s7+s2] =	stream.indirect_vreg.scatter [tilespmem:s28], [sflag:$0x2], $0x80, v4, vm0, $0xb8;
	[tilespmem:$0x10800] =	vst v63  }
0x10b: {  	s28 =	simm.s32 $0xA000  }
0x10c: {  	[hbm4b:s8+s2] =	stream.indirect_vreg.scatter [tilespmem:s28], [sflag:$0x2], $0x80, v4, vm0, $0xb8;
	[tilespmem:$0x10800] =	vst v63  }
0x10d: {  	v3 =	vperm.xlane v3, v2;
	s28 =	simm.s32 $0xA800  }
0x10e: {  	[hbm4b:s9+s2] =	stream.indirect_vreg.scatter [tilespmem:s28], [sflag:$0x2], $0x80, v4, vm0, $0xb8;
	[tilespmem:$0x10800] =	vst v63  }
0x10f: {  	s23 =	simm.s32 $0xB000;
	v3 =	vadd.s32 v1, v3  }
0x110: {  	[hbm4b:s10+s2] =	stream.indirect_vreg.scatter [tilespmem:s23], [sflag:$0x2], $0x80, v4, vm0, $0xb8;
	[tilespmem:$0x10800] =	vst v63  }
0x111: {  	s29 =	simm.s32 $0xB800  }
0x112: {  	[hbm4b:s11+s2] =	stream.indirect_vreg.scatter [tilespmem:s29], [sflag:$0x2], $0x80, v4, vm0, $0xb8;
	[tilespmem:$0x10800] =	vst v63  }
0x113: {  	s28 =	simm.s32 $0xC000  }
0x114: {  	[hbm4b:s4+s2] =	stream.indirect_vreg.scatter [tilespmem:s28], [sflag:$0x2], $0x80, v3, vm0, $0xb8;
	[tilespmem:$0x10800] =	vst v63  }
0x115: {  	s28 =	simm.s32 $0xC800  }
0x116: {  	[hbm4b:s5+s2] =	stream.indirect_vreg.scatter [tilespmem:s28], [sflag:$0x2], $0x80, v3, vm0, $0xb8;
	[tilespmem:$0x10800] =	vst v63  }
0x117: {  	s28 =	simm.s32 $0xD000  }
0x118: {  	[hbm4b:s6+s2] =	stream.indirect_vreg.scatter [tilespmem:s28], [sflag:$0x2], $0x80, v3, vm0, $0xb8;
	[tilespmem:$0x10800] =	vst v63  }
0x119: {  	s28 =	simm.s32 $0xD800  }
0x11a: {  	[hbm4b:s7+s2] =	stream.indirect_vreg.scatter [tilespmem:s28], [sflag:$0x2], $0x80, v3, vm0, $0xb8;
	[tilespmem:$0x10800] =	vst v63  }
0x11b: {  	s28 =	simm.s32 $0xE000  }
0x11c: {  	[hbm4b:s8+s2] =	stream.indirect_vreg.scatter [tilespmem:s28], [sflag:$0x2], $0x80, v3, vm0, $0xb8;
	[tilespmem:$0x10800] =	vst v63  }
0x11d: {  	s28 =	simm.s32 $0xE800  }
0x11e: {  	[hbm4b:s9+s2] =	stream.indirect_vreg.scatter [tilespmem:s28], [sflag:$0x2], $0x80, v3, vm0, $0xb8;
	[tilespmem:$0x10800] =	vst v63  }
0x11f: {  	s28 =	simm.s32 $0xF000  }
0x120: {  	[hbm4b:s10+s2] =	stream.indirect_vreg.scatter [tilespmem:s28], [sflag:$0x2], $0x80, v3, vm0, $0xb8;
	[tilespmem:$0x10800] =	vst v63  }
0x121: {  	s24 =	simm.s32 $0xF800  }
0x122: {  	[hbm4b:s11+s2] =	stream.indirect_vreg.scatter [tilespmem:s24], [sflag:$0x2], $0x80, v3, vm0, $0xb8;
	[tilespmem:$0x10800] =	vst v63  }
0x123: {  	_ =	swait.ge [sflag:s25], $0x8000  }
0x124: {  	[sflag:s25] =	ssyncset.done $0x0  }
0x125: {  	s28 =	rddreg [dreg:$0xa];
	[sflag:s25] =	ssyncadd.s32 $0xFFFF8000  }
0x126: {  	[tilespmem:s2], [sflag:$0x3] =	stream.linear.gather [hbm4b:s28+s2], $0x8000, $0x38;
	[tilespmem:$0x10800] =	vst v63  }
0x127: {  	_ =	swait.ge [sflag:s13], $0x8000  }
0x128: {  	[sflag:s13] =	ssyncset.done $0x0  }
0x129: {  	[sflag:s13] =	ssyncadd.s32 $0xFFFF8000  }
0x12a: {  	v3 =	vld [tilespmem:$0x10300];
	_ =	sdelay $0x4  }
0x12b: {  	v54 =	vshll.u32 v3, $0x4  }
0x12c: {  	v3 =	vand.u32 $0x7, v3;
	v4 =	vand.u32 $0xFFFFFF80, v54  }
0x12d: {  	v3 =	vor.u32 v3, v4  }
0x12e: {  	v4 =	vperm.xlane v3, v0;
	_ =	sdelay $0x1  }
0x12f: {  	v4 =	vadd.s32 v1, v4;
	_ =	sdelay $0x4  }
0x130: {  	[hbm4b:s4+s2] =	stream.indirect_vreg.scatter [tilespmem:s2], [sflag:$0x1], $0x80, v4, vm0, $0xb8;
	[tilespmem:$0x10800] =	vst v63  }
0x131: {  	s0 =	simm.s32 $0x800  }
0x132: {  	[hbm4b:s5+s2] =	stream.indirect_vreg.scatter [tilespmem:s0], [sflag:$0x1], $0x80, v4, vm0, $0xb8;
	[tilespmem:$0x10800] =	vst v63  }
0x133: {  	s1 =	simm.s32 $0x1000  }
0x134: {  	[hbm4b:s6+s2] =	stream.indirect_vreg.scatter [tilespmem:s1], [sflag:$0x1], $0x80, v4, vm0, $0xb8;
	[tilespmem:$0x10800] =	vst v63  }
0x135: {  	s3 =	simm.s32 $0x1800  }
0x136: {  	[hbm4b:s7+s2] =	stream.indirect_vreg.scatter [tilespmem:s3], [sflag:$0x1], $0x80, v4, vm0, $0xb8;
	[tilespmem:$0x10800] =	vst v63  }
0x137: {  	s28 =	simm.s32 $0x2000  }
0x138: {  	[hbm4b:s8+s2] =	stream.indirect_vreg.scatter [tilespmem:s28], [sflag:$0x1], $0x80, v4, vm0, $0xb8;
	[tilespmem:$0x10800] =	vst v63  }
0x139: {  	v3 =	vperm.xlane v3, v2;
	s28 =	simm.s32 $0x2800  }
0x13a: {  	[hbm4b:s9+s2] =	stream.indirect_vreg.scatter [tilespmem:s28], [sflag:$0x1], $0x80, v4, vm0, $0xb8;
	[tilespmem:$0x10800] =	vst v63  }
0x13b: {  	s12 =	simm.s32 $0x3000;
	v3 =	vadd.s32 v1, v3  }
0x13c: {  	[hbm4b:s10+s2] =	stream.indirect_vreg.scatter [tilespmem:s12], [sflag:$0x1], $0x80, v4, vm0, $0xb8;
	[tilespmem:$0x10800] =	vst v63  }
0x13d: {  	s14 =	simm.s32 $0x3800  }
0x13e: {  	[hbm4b:s11+s2] =	stream.indirect_vreg.scatter [tilespmem:s14], [sflag:$0x1], $0x80, v4, vm0, $0xb8;
	[tilespmem:$0x10800] =	vst v63  }
0x13f: {  	s15 =	simm.s32 $0x4000  }
0x140: {  	[hbm4b:s4+s2] =	stream.indirect_vreg.scatter [tilespmem:s15], [sflag:$0x1], $0x80, v3, vm0, $0xb8;
	[tilespmem:$0x10800] =	vst v63  }
0x141: {  	s16 =	simm.s32 $0x4800  }
0x142: {  	[hbm4b:s5+s2] =	stream.indirect_vreg.scatter [tilespmem:s16], [sflag:$0x1], $0x80, v3, vm0, $0xb8;
	[tilespmem:$0x10800] =	vst v63  }
0x143: {  	s17 =	simm.s32 $0x5000  }
0x144: {  	[hbm4b:s6+s2] =	stream.indirect_vreg.scatter [tilespmem:s17], [sflag:$0x1], $0x80, v3, vm0, $0xb8;
	[tilespmem:$0x10800] =	vst v63  }
0x145: {  	s18 =	simm.s32 $0x5800  }
0x146: {  	[hbm4b:s7+s2] =	stream.indirect_vreg.scatter [tilespmem:s18], [sflag:$0x1], $0x80, v3, vm0, $0xb8;
	[tilespmem:$0x10800] =	vst v63  }
0x147: {  	s19 =	simm.s32 $0x6000  }
0x148: {  	[hbm4b:s8+s2] =	stream.indirect_vreg.scatter [tilespmem:s19], [sflag:$0x1], $0x80, v3, vm0, $0xb8;
	[tilespmem:$0x10800] =	vst v63  }
0x149: {  	s20 =	simm.s32 $0x6800  }
0x14a: {  	[hbm4b:s9+s2] =	stream.indirect_vreg.scatter [tilespmem:s20], [sflag:$0x1], $0x80, v3, vm0, $0xb8;
	[tilespmem:$0x10800] =	vst v63  }
0x14b: {  	s21 =	simm.s32 $0x7000  }
0x14c: {  	[hbm4b:s10+s2] =	stream.indirect_vreg.scatter [tilespmem:s21], [sflag:$0x1], $0x80, v3, vm0, $0xb8;
	[tilespmem:$0x10800] =	vst v63  }
0x14d: {  	s22 =	simm.s32 $0x7800  }
0x14e: {  	[hbm4b:s11+s2] =	stream.indirect_vreg.scatter [tilespmem:s22], [sflag:$0x1], $0x80, v3, vm0, $0xb8;
	[tilespmem:$0x10800] =	vst v63  }
0x14f: {  	_ =	swait.ge [sflag:s26], $0x8000  }
0x150: {  	[sflag:s26] =	ssyncset.done $0x0  }
0x151: {  	s28 =	rddreg [dreg:$0xb];
	[sflag:s26] =	ssyncadd.s32 $0xFFFF8000  }
0x152: {  	[tilespmem:s30], [sflag:$0x3] =	stream.linear.gather [hbm4b:s28+s2], $0x8000, $0x38;
	[tilespmem:$0x10800] =	vst v63  }
0x153: {  	_ =	swait.ge [sflag:s13], $0x8000  }
0x154: {  	[sflag:s13] =	ssyncset.done $0x0  }
0x155: {  	[sflag:s13] =	ssyncadd.s32 $0xFFFF8000  }
0x156: {  	v3 =	vld [tilespmem:$0x10380];
	_ =	sdelay $0x4  }
0x157: {  	v55 =	vshll.u32 v3, $0x4  }
0x158: {  	v3 =	vand.u32 $0x7, v3;
	v4 =	vand.u32 $0xFFFFFF80, v55  }
0x159: {  	v3 =	vor.u32 v3, v4  }
0x15a: {  	v4 =	vperm.xlane v3, v0;
	_ =	sdelay $0x1  }
0x15b: {  	v4 =	vadd.s32 v1, v4;
	_ =	sdelay $0x4  }
0x15c: {  	[hbm4b:s4+s2] =	stream.indirect_vreg.scatter [tilespmem:s30], [sflag:$0x2], $0x80, v4, vm0, $0xb8;
	[tilespmem:$0x10800] =	vst v63  }
0x15d: {  	s28 =	simm.s32 $0x8800  }
0x15e: {  	[hbm4b:s5+s2] =	stream.indirect_vreg.scatter [tilespmem:s28], [sflag:$0x2], $0x80, v4, vm0, $0xb8;
	[tilespmem:$0x10800] =	vst v63  }
0x15f: {  	s28 =	simm.s32 $0x9000  }
0x160: {  	[hbm4b:s6+s2] =	stream.indirect_vreg.scatter [tilespmem:s28], [sflag:$0x2], $0x80, v4, vm0, $0xb8;
	[tilespmem:$0x10800] =	vst v63  }
0x161: {  	s28 =	simm.s32 $0x9800  }
0x162: {  	[hbm4b:s7+s2] =	stream.indirect_vreg.scatter [tilespmem:s28], [sflag:$0x2], $0x80, v4, vm0, $0xb8;
	[tilespmem:$0x10800] =	vst v63  }
0x163: {  	s28 =	simm.s32 $0xA000  }
0x164: {  	[hbm4b:s8+s2] =	stream.indirect_vreg.scatter [tilespmem:s28], [sflag:$0x2], $0x80, v4, vm0, $0xb8;
	[tilespmem:$0x10800] =	vst v63  }
0x165: {  	v3 =	vperm.xlane v3, v2;
	s28 =	simm.s32 $0xA800  }
0x166: {  	[hbm4b:s9+s2] =	stream.indirect_vreg.scatter [tilespmem:s28], [sflag:$0x2], $0x80, v4, vm0, $0xb8;
	[tilespmem:$0x10800] =	vst v63  }
0x167: {  	s23 =	simm.s32 $0xB000;
	v3 =	vadd.s32 v1, v3  }
0x168: {  	[hbm4b:s10+s2] =	stream.indirect_vreg.scatter [tilespmem:s23], [sflag:$0x2], $0x80, v4, vm0, $0xb8;
	[tilespmem:$0x10800] =	vst v63  }
0x169: {  	s29 =	simm.s32 $0xB800  }
0x16a: {  	[hbm4b:s11+s2] =	stream.indirect_vreg.scatter [tilespmem:s29], [sflag:$0x2], $0x80, v4, vm0, $0xb8;
	[tilespmem:$0x10800] =	vst v63  }
0x16b: {  	s28 =	simm.s32 $0xC000  }
0x16c: {  	[hbm4b:s4+s2] =	stream.indirect_vreg.scatter [tilespmem:s28], [sflag:$0x2], $0x80, v3, vm0, $0xb8;
	[tilespmem:$0x10800] =	vst v63  }
0x16d: {  	s28 =	simm.s32 $0xC800  }
0x16e: {  	[hbm4b:s5+s2] =	stream.indirect_vreg.scatter [tilespmem:s28], [sflag:$0x2], $0x80, v3, vm0, $0xb8;
	[tilespmem:$0x10800] =	vst v63  }
0x16f: {  	s28 =	simm.s32 $0xD000  }
0x170: {  	[hbm4b:s6+s2] =	stream.indirect_vreg.scatter [tilespmem:s28], [sflag:$0x2], $0x80, v3, vm0, $0xb8;
	[tilespmem:$0x10800] =	vst v63  }
0x171: {  	s28 =	simm.s32 $0xD800  }
0x172: {  	[hbm4b:s7+s2] =	stream.indirect_vreg.scatter [tilespmem:s28], [sflag:$0x2], $0x80, v3, vm0, $0xb8;
	[tilespmem:$0x10800] =	vst v63  }
0x173: {  	s28 =	simm.s32 $0xE000  }
0x174: {  	[hbm4b:s8+s2] =	stream.indirect_vreg.scatter [tilespmem:s28], [sflag:$0x2], $0x80, v3, vm0, $0xb8;
	[tilespmem:$0x10800] =	vst v63  }
0x175: {  	s28 =	simm.s32 $0xE800  }
0x176: {  	[hbm4b:s9+s2] =	stream.indirect_vreg.scatter [tilespmem:s28], [sflag:$0x2], $0x80, v3, vm0, $0xb8;
	[tilespmem:$0x10800] =	vst v63  }
0x177: {  	s28 =	simm.s32 $0xF000  }
0x178: {  	[hbm4b:s10+s2] =	stream.indirect_vreg.scatter [tilespmem:s28], [sflag:$0x2], $0x80, v3, vm0, $0xb8;
	[tilespmem:$0x10800] =	vst v63  }
0x179: {  	s24 =	simm.s32 $0xF800  }
0x17a: {  	[hbm4b:s11+s2] =	stream.indirect_vreg.scatter [tilespmem:s24], [sflag:$0x2], $0x80, v3, vm0, $0xb8;
	[tilespmem:$0x10800] =	vst v63  }
0x17b: {  	_ =	swait.ge [sflag:s25], $0x8000  }
0x17c: {  	[sflag:s25] =	ssyncset.done $0x0  }
0x17d: {  	s28 =	rddreg [dreg:$0xc];
	[sflag:s25] =	ssyncadd.s32 $0xFFFF8000  }
0x17e: {  	[tilespmem:s2], [sflag:$0x3] =	stream.linear.gather [hbm4b:s28+s2], $0x8000, $0x38;
	[tilespmem:$0x10800] =	vst v63  }
0x17f: {  	_ =	swait.ge [sflag:s13], $0x8000  }
0x180: {  	[sflag:s13] =	ssyncset.done $0x0  }
0x181: {  	[sflag:s13] =	ssyncadd.s32 $0xFFFF8000  }
0x182: {  	v3 =	vld [tilespmem:$0x10400];
	_ =	sdelay $0x4  }
0x183: {  	v56 =	vshll.u32 v3, $0x4  }
0x184: {  	v3 =	vand.u32 $0x7, v3;
	v4 =	vand.u32 $0xFFFFFF80, v56  }
0x185: {  	v3 =	vor.u32 v3, v4  }
0x186: {  	v4 =	vperm.xlane v3, v0;
	_ =	sdelay $0x1  }
0x187: {  	v4 =	vadd.s32 v1, v4;
	_ =	sdelay $0x4  }
0x188: {  	[hbm4b:s4+s2] =	stream.indirect_vreg.scatter [tilespmem:s2], [sflag:$0x1], $0x80, v4, vm0, $0xb8;
	[tilespmem:$0x10800] =	vst v63  }
0x189: {  	s0 =	simm.s32 $0x800  }
0x18a: {  	[hbm4b:s5+s2] =	stream.indirect_vreg.scatter [tilespmem:s0], [sflag:$0x1], $0x80, v4, vm0, $0xb8;
	[tilespmem:$0x10800] =	vst v63  }
0x18b: {  	s1 =	simm.s32 $0x1000  }
0x18c: {  	[hbm4b:s6+s2] =	stream.indirect_vreg.scatter [tilespmem:s1], [sflag:$0x1], $0x80, v4, vm0, $0xb8;
	[tilespmem:$0x10800] =	vst v63  }
0x18d: {  	s3 =	simm.s32 $0x1800  }
0x18e: {  	[hbm4b:s7+s2] =	stream.indirect_vreg.scatter [tilespmem:s3], [sflag:$0x1], $0x80, v4, vm0, $0xb8;
	[tilespmem:$0x10800] =	vst v63  }
0x18f: {  	s28 =	simm.s32 $0x2000  }
0x190: {  	[hbm4b:s8+s2] =	stream.indirect_vreg.scatter [tilespmem:s28], [sflag:$0x1], $0x80, v4, vm0, $0xb8;
	[tilespmem:$0x10800] =	vst v63  }
0x191: {  	v3 =	vperm.xlane v3, v2;
	s28 =	simm.s32 $0x2800  }
0x192: {  	[hbm4b:s9+s2] =	stream.indirect_vreg.scatter [tilespmem:s28], [sflag:$0x1], $0x80, v4, vm0, $0xb8;
	[tilespmem:$0x10800] =	vst v63  }
0x193: {  	s12 =	simm.s32 $0x3000;
	v3 =	vadd.s32 v1, v3  }
0x194: {  	[hbm4b:s10+s2] =	stream.indirect_vreg.scatter [tilespmem:s12], [sflag:$0x1], $0x80, v4, vm0, $0xb8;
	[tilespmem:$0x10800] =	vst v63  }
0x195: {  	s14 =	simm.s32 $0x3800  }
0x196: {  	[hbm4b:s11+s2] =	stream.indirect_vreg.scatter [tilespmem:s14], [sflag:$0x1], $0x80, v4, vm0, $0xb8;
	[tilespmem:$0x10800] =	vst v63  }
0x197: {  	s15 =	simm.s32 $0x4000  }
0x198: {  	[hbm4b:s4+s2] =	stream.indirect_vreg.scatter [tilespmem:s15], [sflag:$0x1], $0x80, v3, vm0, $0xb8;
	[tilespmem:$0x10800] =	vst v63  }
0x199: {  	s16 =	simm.s32 $0x4800  }
0x19a: {  	[hbm4b:s5+s2] =	stream.indirect_vreg.scatter [tilespmem:s16], [sflag:$0x1], $0x80, v3, vm0, $0xb8;
	[tilespmem:$0x10800] =	vst v63  }
0x19b: {  	s17 =	simm.s32 $0x5000  }
0x19c: {  	[hbm4b:s6+s2] =	stream.indirect_vreg.scatter [tilespmem:s17], [sflag:$0x1], $0x80, v3, vm0, $0xb8;
	[tilespmem:$0x10800] =	vst v63  }
0x19d: {  	s18 =	simm.s32 $0x5800  }
0x19e: {  	[hbm4b:s7+s2] =	stream.indirect_vreg.scatter [tilespmem:s18], [sflag:$0x1], $0x80, v3, vm0, $0xb8;
	[tilespmem:$0x10800] =	vst v63  }
0x19f: {  	s19 =	simm.s32 $0x6000  }
0x1a0: {  	[hbm4b:s8+s2] =	stream.indirect_vreg.scatter [tilespmem:s19], [sflag:$0x1], $0x80, v3, vm0, $0xb8;
	[tilespmem:$0x10800] =	vst v63  }
0x1a1: {  	s20 =	simm.s32 $0x6800  }
0x1a2: {  	[hbm4b:s9+s2] =	stream.indirect_vreg.scatter [tilespmem:s20], [sflag:$0x1], $0x80, v3, vm0, $0xb8;
	[tilespmem:$0x10800] =	vst v63  }
0x1a3: {  	s21 =	simm.s32 $0x7000  }
0x1a4: {  	[hbm4b:s10+s2] =	stream.indirect_vreg.scatter [tilespmem:s21], [sflag:$0x1], $0x80, v3, vm0, $0xb8;
	[tilespmem:$0x10800] =	vst v63  }
0x1a5: {  	s22 =	simm.s32 $0x7800  }
0x1a6: {  	[hbm4b:s11+s2] =	stream.indirect_vreg.scatter [tilespmem:s22], [sflag:$0x1], $0x80, v3, vm0, $0xb8;
	[tilespmem:$0x10800] =	vst v63  }
0x1a7: {  	_ =	swait.ge [sflag:s26], $0x8000  }
0x1a8: {  	[sflag:s26] =	ssyncset.done $0x0  }
0x1a9: {  	s28 =	rddreg [dreg:$0xd];
	[sflag:s26] =	ssyncadd.s32 $0xFFFF8000  }
0x1aa: {  	[tilespmem:s30], [sflag:$0x3] =	stream.linear.gather [hbm4b:s28+s2], $0x8000, $0x38;
	[tilespmem:$0x10800] =	vst v63  }
0x1ab: {  	_ =	swait.ge [sflag:s13], $0x8000  }
0x1ac: {  	[sflag:s13] =	ssyncset.done $0x0  }
0x1ad: {  	[sflag:s13] =	ssyncadd.s32 $0xFFFF8000  }
0x1ae: {  	v3 =	vld [tilespmem:$0x10480];
	_ =	sdelay $0x4  }
0x1af: {  	v57 =	vshll.u32 v3, $0x4  }
0x1b0: {  	v3 =	vand.u32 $0x7, v3;
	v4 =	vand.u32 $0xFFFFFF80, v57  }
0x1b1: {  	v3 =	vor.u32 v3, v4  }
0x1b2: {  	v4 =	vperm.xlane v3, v0;
	_ =	sdelay $0x1  }
0x1b3: {  	v4 =	vadd.s32 v1, v4;
	_ =	sdelay $0x4  }
0x1b4: {  	[hbm4b:s4+s2] =	stream.indirect_vreg.scatter [tilespmem:s30], [sflag:$0x2], $0x80, v4, vm0, $0xb8;
	[tilespmem:$0x10800] =	vst v63  }
0x1b5: {  	s28 =	simm.s32 $0x8800  }
0x1b6: {  	[hbm4b:s5+s2] =	stream.indirect_vreg.scatter [tilespmem:s28], [sflag:$0x2], $0x80, v4, vm0, $0xb8;
	[tilespmem:$0x10800] =	vst v63  }
0x1b7: {  	s28 =	simm.s32 $0x9000  }
0x1b8: {  	[hbm4b:s6+s2] =	stream.indirect_vreg.scatter [tilespmem:s28], [sflag:$0x2], $0x80, v4, vm0, $0xb8;
	[tilespmem:$0x10800] =	vst v63  }
0x1b9: {  	s28 =	simm.s32 $0x9800  }
0x1ba: {  	[hbm4b:s7+s2] =	stream.indirect_vreg.scatter [tilespmem:s28], [sflag:$0x2], $0x80, v4, vm0, $0xb8;
	[tilespmem:$0x10800] =	vst v63  }
0x1bb: {  	s28 =	simm.s32 $0xA000  }
0x1bc: {  	[hbm4b:s8+s2] =	stream.indirect_vreg.scatter [tilespmem:s28], [sflag:$0x2], $0x80, v4, vm0, $0xb8;
	[tilespmem:$0x10800] =	vst v63  }
0x1bd: {  	v3 =	vperm.xlane v3, v2;
	s28 =	simm.s32 $0xA800  }
0x1be: {  	[hbm4b:s9+s2] =	stream.indirect_vreg.scatter [tilespmem:s28], [sflag:$0x2], $0x80, v4, vm0, $0xb8;
	[tilespmem:$0x10800] =	vst v63  }
0x1bf: {  	s23 =	simm.s32 $0xB000;
	v3 =	vadd.s32 v1, v3  }
0x1c0: {  	[hbm4b:s10+s2] =	stream.indirect_vreg.scatter [tilespmem:s23], [sflag:$0x2], $0x80, v4, vm0, $0xb8;
	[tilespmem:$0x10800] =	vst v63  }
0x1c1: {  	s29 =	simm.s32 $0xB800  }
0x1c2: {  	[hbm4b:s11+s2] =	stream.indirect_vreg.scatter [tilespmem:s29], [sflag:$0x2], $0x80, v4, vm0, $0xb8;
	[tilespmem:$0x10800] =	vst v63  }
0x1c3: {  	s28 =	simm.s32 $0xC000  }
0x1c4: {  	[hbm4b:s4+s2] =	stream.indirect_vreg.scatter [tilespmem:s28], [sflag:$0x2], $0x80, v3, vm0, $0xb8;
	[tilespmem:$0x10800] =	vst v63  }
0x1c5: {  	s28 =	simm.s32 $0xC800  }
0x1c6: {  	[hbm4b:s5+s2] =	stream.indirect_vreg.scatter [tilespmem:s28], [sflag:$0x2], $0x80, v3, vm0, $0xb8;
	[tilespmem:$0x10800] =	vst v63  }
0x1c7: {  	s28 =	simm.s32 $0xD000  }
0x1c8: {  	[hbm4b:s6+s2] =	stream.indirect_vreg.scatter [tilespmem:s28], [sflag:$0x2], $0x80, v3, vm0, $0xb8;
	[tilespmem:$0x10800] =	vst v63  }
0x1c9: {  	s28 =	simm.s32 $0xD800  }
0x1ca: {  	[hbm4b:s7+s2] =	stream.indirect_vreg.scatter [tilespmem:s28], [sflag:$0x2], $0x80, v3, vm0, $0xb8;
	[tilespmem:$0x10800] =	vst v63  }
0x1cb: {  	s28 =	simm.s32 $0xE000  }
0x1cc: {  	[hbm4b:s8+s2] =	stream.indirect_vreg.scatter [tilespmem:s28], [sflag:$0x2], $0x80, v3, vm0, $0xb8;
	[tilespmem:$0x10800] =	vst v63  }
0x1cd: {  	s28 =	simm.s32 $0xE800  }
0x1ce: {  	[hbm4b:s9+s2] =	stream.indirect_vreg.scatter [tilespmem:s28], [sflag:$0x2], $0x80, v3, vm0, $0xb8;
	[tilespmem:$0x10800] =	vst v63  }
0x1cf: {  	s28 =	simm.s32 $0xF000  }
0x1d0: {  	[hbm4b:s10+s2] =	stream.indirect_vreg.scatter [tilespmem:s28], [sflag:$0x2], $0x80, v3, vm0, $0xb8;
	[tilespmem:$0x10800] =	vst v63  }
0x1d1: {  	s24 =	simm.s32 $0xF800  }
0x1d2: {  	[hbm4b:s11+s2] =	stream.indirect_vreg.scatter [tilespmem:s24], [sflag:$0x2], $0x80, v3, vm0, $0xb8;
	[tilespmem:$0x10800] =	vst v63  }
0x1d3: {  	_ =	swait.ge [sflag:s25], $0x8000  }
0x1d4: {  	[sflag:s25] =	ssyncset.done $0x0  }
0x1d5: {  	s28 =	rddreg [dreg:$0xe];
	[sflag:s25] =	ssyncadd.s32 $0xFFFF8000  }
0x1d6: {  	[tilespmem:s2], [sflag:$0x3] =	stream.linear.gather [hbm4b:s28+s2], $0x8000, $0x38;
	[tilespmem:$0x10800] =	vst v63  }
0x1d7: {  	_ =	swait.ge [sflag:s13], $0x8000  }
0x1d8: {  	[sflag:s13] =	ssyncset.done $0x0  }
0x1d9: {  	[sflag:s13] =	ssyncadd.s32 $0xFFFF8000  }
0x1da: {  	v3 =	vld [tilespmem:$0x10500];
	_ =	sdelay $0x4  }
0x1db: {  	v58 =	vshll.u32 v3, $0x4  }
0x1dc: {  	v3 =	vand.u32 $0x7, v3;
	v4 =	vand.u32 $0xFFFFFF80, v58  }
0x1dd: {  	v3 =	vor.u32 v3, v4  }
0x1de: {  	v4 =	vperm.xlane v3, v0;
	_ =	sdelay $0x1  }
0x1df: {  	v4 =	vadd.s32 v1, v4;
	_ =	sdelay $0x4  }
0x1e0: {  	[hbm4b:s4+s2] =	stream.indirect_vreg.scatter [tilespmem:s2], [sflag:$0x1], $0x80, v4, vm0, $0xb8;
	[tilespmem:$0x10800] =	vst v63  }
0x1e1: {  	s0 =	simm.s32 $0x800  }
0x1e2: {  	[hbm4b:s5+s2] =	stream.indirect_vreg.scatter [tilespmem:s0], [sflag:$0x1], $0x80, v4, vm0, $0xb8;
	[tilespmem:$0x10800] =	vst v63  }
0x1e3: {  	s1 =	simm.s32 $0x1000  }
0x1e4: {  	[hbm4b:s6+s2] =	stream.indirect_vreg.scatter [tilespmem:s1], [sflag:$0x1], $0x80, v4, vm0, $0xb8;
	[tilespmem:$0x10800] =	vst v63  }
0x1e5: {  	s3 =	simm.s32 $0x1800  }
0x1e6: {  	[hbm4b:s7+s2] =	stream.indirect_vreg.scatter [tilespmem:s3], [sflag:$0x1], $0x80, v4, vm0, $0xb8;
	[tilespmem:$0x10800] =	vst v63  }
0x1e7: {  	s28 =	simm.s32 $0x2000  }
0x1e8: {  	[hbm4b:s8+s2] =	stream.indirect_vreg.scatter [tilespmem:s28], [sflag:$0x1], $0x80, v4, vm0, $0xb8;
	[tilespmem:$0x10800] =	vst v63  }
0x1e9: {  	v3 =	vperm.xlane v3, v2;
	s28 =	simm.s32 $0x2800  }
0x1ea: {  	[hbm4b:s9+s2] =	stream.indirect_vreg.scatter [tilespmem:s28], [sflag:$0x1], $0x80, v4, vm0, $0xb8;
	[tilespmem:$0x10800] =	vst v63  }
0x1eb: {  	s12 =	simm.s32 $0x3000;
	v3 =	vadd.s32 v1, v3  }
0x1ec: {  	[hbm4b:s10+s2] =	stream.indirect_vreg.scatter [tilespmem:s12], [sflag:$0x1], $0x80, v4, vm0, $0xb8;
	[tilespmem:$0x10800] =	vst v63  }
0x1ed: {  	s14 =	simm.s32 $0x3800  }
0x1ee: {  	[hbm4b:s11+s2] =	stream.indirect_vreg.scatter [tilespmem:s14], [sflag:$0x1], $0x80, v4, vm0, $0xb8;
	[tilespmem:$0x10800] =	vst v63  }
0x1ef: {  	s15 =	simm.s32 $0x4000  }
0x1f0: {  	[hbm4b:s4+s2] =	stream.indirect_vreg.scatter [tilespmem:s15], [sflag:$0x1], $0x80, v3, vm0, $0xb8;
	[tilespmem:$0x10800] =	vst v63  }
0x1f1: {  	s16 =	simm.s32 $0x4800  }
0x1f2: {  	[hbm4b:s5+s2] =	stream.indirect_vreg.scatter [tilespmem:s16], [sflag:$0x1], $0x80, v3, vm0, $0xb8;
	[tilespmem:$0x10800] =	vst v63  }
0x1f3: {  	s17 =	simm.s32 $0x5000  }
0x1f4: {  	[hbm4b:s6+s2] =	stream.indirect_vreg.scatter [tilespmem:s17], [sflag:$0x1], $0x80, v3, vm0, $0xb8;
	[tilespmem:$0x10800] =	vst v63  }
0x1f5: {  	s18 =	simm.s32 $0x5800  }
0x1f6: {  	[hbm4b:s7+s2] =	stream.indirect_vreg.scatter [tilespmem:s18], [sflag:$0x1], $0x80, v3, vm0, $0xb8;
	[tilespmem:$0x10800] =	vst v63  }
0x1f7: {  	s19 =	simm.s32 $0x6000  }
0x1f8: {  	[hbm4b:s8+s2] =	stream.indirect_vreg.scatter [tilespmem:s19], [sflag:$0x1], $0x80, v3, vm0, $0xb8;
	[tilespmem:$0x10800] =	vst v63  }
0x1f9: {  	s20 =	simm.s32 $0x6800  }
0x1fa: {  	[hbm4b:s9+s2] =	stream.indirect_vreg.scatter [tilespmem:s20], [sflag:$0x1], $0x80, v3, vm0, $0xb8;
	[tilespmem:$0x10800] =	vst v63  }
0x1fb: {  	s21 =	simm.s32 $0x7000  }
0x1fc: {  	[hbm4b:s10+s2] =	stream.indirect_vreg.scatter [tilespmem:s21], [sflag:$0x1], $0x80, v3, vm0, $0xb8;
	[tilespmem:$0x10800] =	vst v63  }
0x1fd: {  	s22 =	simm.s32 $0x7800  }
0x1fe: {  	[hbm4b:s11+s2] =	stream.indirect_vreg.scatter [tilespmem:s22], [sflag:$0x1], $0x80, v3, vm0, $0xb8;
	[tilespmem:$0x10800] =	vst v63  }
0x1ff: {  	_ =	swait.ge [sflag:s26], $0x8000  }
0x200: {  	[sflag:s26] =	ssyncset.done $0x0  }
0x201: {  	s28 =	rddreg [dreg:$0xf];
	[sflag:s26] =	ssyncadd.s32 $0xFFFF8000  }
0x202: {  	[tilespmem:s30], [sflag:$0x3] =	stream.linear.gather [hbm4b:s28+s2], $0x8000, $0x38;
	[tilespmem:$0x10800] =	vst v63  }
0x203: {  	_ =	swait.ge [sflag:s13], $0x8000  }
0x204: {  	[sflag:s13] =	ssyncset.done $0x0  }
0x205: {  	[sflag:s13] =	ssyncadd.s32 $0xFFFF8000  }
0x206: {  	v3 =	vld [tilespmem:$0x10580];
	_ =	sdelay $0x4  }
0x207: {  	v59 =	vshll.u32 v3, $0x4  }
0x208: {  	v3 =	vand.u32 $0x7, v3;
	v4 =	vand.u32 $0xFFFFFF80, v59  }
0x209: {  	v3 =	vor.u32 v3, v4  }
0x20a: {  	v4 =	vperm.xlane v3, v0;
	_ =	sdelay $0x1  }
0x20b: {  	v4 =	vadd.s32 v1, v4;
	_ =	sdelay $0x4  }
0x20c: {  	[hbm4b:s4+s2] =	stream.indirect_vreg.scatter [tilespmem:s30], [sflag:$0x2], $0x80, v4, vm0, $0xb8;
	[tilespmem:$0x10800] =	vst v63  }
0x20d: {  	s28 =	simm.s32 $0x8800  }
0x20e: {  	[hbm4b:s5+s2] =	stream.indirect_vreg.scatter [tilespmem:s28], [sflag:$0x2], $0x80, v4, vm0, $0xb8;
	[tilespmem:$0x10800] =	vst v63  }
0x20f: {  	s28 =	simm.s32 $0x9000  }
0x210: {  	[hbm4b:s6+s2] =	stream.indirect_vreg.scatter [tilespmem:s28], [sflag:$0x2], $0x80, v4, vm0, $0xb8;
	[tilespmem:$0x10800] =	vst v63  }
0x211: {  	s28 =	simm.s32 $0x9800  }
0x212: {  	[hbm4b:s7+s2] =	stream.indirect_vreg.scatter [tilespmem:s28], [sflag:$0x2], $0x80, v4, vm0, $0xb8;
	[tilespmem:$0x10800] =	vst v63  }
0x213: {  	s28 =	simm.s32 $0xA000  }
0x214: {  	[hbm4b:s8+s2] =	stream.indirect_vreg.scatter [tilespmem:s28], [sflag:$0x2], $0x80, v4, vm0, $0xb8;
	[tilespmem:$0x10800] =	vst v63  }
0x215: {  	v3 =	vperm.xlane v3, v2;
	s28 =	simm.s32 $0xA800  }
0x216: {  	[hbm4b:s9+s2] =	stream.indirect_vreg.scatter [tilespmem:s28], [sflag:$0x2], $0x80, v4, vm0, $0xb8;
	[tilespmem:$0x10800] =	vst v63  }
0x217: {  	s23 =	simm.s32 $0xB000;
	v3 =	vadd.s32 v1, v3  }
0x218: {  	[hbm4b:s10+s2] =	stream.indirect_vreg.scatter [tilespmem:s23], [sflag:$0x2], $0x80, v4, vm0, $0xb8;
	[tilespmem:$0x10800] =	vst v63  }
0x219: {  	s29 =	simm.s32 $0xB800  }
0x21a: {  	[hbm4b:s11+s2] =	stream.indirect_vreg.scatter [tilespmem:s29], [sflag:$0x2], $0x80, v4, vm0, $0xb8;
	[tilespmem:$0x10800] =	vst v63  }
0x21b: {  	s29 =	simm.s32 $0xC000  }
0x21c: {  	[hbm4b:s4+s2] =	stream.indirect_vreg.scatter [tilespmem:s29], [sflag:$0x2], $0x80, v3, vm0, $0xb8;
	[tilespmem:$0x10800] =	vst v63  }
0x21d: {  	s28 =	simm.s32 $0xC800  }
0x21e: {  	[hbm4b:s5+s2] =	stream.indirect_vreg.scatter [tilespmem:s28], [sflag:$0x2], $0x80, v3, vm0, $0xb8;
	[tilespmem:$0x10800] =	vst v63  }
0x21f: {  	s29 =	simm.s32 $0xD000  }
0x220: {  	[hbm4b:s6+s2] =	stream.indirect_vreg.scatter [tilespmem:s29], [sflag:$0x2], $0x80, v3, vm0, $0xb8;
	[tilespmem:$0x10800] =	vst v63  }
0x221: {  	s28 =	simm.s32 $0xD800  }
0x222: {  	[hbm4b:s7+s2] =	stream.indirect_vreg.scatter [tilespmem:s28], [sflag:$0x2], $0x80, v3, vm0, $0xb8;
	[tilespmem:$0x10800] =	vst v63  }
0x223: {  	s29 =	simm.s32 $0xE000  }
0x224: {  	[hbm4b:s8+s2] =	stream.indirect_vreg.scatter [tilespmem:s29], [sflag:$0x2], $0x80, v3, vm0, $0xb8;
	[tilespmem:$0x10800] =	vst v63  }
0x225: {  	s28 =	simm.s32 $0xE800  }
0x226: {  	[hbm4b:s9+s2] =	stream.indirect_vreg.scatter [tilespmem:s28], [sflag:$0x2], $0x80, v3, vm0, $0xb8;
	[tilespmem:$0x10800] =	vst v63  }
0x227: {  	s29 =	simm.s32 $0xF000  }
0x228: {  	[hbm4b:s10+s2] =	stream.indirect_vreg.scatter [tilespmem:s29], [sflag:$0x2], $0x80, v3, vm0, $0xb8;
	[tilespmem:$0x10800] =	vst v63  }
0x229: {  	s24 =	simm.s32 $0xF800  }
0x22a: {  	[hbm4b:s11+s2] =	stream.indirect_vreg.scatter [tilespmem:s24], [sflag:$0x2], $0x80, v3, vm0, $0xb8;
	[tilespmem:$0x10800] =	vst v63  }
0x22b: {  	_ =	swait.ge [sflag:s25], $0x8000  }
0x22c: {  	[sflag:s25] =	ssyncset.done $0x0  }
0x22d: {  	s24 =	rddreg [dreg:$0x10];
	[sflag:s25] =	ssyncadd.s32 $0xFFFF8000  }
0x22e: {  	[tilespmem:s2], [sflag:$0x3] =	stream.linear.gather [hbm4b:s24+s2], $0x8000, $0x38;
	[tilespmem:$0x10800] =	vst v63  }
0x22f: {  	_ =	swait.ge [sflag:s13], $0x8000  }
0x230: {  	[sflag:s13] =	ssyncset.done $0x0  }
0x231: {  	[sflag:s13] =	ssyncadd.s32 $0xFFFF8000  }
0x232: {  	v3 =	vld [tilespmem:$0x10600];
	_ =	sdelay $0x4  }
0x233: {  	v60 =	vshll.u32 v3, $0x4  }
0x234: {  	v3 =	vand.u32 $0x7, v3;
	v4 =	vand.u32 $0xFFFFFF80, v60  }
0x235: {  	v3 =	vor.u32 v3, v4  }
0x236: {  	v4 =	vperm.xlane v3, v0;
	_ =	sdelay $0x1  }
0x237: {  	v4 =	vadd.s32 v1, v4;
	_ =	sdelay $0x4  }
0x238: {  	[hbm4b:s4+s2] =	stream.indirect_vreg.scatter [tilespmem:s2], [sflag:$0x1], $0x80, v4, vm0, $0xb8;
	[tilespmem:$0x10800] =	vst v63  }
0x239: {  	s0 =	simm.s32 $0x800  }
0x23a: {  	[hbm4b:s5+s2] =	stream.indirect_vreg.scatter [tilespmem:s0], [sflag:$0x1], $0x80, v4, vm0, $0xb8;
	[tilespmem:$0x10800] =	vst v63  }
0x23b: {  	s1 =	simm.s32 $0x1000  }
0x23c: {  	[hbm4b:s6+s2] =	stream.indirect_vreg.scatter [tilespmem:s1], [sflag:$0x1], $0x80, v4, vm0, $0xb8;
	[tilespmem:$0x10800] =	vst v63  }
0x23d: {  	s3 =	simm.s32 $0x1800  }
0x23e: {  	[hbm4b:s7+s2] =	stream.indirect_vreg.scatter [tilespmem:s3], [sflag:$0x1], $0x80, v4, vm0, $0xb8;
	[tilespmem:$0x10800] =	vst v63  }
0x23f: {  	s28 =	simm.s32 $0x2000  }
0x240: {  	[hbm4b:s8+s2] =	stream.indirect_vreg.scatter [tilespmem:s28], [sflag:$0x1], $0x80, v4, vm0, $0xb8;
	[tilespmem:$0x10800] =	vst v63  }
0x241: {  	s29 =	simm.s32 $0x2800;
	v3 =	vperm.xlane v3, v2  }
0x242: {  	[hbm4b:s9+s2] =	stream.indirect_vreg.scatter [tilespmem:s29], [sflag:$0x1], $0x80, v4, vm0, $0xb8;
	[tilespmem:$0x10800] =	vst v63  }
0x243: {  	s12 =	simm.s32 $0x3000;
	v3 =	vadd.s32 v1, v3  }
0x244: {  	[hbm4b:s10+s2] =	stream.indirect_vreg.scatter [tilespmem:s12], [sflag:$0x1], $0x80, v4, vm0, $0xb8;
	[tilespmem:$0x10800] =	vst v63  }
0x245: {  	s14 =	simm.s32 $0x3800  }
0x246: {  	[hbm4b:s11+s2] =	stream.indirect_vreg.scatter [tilespmem:s14], [sflag:$0x1], $0x80, v4, vm0, $0xb8;
	[tilespmem:$0x10800] =	vst v63  }
0x247: {  	s15 =	simm.s32 $0x4000  }
0x248: {  	[hbm4b:s4+s2] =	stream.indirect_vreg.scatter [tilespmem:s15], [sflag:$0x1], $0x80, v3, vm0, $0xb8;
	[tilespmem:$0x10800] =	vst v63  }
0x249: {  	s16 =	simm.s32 $0x4800  }
0x24a: {  	[hbm4b:s5+s2] =	stream.indirect_vreg.scatter [tilespmem:s16], [sflag:$0x1], $0x80, v3, vm0, $0xb8;
	[tilespmem:$0x10800] =	vst v63  }
0x24b: {  	s17 =	simm.s32 $0x5000  }
0x24c: {  	[hbm4b:s6+s2] =	stream.indirect_vreg.scatter [tilespmem:s17], [sflag:$0x1], $0x80, v3, vm0, $0xb8;
	[tilespmem:$0x10800] =	vst v63  }
0x24d: {  	s18 =	simm.s32 $0x5800  }
0x24e: {  	[hbm4b:s7+s2] =	stream.indirect_vreg.scatter [tilespmem:s18], [sflag:$0x1], $0x80, v3, vm0, $0xb8;
	[tilespmem:$0x10800] =	vst v63  }
0x24f: {  	s19 =	simm.s32 $0x6000  }
0x250: {  	[hbm4b:s8+s2] =	stream.indirect_vreg.scatter [tilespmem:s19], [sflag:$0x1], $0x80, v3, vm0, $0xb8;
	[tilespmem:$0x10800] =	vst v63  }
0x251: {  	s20 =	simm.s32 $0x6800  }
0x252: {  	[hbm4b:s9+s2] =	stream.indirect_vreg.scatter [tilespmem:s20], [sflag:$0x1], $0x80, v3, vm0, $0xb8;
	[tilespmem:$0x10800] =	vst v63  }
0x253: {  	s21 =	simm.s32 $0x7000  }
0x254: {  	[hbm4b:s10+s2] =	stream.indirect_vreg.scatter [tilespmem:s21], [sflag:$0x1], $0x80, v3, vm0, $0xb8;
	[tilespmem:$0x10800] =	vst v63  }
0x255: {  	s22 =	simm.s32 $0x7800  }
0x256: {  	[hbm4b:s11+s2] =	stream.indirect_vreg.scatter [tilespmem:s22], [sflag:$0x1], $0x80, v3, vm0, $0xb8;
	[tilespmem:$0x10800] =	vst v63  }
0x257: {  	_ =	swait.ge [sflag:s26], $0x8000  }
0x258: {  	[sflag:s26] =	ssyncset.done $0x0  }
0x259: {  	s23 =	rddreg [dreg:$0x11];
	[sflag:s26] =	ssyncadd.s32 $0xFFFF8000  }
0x25a: {  	[tilespmem:s30], [sflag:$0x3] =	stream.linear.gather [hbm4b:s23+s2], $0x8000, $0x38;
	[tilespmem:$0x10800] =	vst v63  }
0x25b: {  	_ =	swait.ge [sflag:s13], $0x8000  }
0x25c: {  	[sflag:s13] =	ssyncset.done $0x0  }
0x25d: {  	[sflag:s13] =	ssyncadd.s32 $0xFFFF8000  }
0x25e: {  	v3 =	vld [tilespmem:$0x10680];
	_ =	sdelay $0x4  }
0x25f: {  	v61 =	vshll.u32 v3, $0x4  }
0x260: {  	v3 =	vand.u32 $0x7, v3;
	v4 =	vand.u32 $0xFFFFFF80, v61  }
0x261: {  	v3 =	vor.u32 v3, v4  }
0x262: {  	v4 =	vperm.xlane v3, v0;
	_ =	sdelay $0x1  }
0x263: {  	v4 =	vadd.s32 v1, v4;
	_ =	sdelay $0x4  }
0x264: {  	[hbm4b:s4+s2] =	stream.indirect_vreg.scatter [tilespmem:s30], [sflag:$0x2], $0x80, v4, vm0, $0xb8;
	[tilespmem:$0x10800] =	vst v63  }
0x265: {  	s29 =	simm.s32 $0x8800  }
0x266: {  	[hbm4b:s5+s2] =	stream.indirect_vreg.scatter [tilespmem:s29], [sflag:$0x2], $0x80, v4, vm0, $0xb8;
	[tilespmem:$0x10800] =	vst v63  }
0x267: {  	s23 =	simm.s32 $0x9000  }
0x268: {  	[hbm4b:s6+s2] =	stream.indirect_vreg.scatter [tilespmem:s23], [sflag:$0x2], $0x80, v4, vm0, $0xb8;
	[tilespmem:$0x10800] =	vst v63  }
0x269: {  	s28 =	simm.s32 $0x9800  }
0x26a: {  	[hbm4b:s7+s2] =	stream.indirect_vreg.scatter [tilespmem:s28], [sflag:$0x2], $0x80, v4, vm0, $0xb8;
	[tilespmem:$0x10800] =	vst v63  }
0x26b: {  	s29 =	simm.s32 $0xA000  }
0x26c: {  	[hbm4b:s8+s2] =	stream.indirect_vreg.scatter [tilespmem:s29], [sflag:$0x2], $0x80, v4, vm0, $0xb8;
	[tilespmem:$0x10800] =	vst v63  }
0x26d: {  	v3 =	vperm.xlane v3, v2;
	s29 =	simm.s32 $0xA800  }
0x26e: {  	[hbm4b:s9+s2] =	stream.indirect_vreg.scatter [tilespmem:s29], [sflag:$0x2], $0x80, v4, vm0, $0xb8;
	[tilespmem:$0x10800] =	vst v63  }
0x26f: {  	v3 =	vadd.s32 v1, v3;
	s29 =	simm.s32 $0xB000  }
0x270: {  	[hbm4b:s10+s2] =	stream.indirect_vreg.scatter [tilespmem:s29], [sflag:$0x2], $0x80, v4, vm0, $0xb8;
	[tilespmem:$0x10800] =	vst v63  }
0x271: {  	s28 =	simm.s32 $0xB800  }
0x272: {  	[hbm4b:s11+s2] =	stream.indirect_vreg.scatter [tilespmem:s28], [sflag:$0x2], $0x80, v4, vm0, $0xb8;
	[tilespmem:$0x10800] =	vst v63  }
0x273: {  	s28 =	simm.s32 $0xC000  }
0x274: {  	[hbm4b:s4+s2] =	stream.indirect_vreg.scatter [tilespmem:s28], [sflag:$0x2], $0x80, v3, vm0, $0xb8;
	[tilespmem:$0x10800] =	vst v63  }
0x275: {  	s28 =	simm.s32 $0xC800  }
0x276: {  	[hbm4b:s5+s2] =	stream.indirect_vreg.scatter [tilespmem:s28], [sflag:$0x2], $0x80, v3, vm0, $0xb8;
	[tilespmem:$0x10800] =	vst v63  }
0x277: {  	s28 =	simm.s32 $0xD000  }
0x278: {  	[hbm4b:s6+s2] =	stream.indirect_vreg.scatter [tilespmem:s28], [sflag:$0x2], $0x80, v3, vm0, $0xb8;
	[tilespmem:$0x10800] =	vst v63  }
0x279: {  	s28 =	simm.s32 $0xD800  }
0x27a: {  	[hbm4b:s7+s2] =	stream.indirect_vreg.scatter [tilespmem:s28], [sflag:$0x2], $0x80, v3, vm0, $0xb8;
	[tilespmem:$0x10800] =	vst v63  }
0x27b: {  	s28 =	simm.s32 $0xE000  }
0x27c: {  	[hbm4b:s8+s2] =	stream.indirect_vreg.scatter [tilespmem:s28], [sflag:$0x2], $0x80, v3, vm0, $0xb8;
	[tilespmem:$0x10800] =	vst v63  }
0x27d: {  	s28 =	simm.s32 $0xE800  }
0x27e: {  	[hbm4b:s9+s2] =	stream.indirect_vreg.scatter [tilespmem:s28], [sflag:$0x2], $0x80, v3, vm0, $0xb8;
	[tilespmem:$0x10800] =	vst v63  }
0x27f: {  	s28 =	simm.s32 $0xF000  }
0x280: {  	[hbm4b:s10+s2] =	stream.indirect_vreg.scatter [tilespmem:s28], [sflag:$0x2], $0x80, v3, vm0, $0xb8;
	[tilespmem:$0x10800] =	vst v63  }
0x281: {  	s28 =	simm.s32 $0xF800  }
0x282: {  	[hbm4b:s11+s2] =	stream.indirect_vreg.scatter [tilespmem:s28], [sflag:$0x2], $0x80, v3, vm0, $0xb8;
	[tilespmem:$0x10800] =	vst v63  }
0x283: {  	_ =	swait.ge [sflag:s25], $0x8000  }
0x284: {  	[sflag:s25] =	ssyncset.done $0x0  }
0x285: {  	s28 =	rddreg [dreg:$0x12];
	[sflag:s25] =	ssyncadd.s32 $0xFFFF8000  }
0x286: {  	[tilespmem:s2], [sflag:$0x3] =	stream.linear.gather [hbm4b:s28+s2], $0x8000, $0x38;
	[tilespmem:$0x10800] =	vst v63  }
0x287: {  	_ =	swait.ge [sflag:s13], $0x8000  }
0x288: {  	[sflag:s13] =	ssyncset.done $0x0  }
0x289: {  	[sflag:s13] =	ssyncadd.s32 $0xFFFF8000  }
0x28a: {  	v3 =	vld [tilespmem:$0x10700];
	_ =	sdelay $0x4  }
0x28b: {  	v62 =	vshll.u32 v3, $0x4  }
0x28c: {  	v3 =	vand.u32 $0x7, v3;
	v4 =	vand.u32 $0xFFFFFF80, v62  }
0x28d: {  	v3 =	vor.u32 v3, v4  }
0x28e: {  	v4 =	vperm.xlane v3, v0;
	_ =	sdelay $0x1  }
0x28f: {  	v4 =	vadd.s32 v1, v4;
	_ =	sdelay $0x4  }
0x290: {  	[hbm4b:s4+s2] =	stream.indirect_vreg.scatter [tilespmem:s2], [sflag:$0x1], $0x80, v4, vm0, $0xb8;
	[tilespmem:$0x10800] =	vst v63  }
0x291: {  	s24 =	simm.s32 $0x800  }
0x292: {  	[hbm4b:s5+s2] =	stream.indirect_vreg.scatter [tilespmem:s24], [sflag:$0x1], $0x80, v4, vm0, $0xb8;
	[tilespmem:$0x10800] =	vst v63  }
0x293: {  	s0 =	simm.s32 $0x1000  }
0x294: {  	[hbm4b:s6+s2] =	stream.indirect_vreg.scatter [tilespmem:s0], [sflag:$0x1], $0x80, v4, vm0, $0xb8;
	[tilespmem:$0x10800] =	vst v63  }
0x295: {  	s1 =	simm.s32 $0x1800  }
0x296: {  	[hbm4b:s7+s2] =	stream.indirect_vreg.scatter [tilespmem:s1], [sflag:$0x1], $0x80, v4, vm0, $0xb8;
	[tilespmem:$0x10800] =	vst v63  }
0x297: {  	s28 =	simm.s32 $0x2000  }
0x298: {  	[hbm4b:s8+s2] =	stream.indirect_vreg.scatter [tilespmem:s28], [sflag:$0x1], $0x80, v4, vm0, $0xb8;
	[tilespmem:$0x10800] =	vst v63  }
0x299: {  	v3 =	vperm.xlane v3, v2;
	s1 =	simm.s32 $0x2800  }
0x29a: {  	[hbm4b:s9+s2] =	stream.indirect_vreg.scatter [tilespmem:s1], [sflag:$0x1], $0x80, v4, vm0, $0xb8;
	[tilespmem:$0x10800] =	vst v63  }
0x29b: {  	s3 =	simm.s32 $0x3000;
	v3 =	vadd.s32 v1, v3  }
0x29c: {  	[hbm4b:s10+s2] =	stream.indirect_vreg.scatter [tilespmem:s3], [sflag:$0x1], $0x80, v4, vm0, $0xb8;
	[tilespmem:$0x10800] =	vst v63  }
0x29d: {  	s12 =	simm.s32 $0x3800  }
0x29e: {  	[hbm4b:s11+s2] =	stream.indirect_vreg.scatter [tilespmem:s12], [sflag:$0x1], $0x80, v4, vm0, $0xb8;
	[tilespmem:$0x10800] =	vst v63  }
0x29f: {  	s14 =	simm.s32 $0x4000  }
0x2a0: {  	[hbm4b:s4+s2] =	stream.indirect_vreg.scatter [tilespmem:s14], [sflag:$0x1], $0x80, v3, vm0, $0xb8;
	[tilespmem:$0x10800] =	vst v63  }
0x2a1: {  	s15 =	simm.s32 $0x4800  }
0x2a2: {  	[hbm4b:s5+s2] =	stream.indirect_vreg.scatter [tilespmem:s15], [sflag:$0x1], $0x80, v3, vm0, $0xb8;
	[tilespmem:$0x10800] =	vst v63  }
0x2a3: {  	s16 =	simm.s32 $0x5000  }
0x2a4: {  	[hbm4b:s6+s2] =	stream.indirect_vreg.scatter [tilespmem:s16], [sflag:$0x1], $0x80, v3, vm0, $0xb8;
	[tilespmem:$0x10800] =	vst v63  }
0x2a5: {  	s17 =	simm.s32 $0x5800  }
0x2a6: {  	[hbm4b:s7+s2] =	stream.indirect_vreg.scatter [tilespmem:s17], [sflag:$0x1], $0x80, v3, vm0, $0xb8;
	[tilespmem:$0x10800] =	vst v63  }
0x2a7: {  	s18 =	simm.s32 $0x6000  }
0x2a8: {  	[hbm4b:s8+s2] =	stream.indirect_vreg.scatter [tilespmem:s18], [sflag:$0x1], $0x80, v3, vm0, $0xb8;
	[tilespmem:$0x10800] =	vst v63  }
0x2a9: {  	s19 =	simm.s32 $0x6800  }
0x2aa: {  	[hbm4b:s9+s2] =	stream.indirect_vreg.scatter [tilespmem:s19], [sflag:$0x1], $0x80, v3, vm0, $0xb8;
	[tilespmem:$0x10800] =	vst v63  }
0x2ab: {  	s20 =	simm.s32 $0x7000  }
0x2ac: {  	[hbm4b:s10+s2] =	stream.indirect_vreg.scatter [tilespmem:s20], [sflag:$0x1], $0x80, v3, vm0, $0xb8;
	[tilespmem:$0x10800] =	vst v63  }
0x2ad: {  	s21 =	simm.s32 $0x7800  }
0x2ae: {  	[hbm4b:s11+s2] =	stream.indirect_vreg.scatter [tilespmem:s21], [sflag:$0x1], $0x80, v3, vm0, $0xb8;
	[tilespmem:$0x10800] =	vst v63  }
0x2af: {  	_ =	swait.ge [sflag:s26], $0x8000  }
0x2b0: {  	[sflag:s26] =	ssyncset.done $0x0  }
0x2b1: {  	s14 =	rddreg [dreg:$0x13];
	[sflag:s26] =	ssyncadd.s32 $0xFFFF8000  }
0x2b2: {  	[tilespmem:s30], [sflag:$0x3] =	stream.linear.gather [hbm4b:s14+s2], $0x8000, $0x38;
	[tilespmem:$0x10800] =	vst v63  }
0x2b3: {  	_ =	swait.ge [sflag:s13], $0x8000  }
0x2b4: {  	[sflag:s13] =	ssyncset.done $0x0  }
0x2b5: {  	[sflag:s13] =	ssyncadd.s32 $0xFFFF8000  }
0x2b6: {  	v3 =	vld [tilespmem:$0x10780];
	_ =	sdelay $0x4  }
0x2b7: {  	v63 =	vshll.u32 v3, $0x4  }
0x2b8: {  	v3 =	vand.u32 $0x7, v3;
	v4 =	vand.u32 $0xFFFFFF80, v63  }
0x2b9: {  	v3 =	vor.u32 v3, v4  }
0x2ba: {  	v4 =	vperm.xlane v3, v0;
	_ =	sdelay $0x1  }
0x2bb: {  	v4 =	vadd.s32 v1, v4;
	_ =	sdelay $0x4  }
0x2bc: {  	[hbm4b:s4+s2] =	stream.indirect_vreg.scatter [tilespmem:s30], [sflag:$0x2], $0x80, v4, vm0, $0xb8;
	[tilespmem:$0x10800] =	vst v63  }
0x2bd: {  	s15 =	simm.s32 $0x8800  }
0x2be: {  	[hbm4b:s5+s2] =	stream.indirect_vreg.scatter [tilespmem:s15], [sflag:$0x2], $0x80, v4, vm0, $0xb8;
	[tilespmem:$0x10800] =	vst v63  }
0x2bf: {  	s22 =	simm.s32 $0x9000  }
0x2c0: {  	[hbm4b:s6+s2] =	stream.indirect_vreg.scatter [tilespmem:s22], [sflag:$0x2], $0x80, v4, vm0, $0xb8;
	[tilespmem:$0x10800] =	vst v63  }
0x2c1: {  	s23 =	simm.s32 $0x9800  }
0x2c2: {  	[hbm4b:s7+s2] =	stream.indirect_vreg.scatter [tilespmem:s23], [sflag:$0x2], $0x80, v4, vm0, $0xb8;
	[tilespmem:$0x10800] =	vst v63  }
0x2c3: {  	s16 =	simm.s32 $0xA000  }
0x2c4: {  	[hbm4b:s8+s2] =	stream.indirect_vreg.scatter [tilespmem:s16], [sflag:$0x2], $0x80, v4, vm0, $0xb8;
	[tilespmem:$0x10800] =	vst v63  }
0x2c5: {  	s17 =	simm.s32 $0xA800;
	v3 =	vperm.xlane v3, v2  }
0x2c6: {  	[hbm4b:s9+s2] =	stream.indirect_vreg.scatter [tilespmem:s17], [sflag:$0x2], $0x80, v4, vm0, $0xb8;
	[tilespmem:$0x10800] =	vst v63  }
0x2c7: {  	s29 =	simm.s32 $0xB000;
	v3 =	vadd.s32 v1, v3  }
0x2c8: {  	[hbm4b:s10+s2] =	stream.indirect_vreg.scatter [tilespmem:s29], [sflag:$0x2], $0x80, v4, vm0, $0xb8;
	[tilespmem:$0x10800] =	vst v63  }
0x2c9: {  	s18 =	simm.s32 $0xB800  }
0x2ca: {  	[hbm4b:s11+s2] =	stream.indirect_vreg.scatter [tilespmem:s18], [sflag:$0x2], $0x80, v4, vm0, $0xb8;
	[tilespmem:$0x10800] =	vst v63  }
0x2cb: {  	s19 =	simm.s32 $0xC000  }
0x2cc: {  	[hbm4b:s4+s2] =	stream.indirect_vreg.scatter [tilespmem:s19], [sflag:$0x2], $0x80, v3, vm0, $0xb8;
	[tilespmem:$0x10800] =	vst v63  }
0x2cd: {  	s20 =	simm.s32 $0xC800  }
0x2ce: {  	[hbm4b:s5+s2] =	stream.indirect_vreg.scatter [tilespmem:s20], [sflag:$0x2], $0x80, v3, vm0, $0xb8;
	[tilespmem:$0x10800] =	vst v63  }
0x2cf: {  	s21 =	simm.s32 $0xD000  }
0x2d0: {  	[hbm4b:s6+s2] =	stream.indirect_vreg.scatter [tilespmem:s21], [sflag:$0x2], $0x80, v3, vm0, $0xb8;
	[tilespmem:$0x10800] =	vst v63  }
0x2d1: {  	s22 =	simm.s32 $0xD800  }
0x2d2: {  	[hbm4b:s7+s2] =	stream.indirect_vreg.scatter [tilespmem:s22], [sflag:$0x2], $0x80, v3, vm0, $0xb8;
	[tilespmem:$0x10800] =	vst v63  }
0x2d3: {  	s23 =	simm.s32 $0xE000  }
0x2d4: {  	[hbm4b:s8+s2] =	stream.indirect_vreg.scatter [tilespmem:s23], [sflag:$0x2], $0x80, v3, vm0, $0xb8;
	[tilespmem:$0x10800] =	vst v63  }
0x2d5: {  	s24 =	simm.s32 $0xE800  }
0x2d6: {  	[hbm4b:s9+s2] =	stream.indirect_vreg.scatter [tilespmem:s24], [sflag:$0x2], $0x80, v3, vm0, $0xb8;
	[tilespmem:$0x10800] =	vst v63  }
0x2d7: {  	s28 =	simm.s32 $0xF000  }
0x2d8: {  	[hbm4b:s10+s2] =	stream.indirect_vreg.scatter [tilespmem:s28], [sflag:$0x2], $0x80, v3, vm0, $0xb8;
	[tilespmem:$0x10800] =	vst v63  }
0x2d9: {  	s29 =	simm.s32 $0xF800  }
0x2da: {  	[hbm4b:s11+s2] =	stream.indirect_vreg.scatter [tilespmem:s29], [sflag:$0x2], $0x80, v3, vm0, $0xb8;
	[tilespmem:$0x10800] =	vst v63  }
0x2db: {  	p0 =	sne.s32 s31, $0x1;
	_ =	swait.ge [sflag:s25], $0x8000  }
.Ltmp0:
0x2dc: {  	[sflag:s25] =	ssyncset.done $0x0;
	(pc) =	sbr.rel @p0 .LBB2_1-.Ltmp0, $4  }
0x2dd: {  	[sflag:s25] =	ssyncadd.s32 $0xFFFF8000  }
0x2de: {  	_ =	swait.ge [sflag:s26], $0x8000  }
0x2df: {  	[sflag:s26] =	ssyncset.done $0x0  }
0x2e0: {  	s31 =	sadd.s32 $0xFFFFFFFF, s31;
	[sflag:s26] =	ssyncadd.s32 $0xFFFF8000  }
0x2e1: {  	_ =	sfence.sel $0x180000  }
0x2e2: {  	[bflag:$0x0] =	sbarrier.arrive $0xFFFF  }
0x2e3: {  	_ =	strace $0x90000047  }
0x2e4: {  	s0 =	stileid.u32;
	[bflag:$0x2] =	sbarrier.arrive $0xFFFF  }
0x2e5: {  	p0 =	sne.s32 s0, $0x0;
	s0 =	rddreg [dreg:$0x3]  }
0x2e6: {  	s0 =	sadd.s32 @!p0 $0x100000, s0  }
0x2e7: {  	[sflag:s0] =	ssyncadd.tile.s32 @!p0 $0x1;
	_ =	shalt  }
.Lfunc_end2:
_tile_overlayer_lowered:
.L_overlay_start_2:
0x2e8: {  	(tag) =	ssettag $0x2  }
0x2e9: {  	s0 =	rddreg [dreg:$0x0];
	s2 =	stileid.u32  }
0x2ea: {  	s1 =	rddreg [dreg:$0x1];
	p0 =	sne.s32 s2, $0x0  }
0x2eb: {  	s3 =	rddreg [dreg:$0x2];
	[bflag:$0x3] =	sbarrier.arrive $0xFFFF;
	s2 =	simm.s32 @!p0 $0x1C03  }
0x2ec: {  	[timem:s3], [sflag:s2] =	dma.local @!p0 [hbm:s0], s1  }
0x2ed: {  	s0 =	simm.s32 @!p0 $0x3  }
0x2ee: {  	_ =	swait.ge @!p0 [sflag:s0], s1  }
0x2ef: {  	s1 =	ssub.s32 @!p0 $0x0, s1;
	[sflag:s0] =	ssyncset.done @!p0 $0x0  }
0x2f0: {  	[sflag:s0] =	ssyncadd.s32 @!p0 s1  }
0x2f1: {  	[bflag:$0x3] =	sbarrier.arrive $0xFFFF  }
0x2f2: {  	_ =	shalt  }

// kernel: kernel.9.cloned.1.call-start
scs
__scs_entry_jumppad:
0x0: {  	(pc) =	sbr.rel $0x88, $3  }
0x1: {  	(tag) =	ssettag $0x0;
	lr =	simm.s32 $0x1  }
0x2: {  	[smem:$0x3F99] =	sst lr;
	_ =	strace $0xD0000000  }
0x3: {  	_ = 	snop  }
0x4: {  	_ = 	snop  }
0x5: {  	_ = 	snop  }
0x6: {  	_ = 	snop  }
0x7: {  	_ = 	snop  }
__scs_overlays_trampoline_lowered:
0x8: {  	[smem:$0x3FA8] =	sst s0  }
0x9: {  	[smem:$0x3FA9] =	sst s1  }
0xa: {  	[smem:$0x3FAA] =	sst s2  }
0xb: {  	[smem:$0x3FAB] =	sst s3  }
0xc: {  	[smem:$0x3FAC] =	sst s4  }
0xd: {  	[smem:$0x3FAD] =	sst s5  }
0xe: {  	[smem:$0x3FAE] =	sst s6  }
0xf: {  	[smem:$0x3FAF] =	sst s7  }
0x10: {  	[smem:$0x3FB0] =	sst s8  }
0x11: {  	[smem:$0x3FB1] =	sst s9;
	s0 =	simm.s32 @!p0 $0x0  }
0x12: {  	s1 =	sld [smem:$0x3F97];
	s0 =	simm.s32 @p0 $0x1  }
0x13: {  	[smem:$0x3FB2] =	sst s0;
	s0 =	simm.s32 @!p1 $0x0  }
0x14: {  	s2 =	sld [smem:$0x3F96];
	s0 =	simm.s32 @p1 $0x1  }
0x15: {  	[smem:$0x3FB3] =	sst s0;
	s0 =	simm.s32 @!p2 $0x0  }
0x16: {  	s3 =	sld [smem:$0x3FDB];
	s0 =	simm.s32 @p2 $0x1  }
0x17: {  	s4 =	simm.s32 $0x1BF5;
	[smem:$0x3FB5] =	sst s0  }
0x18: {  	s0 =	sld [smem:$0x3F98];
	_ =	swait.ge [sflag:s4], $0x0  }
0x19: {  	s7 =	sld [smem:$0x3F99]  }
0x1a: {  	s8 =	sadd.s32 $0xFFFFE003, lr  }
0x1b: {  	s9 =	sadd.s32 $0xFFFFFEF7, lr;
	s5 =	simm.s32 $0xFFFFFFFF;
	p2 =	slt.u32 s8, $0xFFFFF086  }
0x1c: {  	p1 =	slt.u32 s9, $0xF7A;
	s5 =	simm.s32 @!p2 $0x0  }
0x1d: {  	s5 =	simm.s32 @p1 $0x1;
	p0 =	seq.s32 s7, s2  }
0x1e: {  	s7 =	smul.u32 @!p0 $0xF7A, s2;
	p2 =	seq.s32 @!p0 s5, $0x0  }
0x1f: {  	s9 =	smul.u32 $0xF7A, s1;
	s8 =	simm.s32 @!p0 $0x1BF5;
	p2 =	por !p2, p0  }
0x20: {  	[sflag:s8] =	ssyncset.s32 @!p0 $0xFFFFF086;
	s6 =	sadd.s32 @!p0 s3, s7;
	s7 =	simm.s32 @!p0 $0x108  }
0x21: {  	s3 =	sadd.s32 s3, s9;
	s6 =	sadd.s32 @!p0 $0x88, s6;
	s7 =	simm.s32 @p2 $0x1082  }
0x22: {  	[simem:s7], [sflag:s8] =	dma.local @!p0 [hbm:s6], $0xF7A  }
0x23: {  	s9 =	sor.u32 $0xD0000000, s2;
	s6 =	simm.s32 $0x108;
	_ =	swait.ge @!p0 [sflag:s8], $0x0  }
0x24: {  	s3 =	sadd.s32 $0x88, s3;
	s6 =	simm.s32 @!p1 $0x1082;
	[sflag:s4] =	ssyncset.s32 $0xFFFFF086  }
0x25: {  	[simem:s6], [sflag:s4] =	dma.local [hbm:s3], $0xF7A  }
0x26: {  	[smem:$0x3F99] =	sst s1;
	(tag) =	ssettag s2;
	_ =	strace s9  }
0x27: {  	s1 =	sld [smem:$0x3FA9]  }
0x28: {  	s2 =	sld [smem:$0x3FAA]  }
0x29: {  	s4 =	sld [smem:$0x3FAC]  }
0x2a: {  	p0 =	seq.s32 s5, $0x0;
	s5 =	sld [smem:$0x3FAD]  }
0x2b: {  	s6 =	sld [smem:$0x3FAE]  }
0x2c: {  	s7 =	sld [smem:$0x3FAF]  }
0x2d: {  	s3 =	simm.s32 $0x108;
	s8 =	sld [smem:$0x3FB0]  }
0x2e: {  	s3 =	simm.s32 @!p0 $0x1082;
	s9 =	sld [smem:$0x3FB1]  }
0x2f: {  	lr =	sadd.s32 s0, s3;
	s0 =	sld [smem:$0x3FA8]  }
0x30: {  	s3 =	sld [smem:$0x3FAB]  }
0x31: {  	[smem:$0x3FB4] =	sst s10  }
0x32: {  	s10 =	sld [smem:$0x3FB2];
	_ =	sdelay $0x3  }
0x33: {  	p0 =	seq.s32 s10, $0x1;
	s10 =	sld [smem:$0x3FB4];
	_ =	sdelay $0x3  }
0x34: {  	[smem:$0x3FB4] =	sst s10  }
0x35: {  	s10 =	sld [smem:$0x3FB3];
	_ =	sdelay $0x3  }
0x36: {  	p1 =	seq.s32 s10, $0x1;
	s10 =	sld [smem:$0x3FB4];
	_ =	sdelay $0x3  }
0x37: {  	[smem:$0x3FB4] =	sst s10  }
0x38: {  	s10 =	sld [smem:$0x3FB5]  }
0x39: {  	_ = 	snop;
	(pc) =	sbr.ind lr, $3  }
0x3a: {  	_ = 	snop  }
0x3b: {  	_ = 	snop  }
0x3c: {  	p2 =	seq.s32 s10, $0x1;
	s10 =	sld [smem:$0x3FB4]  }
0x3d: {  	_ =	shalt  }
0x3e: {  	_ =	shalt  }
0x3f: {  	_ =	shalt  }
0x40: {  	_ =	shalt  }
0x41: {  	_ =	shalt  }
0x42: {  	_ =	shalt  }
0x43: {  	_ =	shalt  }
0x44: {  	_ =	shalt  }
0x45: {  	_ =	shalt  }
0x46: {  	_ =	shalt  }
0x47: {  	_ =	shalt  }
0x48: {  	_ =	shalt  }
0x49: {  	_ =	shalt  }
0x4a: {  	_ =	shalt  }
0x4b: {  	_ =	shalt  }
0x4c: {  	_ =	shalt  }
0x4d: {  	_ =	shalt  }
0x4e: {  	_ =	shalt  }
0x4f: {  	_ =	shalt  }
0x50: {  	_ =	shalt  }
0x51: {  	_ =	shalt  }
0x52: {  	_ =	shalt  }
0x53: {  	_ =	shalt  }
0x54: {  	_ =	shalt  }
0x55: {  	_ =	shalt  }
0x56: {  	_ =	shalt  }
0x57: {  	_ =	shalt  }
0x58: {  	_ =	shalt  }
0x59: {  	_ =	shalt  }
0x5a: {  	_ =	shalt  }
0x5b: {  	_ =	shalt  }
0x5c: {  	_ =	shalt  }
0x5d: {  	_ =	shalt  }
0x5e: {  	_ =	shalt  }
0x5f: {  	_ =	shalt  }
0x60: {  	_ =	shalt  }
0x61: {  	_ =	shalt  }
0x62: {  	_ =	shalt  }
0x63: {  	_ =	shalt  }
0x64: {  	_ =	shalt  }
0x65: {  	_ =	shalt  }
0x66: {  	_ =	shalt  }
0x67: {  	_ =	shalt  }
0x68: {  	_ =	shalt  }
0x69: {  	_ =	shalt  }
0x6a: {  	_ =	shalt  }
0x6b: {  	_ =	shalt  }
0x6c: {  	_ =	shalt  }
0x6d: {  	_ =	shalt  }
0x6e: {  	_ =	shalt  }
0x6f: {  	_ =	shalt  }
0x70: {  	_ =	shalt  }
0x71: {  	_ =	shalt  }
0x72: {  	_ =	shalt  }
0x73: {  	_ =	shalt  }
0x74: {  	_ =	shalt  }
0x75: {  	_ =	shalt  }
0x76: {  	_ =	shalt  }
0x77: {  	_ =	shalt  }
0x78: {  	_ =	shalt  }
0x79: {  	_ =	shalt  }
0x7a: {  	_ =	shalt  }
0x7b: {  	_ =	shalt  }
0x7c: {  	_ =	shalt  }
0x7d: {  	_ =	shalt  }
0x7e: {  	_ =	shalt  }
0x7f: {  	_ =	shalt  }
0x80: {  	_ =	shalt  }
0x81: {  	_ =	shalt  }
0x82: {  	_ =	shalt  }
0x83: {  	_ =	shalt  }
0x84: {  	_ =	shalt  }
0x85: {  	_ =	shalt  }
0x86: {  	_ =	shalt  }
0x87: {  	_ =	shalt  }
.Lfunc_end0:
.L_simem_size_0:
called_computation.1_lowered:
.L_overlay_start_0:
0x88: {  	s2 =	sld [smem:$0x3FD9]  }
0x89: {  	s3 =	sld [smem:$0x3FFE];
	_ =	sdelay $0x1  }
0x8a: {  	s1 =	srdreg.scid  }
0x8b: {  	s0 =	sand.u32 $0x1, s1  }
0x8c: {  	s17 =	sshll.u32 s0, $0xA;
	s2 =	sadd.s32 s3, s2  }
0x8d: {  	s2 =	sadd.s32 s2, s17  }
0x8e: {  	[smem:$0x3FC0] =	sst s2  }
0x8f: {  	_ = 	snop  }
0x90: {  	s2 =	sld [smem:$0x3FD0];
	(tm) =	ssettm $0x1  }
0x91: {  	s18 =	sld [smem:$0x3FFB];
	_ =	sdelay $0x3  }
0x92: {  	_ =	strace s18  }
0x93: {  	s3 =	sld [smem:$0x3FFC];
	_ =	sdelay $0x3  }
0x94: {  	_ =	strace s3  }
0x95: {  	s3 =	sld [smem:$0x3FFD];
	_ =	sdelay $0x3  }
0x96: {  	_ =	strace s3  }
0x97: {  	_ =	strace $0x8FFFFFFF  }
0x98: {  	s19 =	sld [smem:$0x3FDB];
	_ =	sdelay $0x1  }
0x99: {  	s4 =	simm.s32 $_scs_section_size  }
0x9a: {  	s5 =	simm.s32 $_size__tile_overlayer_lowered;
	s6 =	simm.s32 $_tile_overlayer_lowered  }
0x9b: {  	s22 =	simm.s32 $0x1BFF;
	s21 =	sshll.u32 s6, $0x1;
	s3 =	sadd.s32 s4, s19  }
0x9c: {  	s7 =	simm.s32 $0x0;
	s20 =	sshll.u32 s5, $0x1;
	s5 =	sadd.s32 s21, s3  }
0x9d: {  	[timem:s7], [sflag:s22] =	dma.local [hbm:s5], s20  }
0x9e: {  	_ =	swait.ge [sflag:s22], s20  }
0x9f: {  	s4 =	ssub.s32 $0x0, s20;
	[sflag:s22] =	ssyncset.done $0x0  }
0xa0: {  	[sflag:s22] =	ssyncadd.s32 s4;
	_ =	sdelay $0x1  }
0xa1: {  	s23 =	simm.s32 $0x1B8B  }
0xa2: {  	_ =	swait.ge [sflag:s23], $0x1  }
0xa3: {  	[sflag:s23] =	ssyncset.done $0x0  }
0xa4: {  	s25 =	simm.s32 $0x1B8E;
	s24 =	sld [smem:$0x3FFE];
	[sflag:s23] =	ssyncadd.s32 $0xFFFFFFFF  }
0xa5: {  	s26 =	simm.s32 $execute0_lowered;
	[smem:$0x3FD2] =	sst s25  }
0xa6: {  	s5 =	sshll.u32 s26, $0x1;
	_ =	strace $0x80000049;
	[dreg:$0x1] =	wrdreg $0xFFFFFFFF  }
0xa7: {  	s28 =	simm.s32 $_size_execute0_lowered;
	s3 =	sadd.s32 s3, s5;
	[dreg:$0x0] =	wrdreg $0x0  }
0xa8: {  	s5 =	sshll.u32 s28, $0x1;
	[dreg:$0x2] =	wrdreg s3  }
0xa9: {  	[dreg:$0x3] =	wrdreg s5  }
0xaa: {  	[dreg:$0x4] =	wrdreg $0xC0  }
0xab: {  	_ =	task [dreg:s7], $0x5FFFF  }
0xac: {  	[dreg:$0x1] =	wrdreg $0xFFFFFFFF  }
0xad: {  	[dreg:$0x0] =	wrdreg $0x60  }
0xae: {  	[dreg:$0x2] =	wrdreg s24  }
0xaf: {  	[dreg:$0x3] =	wrdreg s2  }
0xb0: {  	[dreg:$0x4] =	wrdreg $0x9  }
0xb1: {  	_ =	task.clear_ibuf [dreg:s7], $0x5FFFF;
	_ =	strace $0x90000049  }
0xb2: {  	s29 =	simm.s32 $0x9;
	_ =	strace $0x8000004B  }
0xb3: {  	_ =	swait.ge [sflag:s29], $0x1  }
0xb4: {  	[sflag:s29] =	ssyncadd.s32 $0xFFFFFFFF  }
0xb5: {  	_ =	strace $0x9000004B  }
0xb6: {  	_ =	sfence  }
0xb7: {  	s30 =	sld [smem:$0x0];
	_ =	sdelay $0x2  }
0xb8: {  	s31 =	sshll.u32 s1, $0xD;
	s1 =	sshrl.u32 s1, $0x2  }
0xb9: {  	s3 =	sand.u32 $0x4000, s31;
	s1 =	sadd.s32 s1, s30  }
0xba: {  	s0 =	sor.u32 s3, s0;
	s1 =	sshll.u32 s1, $0x11  }
0xbb: {  	s0 =	sor.u32 s1, s0  }
0xbc: {  	s0 =	sadd.s32 $0x8F2B, s0  }
0xbd: {  	[sflag:s0] =	ssyncadd.remote.s32 $0x1  }
0xbe: {  	_ =	sfence.sel $0xFFFF  }
0xbf: {  	[dreg:$0x0] =	wrdreg $0xFFFFFFFF;
	(pc) =	sbr.abs _section_cstart, $3  }
0xc0: {  	[dreg:$0x1] =	wrdreg $0xFFFFFFFF  }
0xc1: {  	_ =	task.clear_ibuf [dreg:s7], $0x2FFFF;
	_ =	strace $0x9FFFFFFF  }
0xc2: {  	(tm) =	ssettm $0x7FFFFFFF  }
0xc3: {  	_ =	shalt  }
tec
execute0_lowered:
.L_overlay_start_1:
0x0: {  	(tag) =	ssettag $0x1  }
0x1: {  	s0 =	srdreg.scid;
	s1 =	rddreg [dreg:$0x0]  }
0x2: {  	s2 =	stileid.u32;
	s3 =	rddreg [dreg:$0x1]  }
0x3: {  	s26 =	simm.s32 $0x10000;
	s9 =	simm.s32 $0x3;
	s17 =	simm.s32 $0x1  }
0x4: {  	s18 =	simm.s32 $0x2;
	s28 =	simm.s32 $0x3800;
	s29 =	simm.s32 $0x4000  }
0x5: {  	s30 =	simm.s32 $0x4800;
	s31 =	simm.s32 $0x5000;
	s14 =	simm.s32 $0x5800  }
0x6: {  	s13 =	simm.s32 $0x6000;
	s0 =	sand.u32 $0x1, s0;
	s2 =	sshll.u32 s2, $0x1  }
0x7: {  	s15 =	simm.s32 $0x6800;
	s11 =	simm.s32 $0x7800;
	s4 =	sor.u32 s0, s2  }
0x8: {  	s6 =	sadd.s32 $0x202800, s1;
	s2 =	simm.s32 $0x0;
	s5 =	sshll.u32 s4, $0x7  }
0x9: {  	[smem:$0x7FF] =	sst s2;
	s4 =	sshll.u32 s4, $0xF;
	s5 =	sadd.s32 s5, s1  }
0xa: {  	_ =	strace $0x8000004A;
	s7 =	sadd.s32 s3, s4;
	[dreg:$0xb] =	wrdreg s26  }
0xb: {  	s0 =	ssub.s32 $0x2, s0;
	s5 =	sadd.s32 $0x201600, s5;
	[dreg:$0xc] =	wrdreg s7  }
0xc: {  	s21 =	sshrl.u32 s0, $0x1;
	s3 =	sadd.s32 $0x1000, s7;
	[dreg:$0x3] =	wrdreg s5  }
0xd: {  	s4 =	sadd.s32 $0x202600, s1;
	s19 =	sadd.s32 $0x2000, s7;
	[dreg:$0x4] =	wrdreg s3  }
0xe: {  	s0 =	ssub.s32 s0, s21;
	s20 =	sadd.s32 $0x3000, s7;
	[dreg:$0x5] =	wrdreg s19  }
0xf: {  	s21 =	simm.s32 $0x1000;
	s22 =	sadd.s32 $0x4000, s7;
	[dreg:$0x6] =	wrdreg s20  }
0x10: {  	s26 =	simm.s32 $0x3000;
	s23 =	sadd.s32 $0x5000, s7;
	[dreg:$0x7] =	wrdreg s22  }
0x11: {  	s24 =	sadd.s32 $0x6000, s7;
	s25 =	sadd.s32 $0x7000, s7;
	[dreg:$0x8] =	wrdreg s23  }
0x12: {  	v2 =	vlaneseq.u32;
	s7 =	sadd.s32 $0x202900, s1;
	s8 =	smax.u32 s0, $0x1;
	[dreg:$0x9] =	wrdreg s24  }
0x13: {  	vm0 =	vmmov $0xffff;
	v1 =	vshrl.u32 v2, $0x3;
	s5 =	sadd.s32 $0x202700, s1;
	[dreg:$0xa] =	wrdreg s25;
	s25 =	simm.s32 $0x8000  }
0x14: {  	v0 =	vand.u32 $0x7, v2;
	v2 =	vor.u32 $0x8, v2;
	v1 =	vmul.u32 $0x8, v1;
	s22 =	simm.s32 $0x1800;
	s23 =	simm.s32 $0x2000;
	s24 =	simm.s32 $0x2800  }
.LBB2_1:
0x15: {  	s19 =	rddreg [dreg:$0x3]  }
0x16: {  	s20 =	rddreg [dreg:$0xb]  }
0x17: {  	[tilespmem:s20], [sflag:$0x3] =	stream.linear.gather [hbm4b:s19+s2], $0x400, $0x38;
	[tilespmem:$0x10400] =	vst v63  }
0x18: {  	_ =	swait.ge [sflag:s9], $0x400  }
0x19: {  	[sflag:s9] =	ssyncset.done $0x0  }
0x1a: {  	[sflag:s9] =	ssyncadd.s32 $0xFFFFFC00  }
0x1b: {  	v3 =	vld [tilespmem:$0x10000];
	_ =	sdelay $0x4  }
0x1c: {  	v4 =	vshll.u32 v3, $0x3  }
0x1d: {  	v3 =	vand.u32 $0x7, v3;
	v4 =	vand.u32 $0xFFFFFFC0, v4  }
0x1e: {  	v3 =	vor.u32 v3, v4  }
0x1f: {  	v4 =	vperm.xlane v3, v0;
	_ =	sdelay $0x1  }
0x20: {  	v4 =	vadd.s32 v1, v4;
	_ =	sdelay $0x4  }
0x21: {  	[tilespmem:s2], [sflag:$0x1] =	stream.indirect_vreg.gather [hbm4b:s4+s2], $0x80, v4, vm0, $0xb8;
	[tilespmem:$0x10400] =	vst v63  }
0x22: {  	s20 =	simm.s32 $0x800;
	v3 =	vperm.xlane v3, v2  }
0x23: {  	[tilespmem:s20], [sflag:$0x1] =	stream.indirect_vreg.gather [hbm4b:s5+s2], $0x80, v4, vm0, $0xb8;
	[tilespmem:$0x10400] =	vst v63  }
0x24: {  	v3 =	vadd.s32 v1, v3  }
0x25: {  	[tilespmem:s21], [sflag:$0x1] =	stream.indirect_vreg.gather [hbm4b:s6+s2], $0x80, v4, vm0, $0xb8;
	[tilespmem:$0x10400] =	vst v63  }
0x26: {  	_ = 	snop  }
0x27: {  	[tilespmem:s22], [sflag:$0x1] =	stream.indirect_vreg.gather [hbm4b:s7+s2], $0x80, v4, vm0, $0xb8;
	[tilespmem:$0x10400] =	vst v63  }
0x28: {  	_ = 	snop  }
0x29: {  	[tilespmem:s23], [sflag:$0x1] =	stream.indirect_vreg.gather [hbm4b:s4+s2], $0x80, v3, vm0, $0xb8;
	[tilespmem:$0x10400] =	vst v63  }
0x2a: {  	_ = 	snop  }
0x2b: {  	[tilespmem:s24], [sflag:$0x1] =	stream.indirect_vreg.gather [hbm4b:s5+s2], $0x80, v3, vm0, $0xb8;
	[tilespmem:$0x10400] =	vst v63  }
0x2c: {  	_ = 	snop  }
0x2d: {  	[tilespmem:s26], [sflag:$0x1] =	stream.indirect_vreg.gather [hbm4b:s6+s2], $0x80, v3, vm0, $0xb8;
	[tilespmem:$0x10400] =	vst v63  }
0x2e: {  	_ = 	snop  }
0x2f: {  	[tilespmem:s28], [sflag:$0x1] =	stream.indirect_vreg.gather [hbm4b:s7+s2], $0x80, v3, vm0, $0xb8;
	[tilespmem:$0x10400] =	vst v63  }
0x30: {  	v3 =	vld [tilespmem:$0x10010];
	_ =	sdelay $0x4  }
0x31: {  	v49 =	vshll.u32 v3, $0x3  }
0x32: {  	v3 =	vand.u32 $0x7, v3;
	v4 =	vand.u32 $0xFFFFFFC0, v49  }
0x33: {  	v3 =	vor.u32 v3, v4  }
0x34: {  	v4 =	vperm.xlane v3, v0;
	_ =	sdelay $0x1  }
0x35: {  	v4 =	vadd.s32 v1, v4;
	_ =	sdelay $0x4  }
0x36: {  	[tilespmem:s29], [sflag:$0x1] =	stream.indirect_vreg.gather [hbm4b:s4+s2], $0x80, v4, vm0, $0xb8;
	[tilespmem:$0x10400] =	vst v63  }
0x37: {  	v3 =	vperm.xlane v3, v2  }
0x38: {  	[tilespmem:s30], [sflag:$0x1] =	stream.indirect_vreg.gather [hbm4b:s5+s2], $0x80, v4, vm0, $0xb8;
	[tilespmem:$0x10400] =	vst v63  }
0x39: {  	v3 =	vadd.s32 v1, v3  }
0x3a: {  	[tilespmem:s31], [sflag:$0x1] =	stream.indirect_vreg.gather [hbm4b:s6+s2], $0x80, v4, vm0, $0xb8;
	[tilespmem:$0x10400] =	vst v63  }
0x3b: {  	_ = 	snop  }
0x3c: {  	[tilespmem:s14], [sflag:$0x1] =	stream.indirect_vreg.gather [hbm4b:s7+s2], $0x80, v4, vm0, $0xb8;
	[tilespmem:$0x10400] =	vst v63  }
0x3d: {  	_ = 	snop  }
0x3e: {  	[tilespmem:s13], [sflag:$0x1] =	stream.indirect_vreg.gather [hbm4b:s4+s2], $0x80, v3, vm0, $0xb8;
	[tilespmem:$0x10400] =	vst v63  }
0x3f: {  	_ = 	snop  }
0x40: {  	[tilespmem:s15], [sflag:$0x1] =	stream.indirect_vreg.gather [hbm4b:s5+s2], $0x80, v3, vm0, $0xb8;
	[tilespmem:$0x10400] =	vst v63  }
0x41: {  	s10 =	simm.s32 $0x7000  }
0x42: {  	[tilespmem:s10], [sflag:$0x1] =	stream.indirect_vreg.gather [hbm4b:s6+s2], $0x80, v3, vm0, $0xb8;
	[tilespmem:$0x10400] =	vst v63  }
0x43: {  	_ = 	snop  }
0x44: {  	[tilespmem:s11], [sflag:$0x1] =	stream.indirect_vreg.gather [hbm4b:s7+s2], $0x80, v3, vm0, $0xb8;
	[tilespmem:$0x10400] =	vst v63  }
0x45: {  	v3 =	vld [tilespmem:$0x10080];
	_ =	sdelay $0x4  }
0x46: {  	v50 =	vshll.u32 v3, $0x3  }
0x47: {  	v3 =	vand.u32 $0x7, v3;
	v4 =	vand.u32 $0xFFFFFFC0, v50  }
0x48: {  	v3 =	vor.u32 v3, v4  }
0x49: {  	v4 =	vperm.xlane v3, v0;
	_ =	sdelay $0x1  }
0x4a: {  	v4 =	vadd.s32 v1, v4;
	_ =	sdelay $0x4  }
0x4b: {  	[tilespmem:s25], [sflag:$0x2] =	stream.indirect_vreg.gather [hbm4b:s4+s2], $0x80, v4, vm0, $0xb8;
	[tilespmem:$0x10400] =	vst v63  }
0x4c: {  	s12 =	simm.s32 $0x8800;
	v3 =	vperm.xlane v3, v2  }
0x4d: {  	[tilespmem:s12], [sflag:$0x2] =	stream.indirect_vreg.gather [hbm4b:s5+s2], $0x80, v4, vm0, $0xb8;
	[tilespmem:$0x10400] =	vst v63  }
0x4e: {  	s16 =	simm.s32 $0x9000;
	v3 =	vadd.s32 v1, v3  }
0x4f: {  	[tilespmem:s16], [sflag:$0x2] =	stream.indirect_vreg.gather [hbm4b:s6+s2], $0x80, v4, vm0, $0xb8;
	[tilespmem:$0x10400] =	vst v63  }
0x50: {  	s19 =	simm.s32 $0x9800  }
0x51: {  	[tilespmem:s19], [sflag:$0x2] =	stream.indirect_vreg.gather [hbm4b:s7+s2], $0x80, v4, vm0, $0xb8;
	[tilespmem:$0x10400] =	vst v63  }
0x52: {  	s1 =	simm.s32 $0xA000  }
0x53: {  	[tilespmem:s1], [sflag:$0x2] =	stream.indirect_vreg.gather [hbm4b:s4+s2], $0x80, v3, vm0, $0xb8;
	[tilespmem:$0x10400] =	vst v63  }
0x54: {  	s3 =	simm.s32 $0xA800  }
0x55: {  	[tilespmem:s3], [sflag:$0x2] =	stream.indirect_vreg.gather [hbm4b:s5+s2], $0x80, v3, vm0, $0xb8;
	[tilespmem:$0x10400] =	vst v63  }
0x56: {  	s12 =	simm.s32 $0xB000  }
0x57: {  	[tilespmem:s12], [sflag:$0x2] =	stream.indirect_vreg.gather [hbm4b:s6+s2], $0x80, v3, vm0, $0xb8;
	[tilespmem:$0x10400] =	vst v63  }
0x58: {  	s16 =	simm.s32 $0xB800  }
0x59: {  	[tilespmem:s16], [sflag:$0x2] =	stream.indirect_vreg.gather [hbm4b:s7+s2], $0x80, v3, vm0, $0xb8;
	[tilespmem:$0x10400] =	vst v63  }
0x5a: {  	v3 =	vld [tilespmem:$0x10090];
	_ =	sdelay $0x4  }
0x5b: {  	v51 =	vshll.u32 v3, $0x3  }
0x5c: {  	v3 =	vand.u32 $0x7, v3;
	v4 =	vand.u32 $0xFFFFFFC0, v51  }
0x5d: {  	v3 =	vor.u32 v3, v4  }
0x5e: {  	v4 =	vperm.xlane v3, v0;
	_ =	sdelay $0x1  }
0x5f: {  	v4 =	vadd.s32 v1, v4;
	_ =	sdelay $0x3  }
0x60: {  	s1 =	simm.s32 $0xC000  }
0x61: {  	[tilespmem:s1], [sflag:$0x2] =	stream.indirect_vreg.gather [hbm4b:s4+s2], $0x80, v4, vm0, $0xb8;
	[tilespmem:$0x10400] =	vst v63  }
0x62: {  	s3 =	simm.s32 $0xC800;
	v3 =	vperm.xlane v3, v2  }
0x63: {  	[tilespmem:s3], [sflag:$0x2] =	stream.indirect_vreg.gather [hbm4b:s5+s2], $0x80, v4, vm0, $0xb8;
	[tilespmem:$0x10400] =	vst v63  }
0x64: {  	v3 =	vadd.s32 v1, v3;
	s1 =	simm.s32 $0xD000  }
0x65: {  	[tilespmem:s1], [sflag:$0x2] =	stream.indirect_vreg.gather [hbm4b:s6+s2], $0x80, v4, vm0, $0xb8;
	[tilespmem:$0x10400] =	vst v63  }
0x66: {  	s3 =	simm.s32 $0xD800  }
0x67: {  	[tilespmem:s3], [sflag:$0x2] =	stream.indirect_vreg.gather [hbm4b:s7+s2], $0x80, v4, vm0, $0xb8;
	[tilespmem:$0x10400] =	vst v63  }
0x68: {  	s1 =	simm.s32 $0xE000  }
0x69: {  	[tilespmem:s1], [sflag:$0x2] =	stream.indirect_vreg.gather [hbm4b:s4+s2], $0x80, v3, vm0, $0xb8;
	[tilespmem:$0x10400] =	vst v63  }
0x6a: {  	s3 =	simm.s32 $0xE800  }
0x6b: {  	[tilespmem:s3], [sflag:$0x2] =	stream.indirect_vreg.gather [hbm4b:s5+s2], $0x80, v3, vm0, $0xb8;
	[tilespmem:$0x10400] =	vst v63  }
0x6c: {  	s1 =	simm.s32 $0xF000  }
0x6d: {  	[tilespmem:s1], [sflag:$0x2] =	stream.indirect_vreg.gather [hbm4b:s6+s2], $0x80, v3, vm0, $0xb8;
	[tilespmem:$0x10400] =	vst v63  }
0x6e: {  	s3 =	simm.s32 $0xF800  }
0x6f: {  	[tilespmem:s3], [sflag:$0x2] =	stream.indirect_vreg.gather [hbm4b:s7+s2], $0x80, v3, vm0, $0xb8;
	[tilespmem:$0x10400] =	vst v63  }
0x70: {  	_ =	swait.ge [sflag:s17], $0x8000  }
0x71: {  	[sflag:s17] =	ssyncset.done $0x0  }
0x72: {  	s1 =	rddreg [dreg:$0xc];
	[sflag:s17] =	ssyncadd.s32 $0xFFFF8000  }
0x73: {  	[hbm4b:s1+s2] =	stream.linear.scatter [tilespmem:s2], [sflag:$0x3], $0x8000, $0x38;
	[tilespmem:$0x10400] =	vst v63  }
0x74: {  	_ =	swait.ge [sflag:s9], $0x8000  }
0x75: {  	[sflag:s9] =	ssyncset.done $0x0  }
0x76: {  	[sflag:s9] =	ssyncadd.s32 $0xFFFF8000  }
0x77: {  	v3 =	vld [tilespmem:$0x10100];
	_ =	sdelay $0x4  }
0x78: {  	v52 =	vshll.u32 v3, $0x3  }
0x79: {  	v3 =	vand.u32 $0x7, v3;
	v4 =	vand.u32 $0xFFFFFFC0, v52  }
0x7a: {  	v3 =	vor.u32 v3, v4  }
0x7b: {  	v4 =	vperm.xlane v3, v0;
	_ =	sdelay $0x1  }
0x7c: {  	v4 =	vadd.s32 v1, v4;
	_ =	sdelay $0x4  }
0x7d: {  	[tilespmem:s2], [sflag:$0x1] =	stream.indirect_vreg.gather [hbm4b:s4+s2], $0x80, v4, vm0, $0xb8;
	[tilespmem:$0x10400] =	vst v63  }
0x7e: {  	v3 =	vperm.xlane v3, v2  }
0x7f: {  	[tilespmem:s20], [sflag:$0x1] =	stream.indirect_vreg.gather [hbm4b:s5+s2], $0x80, v4, vm0, $0xb8;
	[tilespmem:$0x10400] =	vst v63  }
0x80: {  	v3 =	vadd.s32 v1, v3  }
0x81: {  	[tilespmem:s21], [sflag:$0x1] =	stream.indirect_vreg.gather [hbm4b:s6+s2], $0x80, v4, vm0, $0xb8;
	[tilespmem:$0x10400] =	vst v63  }
0x82: {  	_ = 	snop  }
0x83: {  	[tilespmem:s22], [sflag:$0x1] =	stream.indirect_vreg.gather [hbm4b:s7+s2], $0x80, v4, vm0, $0xb8;
	[tilespmem:$0x10400] =	vst v63  }
0x84: {  	_ = 	snop  }
0x85: {  	[tilespmem:s23], [sflag:$0x1] =	stream.indirect_vreg.gather [hbm4b:s4+s2], $0x80, v3, vm0, $0xb8;
	[tilespmem:$0x10400] =	vst v63  }
0x86: {  	_ = 	snop  }
0x87: {  	[tilespmem:s24], [sflag:$0x1] =	stream.indirect_vreg.gather [hbm4b:s5+s2], $0x80, v3, vm0, $0xb8;
	[tilespmem:$0x10400] =	vst v63  }
0x88: {  	_ = 	snop  }
0x89: {  	[tilespmem:s26], [sflag:$0x1] =	stream.indirect_vreg.gather [hbm4b:s6+s2], $0x80, v3, vm0, $0xb8;
	[tilespmem:$0x10400] =	vst v63  }
0x8a: {  	_ = 	snop  }
0x8b: {  	[tilespmem:s28], [sflag:$0x1] =	stream.indirect_vreg.gather [hbm4b:s7+s2], $0x80, v3, vm0, $0xb8;
	[tilespmem:$0x10400] =	vst v63  }
0x8c: {  	v3 =	vld [tilespmem:$0x10110];
	_ =	sdelay $0x4  }
0x8d: {  	v53 =	vshll.u32 v3, $0x3  }
0x8e: {  	v3 =	vand.u32 $0x7, v3;
	v4 =	vand.u32 $0xFFFFFFC0, v53  }
0x8f: {  	v3 =	vor.u32 v3, v4  }
0x90: {  	v4 =	vperm.xlane v3, v0;
	_ =	sdelay $0x1  }
0x91: {  	v4 =	vadd.s32 v1, v4;
	_ =	sdelay $0x4  }
0x92: {  	[tilespmem:s29], [sflag:$0x1] =	stream.indirect_vreg.gather [hbm4b:s4+s2], $0x80, v4, vm0, $0xb8;
	[tilespmem:$0x10400] =	vst v63  }
0x93: {  	v3 =	vperm.xlane v3, v2  }
0x94: {  	[tilespmem:s30], [sflag:$0x1] =	stream.indirect_vreg.gather [hbm4b:s5+s2], $0x80, v4, vm0, $0xb8;
	[tilespmem:$0x10400] =	vst v63  }
0x95: {  	v3 =	vadd.s32 v1, v3  }
0x96: {  	[tilespmem:s31], [sflag:$0x1] =	stream.indirect_vreg.gather [hbm4b:s6+s2], $0x80, v4, vm0, $0xb8;
	[tilespmem:$0x10400] =	vst v63  }
0x97: {  	_ = 	snop  }
0x98: {  	[tilespmem:s14], [sflag:$0x1] =	stream.indirect_vreg.gather [hbm4b:s7+s2], $0x80, v4, vm0, $0xb8;
	[tilespmem:$0x10400] =	vst v63  }
0x99: {  	_ = 	snop  }
0x9a: {  	[tilespmem:s13], [sflag:$0x1] =	stream.indirect_vreg.gather [hbm4b:s4+s2], $0x80, v3, vm0, $0xb8;
	[tilespmem:$0x10400] =	vst v63  }
0x9b: {  	_ = 	snop  }
0x9c: {  	[tilespmem:s15], [sflag:$0x1] =	stream.indirect_vreg.gather [hbm4b:s5+s2], $0x80, v3, vm0, $0xb8;
	[tilespmem:$0x10400] =	vst v63  }
0x9d: {  	_ = 	snop  }
0x9e: {  	[tilespmem:s10], [sflag:$0x1] =	stream.indirect_vreg.gather [hbm4b:s6+s2], $0x80, v3, vm0, $0xb8;
	[tilespmem:$0x10400] =	vst v63  }
0x9f: {  	_ = 	snop  }
0xa0: {  	[tilespmem:s11], [sflag:$0x1] =	stream.indirect_vreg.gather [hbm4b:s7+s2], $0x80, v3, vm0, $0xb8;
	[tilespmem:$0x10400] =	vst v63  }
0xa1: {  	_ =	swait.ge [sflag:s18], $0x8000  }
0xa2: {  	[sflag:s18] =	ssyncset.done $0x0  }
0xa3: {  	s3 =	rddreg [dreg:$0x4];
	[sflag:s18] =	ssyncadd.s32 $0xFFFF8000  }
0xa4: {  	[hbm4b:s3+s2] =	stream.linear.scatter [tilespmem:s25], [sflag:$0x3], $0x8000, $0x38;
	[tilespmem:$0x10400] =	vst v63  }
0xa5: {  	_ =	swait.ge [sflag:s9], $0x8000  }
0xa6: {  	[sflag:s9] =	ssyncset.done $0x0  }
0xa7: {  	[sflag:s9] =	ssyncadd.s32 $0xFFFF8000  }
0xa8: {  	v3 =	vld [tilespmem:$0x10180];
	_ =	sdelay $0x4  }
0xa9: {  	v54 =	vshll.u32 v3, $0x3  }
0xaa: {  	v3 =	vand.u32 $0x7, v3;
	v4 =	vand.u32 $0xFFFFFFC0, v54  }
0xab: {  	v3 =	vor.u32 v3, v4  }
0xac: {  	v4 =	vperm.xlane v3, v0;
	_ =	sdelay $0x1  }
0xad: {  	v4 =	vadd.s32 v1, v4;
	_ =	sdelay $0x4  }
0xae: {  	[tilespmem:s25], [sflag:$0x2] =	stream.indirect_vreg.gather [hbm4b:s4+s2], $0x80, v4, vm0, $0xb8;
	[tilespmem:$0x10400] =	vst v63  }
0xaf: {  	s0 =	simm.s32 $0x8800;
	v3 =	vperm.xlane v3, v2  }
0xb0: {  	[tilespmem:s0], [sflag:$0x2] =	stream.indirect_vreg.gather [hbm4b:s5+s2], $0x80, v4, vm0, $0xb8;
	[tilespmem:$0x10400] =	vst v63  }
0xb1: {  	v3 =	vadd.s32 v1, v3;
	s0 =	simm.s32 $0x9000  }
0xb2: {  	[tilespmem:s0], [sflag:$0x2] =	stream.indirect_vreg.gather [hbm4b:s6+s2], $0x80, v4, vm0, $0xb8;
	[tilespmem:$0x10400] =	vst v63  }
0xb3: {  	s1 =	simm.s32 $0x9800  }
0xb4: {  	[tilespmem:s1], [sflag:$0x2] =	stream.indirect_vreg.gather [hbm4b:s7+s2], $0x80, v4, vm0, $0xb8;
	[tilespmem:$0x10400] =	vst v63  }
0xb5: {  	s3 =	simm.s32 $0xA000  }
0xb6: {  	[tilespmem:s3], [sflag:$0x2] =	stream.indirect_vreg.gather [hbm4b:s4+s2], $0x80, v3, vm0, $0xb8;
	[tilespmem:$0x10400] =	vst v63  }
0xb7: {  	s19 =	simm.s32 $0xA800  }
0xb8: {  	[tilespmem:s19], [sflag:$0x2] =	stream.indirect_vreg.gather [hbm4b:s5+s2], $0x80, v3, vm0, $0xb8;
	[tilespmem:$0x10400] =	vst v63  }
0xb9: {  	s19 =	simm.s32 $0xB000  }
0xba: {  	[tilespmem:s19], [sflag:$0x2] =	stream.indirect_vreg.gather [hbm4b:s6+s2], $0x80, v3, vm0, $0xb8;
	[tilespmem:$0x10400] =	vst v63  }
0xbb: {  	s12 =	simm.s32 $0xB800  }
0xbc: {  	[tilespmem:s12], [sflag:$0x2] =	stream.indirect_vreg.gather [hbm4b:s7+s2], $0x80, v3, vm0, $0xb8;
	[tilespmem:$0x10400] =	vst v63  }
0xbd: {  	v3 =	vld [tilespmem:$0x10190];
	_ =	sdelay $0x4  }
0xbe: {  	v55 =	vshll.u32 v3, $0x3  }
0xbf: {  	v3 =	vand.u32 $0x7, v3;
	v4 =	vand.u32 $0xFFFFFFC0, v55  }
0xc0: {  	v3 =	vor.u32 v3, v4  }
0xc1: {  	v4 =	vperm.xlane v3, v0;
	_ =	sdelay $0x1  }
0xc2: {  	v4 =	vadd.s32 v1, v4;
	_ =	sdelay $0x3  }
0xc3: {  	s16 =	simm.s32 $0xC000  }
0xc4: {  	[tilespmem:s16], [sflag:$0x2] =	stream.indirect_vreg.gather [hbm4b:s4+s2], $0x80, v4, vm0, $0xb8;
	[tilespmem:$0x10400] =	vst v63  }
0xc5: {  	s19 =	simm.s32 $0xC800;
	v3 =	vperm.xlane v3, v2  }
0xc6: {  	[tilespmem:s19], [sflag:$0x2] =	stream.indirect_vreg.gather [hbm4b:s5+s2], $0x80, v4, vm0, $0xb8;
	[tilespmem:$0x10400] =	vst v63  }
0xc7: {  	v3 =	vadd.s32 v1, v3;
	s16 =	simm.s32 $0xD000  }
0xc8: {  	[tilespmem:s16], [sflag:$0x2] =	stream.indirect_vreg.gather [hbm4b:s6+s2], $0x80, v4, vm0, $0xb8;
	[tilespmem:$0x10400] =	vst v63  }
0xc9: {  	s19 =	simm.s32 $0xD800  }
0xca: {  	[tilespmem:s19], [sflag:$0x2] =	stream.indirect_vreg.gather [hbm4b:s7+s2], $0x80, v4, vm0, $0xb8;
	[tilespmem:$0x10400] =	vst v63  }
0xcb: {  	s19 =	simm.s32 $0xE000  }
0xcc: {  	[tilespmem:s19], [sflag:$0x2] =	stream.indirect_vreg.gather [hbm4b:s4+s2], $0x80, v3, vm0, $0xb8;
	[tilespmem:$0x10400] =	vst v63  }
0xcd: {  	s19 =	simm.s32 $0xE800  }
0xce: {  	[tilespmem:s19], [sflag:$0x2] =	stream.indirect_vreg.gather [hbm4b:s5+s2], $0x80, v3, vm0, $0xb8;
	[tilespmem:$0x10400] =	vst v63  }
0xcf: {  	s19 =	simm.s32 $0xF000  }
0xd0: {  	[tilespmem:s19], [sflag:$0x2] =	stream.indirect_vreg.gather [hbm4b:s6+s2], $0x80, v3, vm0, $0xb8;
	[tilespmem:$0x10400] =	vst v63  }
0xd1: {  	s19 =	simm.s32 $0xF800  }
0xd2: {  	[tilespmem:s19], [sflag:$0x2] =	stream.indirect_vreg.gather [hbm4b:s7+s2], $0x80, v3, vm0, $0xb8;
	[tilespmem:$0x10400] =	vst v63  }
0xd3: {  	_ =	swait.ge [sflag:s17], $0x8000  }
0xd4: {  	[sflag:s17] =	ssyncset.done $0x0  }
0xd5: {  	s12 =	rddreg [dreg:$0x5];
	[sflag:s17] =	ssyncadd.s32 $0xFFFF8000  }
0xd6: {  	[hbm4b:s12+s2] =	stream.linear.scatter [tilespmem:s2], [sflag:$0x3], $0x8000, $0x38;
	[tilespmem:$0x10400] =	vst v63  }
0xd7: {  	_ =	swait.ge [sflag:s9], $0x8000  }
0xd8: {  	[sflag:s9] =	ssyncset.done $0x0  }
0xd9: {  	[sflag:s9] =	ssyncadd.s32 $0xFFFF8000  }
0xda: {  	v3 =	vld [tilespmem:$0x10200];
	_ =	sdelay $0x4  }
0xdb: {  	v56 =	vshll.u32 v3, $0x3  }
0xdc: {  	v3 =	vand.u32 $0x7, v3;
	v4 =	vand.u32 $0xFFFFFFC0, v56  }
0xdd: {  	v3 =	vor.u32 v3, v4  }
0xde: {  	v4 =	vperm.xlane v3, v0;
	_ =	sdelay $0x1  }
0xdf: {  	v4 =	vadd.s32 v1, v4;
	_ =	sdelay $0x4  }
0xe0: {  	[tilespmem:s2], [sflag:$0x1] =	stream.indirect_vreg.gather [hbm4b:s4+s2], $0x80, v4, vm0, $0xb8;
	[tilespmem:$0x10400] =	vst v63  }
0xe1: {  	v3 =	vperm.xlane v3, v2  }
0xe2: {  	[tilespmem:s20], [sflag:$0x1] =	stream.indirect_vreg.gather [hbm4b:s5+s2], $0x80, v4, vm0, $0xb8;
	[tilespmem:$0x10400] =	vst v63  }
0xe3: {  	v3 =	vadd.s32 v1, v3  }
0xe4: {  	[tilespmem:s21], [sflag:$0x1] =	stream.indirect_vreg.gather [hbm4b:s6+s2], $0x80, v4, vm0, $0xb8;
	[tilespmem:$0x10400] =	vst v63  }
0xe5: {  	_ = 	snop  }
0xe6: {  	[tilespmem:s22], [sflag:$0x1] =	stream.indirect_vreg.gather [hbm4b:s7+s2], $0x80, v4, vm0, $0xb8;
	[tilespmem:$0x10400] =	vst v63  }
0xe7: {  	_ = 	snop  }
0xe8: {  	[tilespmem:s23], [sflag:$0x1] =	stream.indirect_vreg.gather [hbm4b:s4+s2], $0x80, v3, vm0, $0xb8;
	[tilespmem:$0x10400] =	vst v63  }
0xe9: {  	_ = 	snop  }
0xea: {  	[tilespmem:s24], [sflag:$0x1] =	stream.indirect_vreg.gather [hbm4b:s5+s2], $0x80, v3, vm0, $0xb8;
	[tilespmem:$0x10400] =	vst v63  }
0xeb: {  	_ = 	snop  }
0xec: {  	[tilespmem:s26], [sflag:$0x1] =	stream.indirect_vreg.gather [hbm4b:s6+s2], $0x80, v3, vm0, $0xb8;
	[tilespmem:$0x10400] =	vst v63  }
0xed: {  	_ = 	snop  }
0xee: {  	[tilespmem:s28], [sflag:$0x1] =	stream.indirect_vreg.gather [hbm4b:s7+s2], $0x80, v3, vm0, $0xb8;
	[tilespmem:$0x10400] =	vst v63  }
0xef: {  	v3 =	vld [tilespmem:$0x10210];
	_ =	sdelay $0x4  }
0xf0: {  	v57 =	vshll.u32 v3, $0x3  }
0xf1: {  	v3 =	vand.u32 $0x7, v3;
	v4 =	vand.u32 $0xFFFFFFC0, v57  }
0xf2: {  	v3 =	vor.u32 v3, v4  }
0xf3: {  	v4 =	vperm.xlane v3, v0;
	_ =	sdelay $0x1  }
0xf4: {  	v4 =	vadd.s32 v1, v4;
	_ =	sdelay $0x4  }
0xf5: {  	[tilespmem:s29], [sflag:$0x1] =	stream.indirect_vreg.gather [hbm4b:s4+s2], $0x80, v4, vm0, $0xb8;
	[tilespmem:$0x10400] =	vst v63  }
0xf6: {  	v3 =	vperm.xlane v3, v2  }
0xf7: {  	[tilespmem:s30], [sflag:$0x1] =	stream.indirect_vreg.gather [hbm4b:s5+s2], $0x80, v4, vm0, $0xb8;
	[tilespmem:$0x10400] =	vst v63  }
0xf8: {  	v3 =	vadd.s32 v1, v3  }
0xf9: {  	[tilespmem:s31], [sflag:$0x1] =	stream.indirect_vreg.gather [hbm4b:s6+s2], $0x80, v4, vm0, $0xb8;
	[tilespmem:$0x10400] =	vst v63  }
0xfa: {  	_ = 	snop  }
0xfb: {  	[tilespmem:s14], [sflag:$0x1] =	stream.indirect_vreg.gather [hbm4b:s7+s2], $0x80, v4, vm0, $0xb8;
	[tilespmem:$0x10400] =	vst v63  }
0xfc: {  	_ = 	snop  }
0xfd: {  	[tilespmem:s13], [sflag:$0x1] =	stream.indirect_vreg.gather [hbm4b:s4+s2], $0x80, v3, vm0, $0xb8;
	[tilespmem:$0x10400] =	vst v63  }
0xfe: {  	_ = 	snop  }
0xff: {  	[tilespmem:s15], [sflag:$0x1] =	stream.indirect_vreg.gather [hbm4b:s5+s2], $0x80, v3, vm0, $0xb8;
	[tilespmem:$0x10400] =	vst v63  }
0x100: {  	_ = 	snop  }
0x101: {  	[tilespmem:s10], [sflag:$0x1] =	stream.indirect_vreg.gather [hbm4b:s6+s2], $0x80, v3, vm0, $0xb8;
	[tilespmem:$0x10400] =	vst v63  }
0x102: {  	_ = 	snop  }
0x103: {  	[tilespmem:s11], [sflag:$0x1] =	stream.indirect_vreg.gather [hbm4b:s7+s2], $0x80, v3, vm0, $0xb8;
	[tilespmem:$0x10400] =	vst v63  }
0x104: {  	_ =	swait.ge [sflag:s18], $0x8000  }
0x105: {  	[sflag:s18] =	ssyncset.done $0x0  }
0x106: {  	s12 =	rddreg [dreg:$0x6];
	[sflag:s18] =	ssyncadd.s32 $0xFFFF8000  }
0x107: {  	[hbm4b:s12+s2] =	stream.linear.scatter [tilespmem:s25], [sflag:$0x3], $0x8000, $0x38;
	[tilespmem:$0x10400] =	vst v63  }
0x108: {  	_ =	swait.ge [sflag:s9], $0x8000  }
0x109: {  	[sflag:s9] =	ssyncset.done $0x0  }
0x10a: {  	[sflag:s9] =	ssyncadd.s32 $0xFFFF8000  }
0x10b: {  	v3 =	vld [tilespmem:$0x10280];
	_ =	sdelay $0x4  }
0x10c: {  	v58 =	vshll.u32 v3, $0x3  }
0x10d: {  	v3 =	vand.u32 $0x7, v3;
	v4 =	vand.u32 $0xFFFFFFC0, v58  }
0x10e: {  	v3 =	vor.u32 v3, v4  }
0x10f: {  	v4 =	vperm.xlane v3, v0;
	_ =	sdelay $0x1  }
0x110: {  	v4 =	vadd.s32 v1, v4;
	_ =	sdelay $0x4  }
0x111: {  	[tilespmem:s25], [sflag:$0x2] =	stream.indirect_vreg.gather [hbm4b:s4+s2], $0x80, v4, vm0, $0xb8;
	[tilespmem:$0x10400] =	vst v63  }
0x112: {  	s19 =	simm.s32 $0x8800;
	v3 =	vperm.xlane v3, v2  }
0x113: {  	[tilespmem:s19], [sflag:$0x2] =	stream.indirect_vreg.gather [hbm4b:s5+s2], $0x80, v4, vm0, $0xb8;
	[tilespmem:$0x10400] =	vst v63  }
0x114: {  	v3 =	vadd.s32 v1, v3  }
0x115: {  	[tilespmem:s0], [sflag:$0x2] =	stream.indirect_vreg.gather [hbm4b:s6+s2], $0x80, v4, vm0, $0xb8;
	[tilespmem:$0x10400] =	vst v63  }
0x116: {  	_ = 	snop  }
0x117: {  	[tilespmem:s1], [sflag:$0x2] =	stream.indirect_vreg.gather [hbm4b:s7+s2], $0x80, v4, vm0, $0xb8;
	[tilespmem:$0x10400] =	vst v63  }
0x118: {  	_ = 	snop  }
0x119: {  	[tilespmem:s3], [sflag:$0x2] =	stream.indirect_vreg.gather [hbm4b:s4+s2], $0x80, v3, vm0, $0xb8;
	[tilespmem:$0x10400] =	vst v63  }
0x11a: {  	s19 =	simm.s32 $0xA800  }
0x11b: {  	[tilespmem:s19], [sflag:$0x2] =	stream.indirect_vreg.gather [hbm4b:s5+s2], $0x80, v3, vm0, $0xb8;
	[tilespmem:$0x10400] =	vst v63  }
0x11c: {  	s19 =	simm.s32 $0xB000  }
0x11d: {  	[tilespmem:s19], [sflag:$0x2] =	stream.indirect_vreg.gather [hbm4b:s6+s2], $0x80, v3, vm0, $0xb8;
	[tilespmem:$0x10400] =	vst v63  }
0x11e: {  	s19 =	simm.s32 $0xB800  }
0x11f: {  	[tilespmem:s19], [sflag:$0x2] =	stream.indirect_vreg.gather [hbm4b:s7+s2], $0x80, v3, vm0, $0xb8;
	[tilespmem:$0x10400] =	vst v63  }
0x120: {  	v3 =	vld [tilespmem:$0x10290];
	_ =	sdelay $0x4  }
0x121: {  	v59 =	vshll.u32 v3, $0x3  }
0x122: {  	v3 =	vand.u32 $0x7, v3;
	v4 =	vand.u32 $0xFFFFFFC0, v59  }
0x123: {  	v3 =	vor.u32 v3, v4  }
0x124: {  	v4 =	vperm.xlane v3, v0;
	_ =	sdelay $0x1  }
0x125: {  	v4 =	vadd.s32 v1, v4;
	_ =	sdelay $0x3  }
0x126: {  	s19 =	simm.s32 $0xC000  }
0x127: {  	[tilespmem:s19], [sflag:$0x2] =	stream.indirect_vreg.gather [hbm4b:s4+s2], $0x80, v4, vm0, $0xb8;
	[tilespmem:$0x10400] =	vst v63  }
0x128: {  	v3 =	vperm.xlane v3, v2;
	s19 =	simm.s32 $0xC800  }
0x129: {  	[tilespmem:s19], [sflag:$0x2] =	stream.indirect_vreg.gather [hbm4b:s5+s2], $0x80, v4, vm0, $0xb8;
	[tilespmem:$0x10400] =	vst v63  }
0x12a: {  	s16 =	simm.s32 $0xD000;
	v3 =	vadd.s32 v1, v3  }
0x12b: {  	[tilespmem:s16], [sflag:$0x2] =	stream.indirect_vreg.gather [hbm4b:s6+s2], $0x80, v4, vm0, $0xb8;
	[tilespmem:$0x10400] =	vst v63  }
0x12c: {  	s19 =	simm.s32 $0xD800  }
0x12d: {  	[tilespmem:s19], [sflag:$0x2] =	stream.indirect_vreg.gather [hbm4b:s7+s2], $0x80, v4, vm0, $0xb8;
	[tilespmem:$0x10400] =	vst v63  }
0x12e: {  	s19 =	simm.s32 $0xE000  }
0x12f: {  	[tilespmem:s19], [sflag:$0x2] =	stream.indirect_vreg.gather [hbm4b:s4+s2], $0x80, v3, vm0, $0xb8;
	[tilespmem:$0x10400] =	vst v63  }
0x130: {  	s19 =	simm.s32 $0xE800  }
0x131: {  	[tilespmem:s19], [sflag:$0x2] =	stream.indirect_vreg.gather [hbm4b:s5+s2], $0x80, v3, vm0, $0xb8;
	[tilespmem:$0x10400] =	vst v63  }
0x132: {  	s19 =	simm.s32 $0xF000  }
0x133: {  	[tilespmem:s19], [sflag:$0x2] =	stream.indirect_vreg.gather [hbm4b:s6+s2], $0x80, v3, vm0, $0xb8;
	[tilespmem:$0x10400] =	vst v63  }
0x134: {  	s19 =	simm.s32 $0xF800  }
0x135: {  	[tilespmem:s19], [sflag:$0x2] =	stream.indirect_vreg.gather [hbm4b:s7+s2], $0x80, v3, vm0, $0xb8;
	[tilespmem:$0x10400] =	vst v63  }
0x136: {  	_ =	swait.ge [sflag:s17], $0x8000  }
0x137: {  	[sflag:s17] =	ssyncset.done $0x0  }
0x138: {  	s19 =	rddreg [dreg:$0x7];
	[sflag:s17] =	ssyncadd.s32 $0xFFFF8000  }
0x139: {  	[hbm4b:s19+s2] =	stream.linear.scatter [tilespmem:s2], [sflag:$0x3], $0x8000, $0x38;
	[tilespmem:$0x10400] =	vst v63  }
0x13a: {  	_ =	swait.ge [sflag:s9], $0x8000  }
0x13b: {  	[sflag:s9] =	ssyncset.done $0x0  }
0x13c: {  	[sflag:s9] =	ssyncadd.s32 $0xFFFF8000  }
0x13d: {  	v3 =	vld [tilespmem:$0x10300];
	_ =	sdelay $0x4  }
0x13e: {  	v60 =	vshll.u32 v3, $0x3  }
0x13f: {  	v3 =	vand.u32 $0x7, v3;
	v4 =	vand.u32 $0xFFFFFFC0, v60  }
0x140: {  	v3 =	vor.u32 v3, v4  }
0x141: {  	v4 =	vperm.xlane v3, v0;
	_ =	sdelay $0x1  }
0x142: {  	v4 =	vadd.s32 v1, v4;
	_ =	sdelay $0x4  }
0x143: {  	[tilespmem:s2], [sflag:$0x1] =	stream.indirect_vreg.gather [hbm4b:s4+s2], $0x80, v4, vm0, $0xb8;
	[tilespmem:$0x10400] =	vst v63  }
0x144: {  	v3 =	vperm.xlane v3, v2  }
0x145: {  	[tilespmem:s20], [sflag:$0x1] =	stream.indirect_vreg.gather [hbm4b:s5+s2], $0x80, v4, vm0, $0xb8;
	[tilespmem:$0x10400] =	vst v63  }
0x146: {  	v3 =	vadd.s32 v1, v3  }
0x147: {  	[tilespmem:s21], [sflag:$0x1] =	stream.indirect_vreg.gather [hbm4b:s6+s2], $0x80, v4, vm0, $0xb8;
	[tilespmem:$0x10400] =	vst v63  }
0x148: {  	_ = 	snop  }
0x149: {  	[tilespmem:s22], [sflag:$0x1] =	stream.indirect_vreg.gather [hbm4b:s7+s2], $0x80, v4, vm0, $0xb8;
	[tilespmem:$0x10400] =	vst v63  }
0x14a: {  	_ = 	snop  }
0x14b: {  	[tilespmem:s23], [sflag:$0x1] =	stream.indirect_vreg.gather [hbm4b:s4+s2], $0x80, v3, vm0, $0xb8;
	[tilespmem:$0x10400] =	vst v63  }
0x14c: {  	_ = 	snop  }
0x14d: {  	[tilespmem:s24], [sflag:$0x1] =	stream.indirect_vreg.gather [hbm4b:s5+s2], $0x80, v3, vm0, $0xb8;
	[tilespmem:$0x10400] =	vst v63  }
0x14e: {  	_ = 	snop  }
0x14f: {  	[tilespmem:s26], [sflag:$0x1] =	stream.indirect_vreg.gather [hbm4b:s6+s2], $0x80, v3, vm0, $0xb8;
	[tilespmem:$0x10400] =	vst v63  }
0x150: {  	_ = 	snop  }
0x151: {  	[tilespmem:s28], [sflag:$0x1] =	stream.indirect_vreg.gather [hbm4b:s7+s2], $0x80, v3, vm0, $0xb8;
	[tilespmem:$0x10400] =	vst v63  }
0x152: {  	v3 =	vld [tilespmem:$0x10310];
	_ =	sdelay $0x4  }
0x153: {  	v61 =	vshll.u32 v3, $0x3  }
0x154: {  	v3 =	vand.u32 $0x7, v3;
	v4 =	vand.u32 $0xFFFFFFC0, v61  }
0x155: {  	v3 =	vor.u32 v3, v4  }
0x156: {  	v4 =	vperm.xlane v3, v0;
	_ =	sdelay $0x1  }
0x157: {  	v4 =	vadd.s32 v1, v4;
	_ =	sdelay $0x4  }
0x158: {  	[tilespmem:s29], [sflag:$0x1] =	stream.indirect_vreg.gather [hbm4b:s4+s2], $0x80, v4, vm0, $0xb8;
	[tilespmem:$0x10400] =	vst v63  }
0x159: {  	v3 =	vperm.xlane v3, v2  }
0x15a: {  	[tilespmem:s30], [sflag:$0x1] =	stream.indirect_vreg.gather [hbm4b:s5+s2], $0x80, v4, vm0, $0xb8;
	[tilespmem:$0x10400] =	vst v63  }
0x15b: {  	v3 =	vadd.s32 v1, v3  }
0x15c: {  	[tilespmem:s31], [sflag:$0x1] =	stream.indirect_vreg.gather [hbm4b:s6+s2], $0x80, v4, vm0, $0xb8;
	[tilespmem:$0x10400] =	vst v63  }
0x15d: {  	_ = 	snop  }
0x15e: {  	[tilespmem:s14], [sflag:$0x1] =	stream.indirect_vreg.gather [hbm4b:s7+s2], $0x80, v4, vm0, $0xb8;
	[tilespmem:$0x10400] =	vst v63  }
0x15f: {  	_ = 	snop  }
0x160: {  	[tilespmem:s13], [sflag:$0x1] =	stream.indirect_vreg.gather [hbm4b:s4+s2], $0x80, v3, vm0, $0xb8;
	[tilespmem:$0x10400] =	vst v63  }
0x161: {  	_ = 	snop  }
0x162: {  	[tilespmem:s15], [sflag:$0x1] =	stream.indirect_vreg.gather [hbm4b:s5+s2], $0x80, v3, vm0, $0xb8;
	[tilespmem:$0x10400] =	vst v63  }
0x163: {  	_ = 	snop  }
0x164: {  	[tilespmem:s10], [sflag:$0x1] =	stream.indirect_vreg.gather [hbm4b:s6+s2], $0x80, v3, vm0, $0xb8;
	[tilespmem:$0x10400] =	vst v63  }
0x165: {  	_ = 	snop  }
0x166: {  	[tilespmem:s11], [sflag:$0x1] =	stream.indirect_vreg.gather [hbm4b:s7+s2], $0x80, v3, vm0, $0xb8;
	[tilespmem:$0x10400] =	vst v63  }
0x167: {  	_ =	swait.ge [sflag:s18], $0x8000  }
0x168: {  	[sflag:s18] =	ssyncset.done $0x0  }
0x169: {  	s10 =	rddreg [dreg:$0x8];
	[sflag:s18] =	ssyncadd.s32 $0xFFFF8000  }
0x16a: {  	[hbm4b:s10+s2] =	stream.linear.scatter [tilespmem:s25], [sflag:$0x3], $0x8000, $0x38;
	[tilespmem:$0x10400] =	vst v63  }
0x16b: {  	_ =	swait.ge [sflag:s9], $0x8000  }
0x16c: {  	[sflag:s9] =	ssyncset.done $0x0  }
0x16d: {  	[sflag:s9] =	ssyncadd.s32 $0xFFFF8000  }
0x16e: {  	v3 =	vld [tilespmem:$0x10380];
	_ =	sdelay $0x4  }
0x16f: {  	v62 =	vshll.u32 v3, $0x3  }
0x170: {  	v3 =	vand.u32 $0x7, v3;
	v4 =	vand.u32 $0xFFFFFFC0, v62  }
0x171: {  	v3 =	vor.u32 v3, v4  }
0x172: {  	v4 =	vperm.xlane v3, v0;
	_ =	sdelay $0x1  }
0x173: {  	v4 =	vadd.s32 v1, v4;
	_ =	sdelay $0x4  }
0x174: {  	[tilespmem:s25], [sflag:$0x2] =	stream.indirect_vreg.gather [hbm4b:s4+s2], $0x80, v4, vm0, $0xb8;
	[tilespmem:$0x10400] =	vst v63  }
0x175: {  	s20 =	simm.s32 $0x8800;
	v3 =	vperm.xlane v3, v2  }
0x176: {  	[tilespmem:s20], [sflag:$0x2] =	stream.indirect_vreg.gather [hbm4b:s5+s2], $0x80, v4, vm0, $0xb8;
	[tilespmem:$0x10400] =	vst v63  }
0x177: {  	s0 =	simm.s32 $0x9000;
	v3 =	vadd.s32 v1, v3  }
0x178: {  	[tilespmem:s0], [sflag:$0x2] =	stream.indirect_vreg.gather [hbm4b:s6+s2], $0x80, v4, vm0, $0xb8;
	[tilespmem:$0x10400] =	vst v63  }
0x179: {  	s1 =	simm.s32 $0x9800  }
0x17a: {  	[tilespmem:s1], [sflag:$0x2] =	stream.indirect_vreg.gather [hbm4b:s7+s2], $0x80, v4, vm0, $0xb8;
	[tilespmem:$0x10400] =	vst v63  }
0x17b: {  	s3 =	simm.s32 $0xA000  }
0x17c: {  	[tilespmem:s3], [sflag:$0x2] =	stream.indirect_vreg.gather [hbm4b:s4+s2], $0x80, v3, vm0, $0xb8;
	[tilespmem:$0x10400] =	vst v63  }
0x17d: {  	s3 =	simm.s32 $0xA800  }
0x17e: {  	[tilespmem:s3], [sflag:$0x2] =	stream.indirect_vreg.gather [hbm4b:s5+s2], $0x80, v3, vm0, $0xb8;
	[tilespmem:$0x10400] =	vst v63  }
0x17f: {  	s12 =	simm.s32 $0xB000  }
0x180: {  	[tilespmem:s12], [sflag:$0x2] =	stream.indirect_vreg.gather [hbm4b:s6+s2], $0x80, v3, vm0, $0xb8;
	[tilespmem:$0x10400] =	vst v63  }
0x181: {  	s10 =	simm.s32 $0xB800  }
0x182: {  	[tilespmem:s10], [sflag:$0x2] =	stream.indirect_vreg.gather [hbm4b:s7+s2], $0x80, v3, vm0, $0xb8;
	[tilespmem:$0x10400] =	vst v63  }
0x183: {  	v3 =	vld [tilespmem:$0x10390];
	_ =	sdelay $0x4  }
0x184: {  	v63 =	vshll.u32 v3, $0x3  }
0x185: {  	v3 =	vand.u32 $0x7, v3;
	v4 =	vand.u32 $0xFFFFFFC0, v63  }
0x186: {  	v3 =	vor.u32 v3, v4  }
0x187: {  	v4 =	vperm.xlane v3, v0;
	_ =	sdelay $0x1  }
0x188: {  	v4 =	vadd.s32 v1, v4;
	_ =	sdelay $0x3  }
0x189: {  	s12 =	simm.s32 $0xC000  }
0x18a: {  	[tilespmem:s12], [sflag:$0x2] =	stream.indirect_vreg.gather [hbm4b:s4+s2], $0x80, v4, vm0, $0xb8;
	[tilespmem:$0x10400] =	vst v63  }
0x18b: {  	s19 =	simm.s32 $0xC800;
	v3 =	vperm.xlane v3, v2  }
0x18c: {  	[tilespmem:s19], [sflag:$0x2] =	stream.indirect_vreg.gather [hbm4b:s5+s2], $0x80, v4, vm0, $0xb8;
	[tilespmem:$0x10400] =	vst v63  }
0x18d: {  	s16 =	simm.s32 $0xD000;
	v3 =	vadd.s32 v1, v3  }
0x18e: {  	[tilespmem:s16], [sflag:$0x2] =	stream.indirect_vreg.gather [hbm4b:s6+s2], $0x80, v4, vm0, $0xb8;
	[tilespmem:$0x10400] =	vst v63  }
0x18f: {  	s20 =	simm.s32 $0xD800  }
0x190: {  	[tilespmem:s20], [sflag:$0x2] =	stream.indirect_vreg.gather [hbm4b:s7+s2], $0x80, v4, vm0, $0xb8;
	[tilespmem:$0x10400] =	vst v63  }
0x191: {  	s1 =	simm.s32 $0xE000  }
0x192: {  	[tilespmem:s1], [sflag:$0x2] =	stream.indirect_vreg.gather [hbm4b:s4+s2], $0x80, v3, vm0, $0xb8;
	[tilespmem:$0x10400] =	vst v63  }
0x193: {  	s3 =	simm.s32 $0xE800  }
0x194: {  	[tilespmem:s3], [sflag:$0x2] =	stream.indirect_vreg.gather [hbm4b:s5+s2], $0x80, v3, vm0, $0xb8;
	[tilespmem:$0x10400] =	vst v63  }
0x195: {  	s10 =	simm.s32 $0xF000  }
0x196: {  	[tilespmem:s10], [sflag:$0x2] =	stream.indirect_vreg.gather [hbm4b:s6+s2], $0x80, v3, vm0, $0xb8;
	[tilespmem:$0x10400] =	vst v63  }
0x197: {  	s12 =	simm.s32 $0xF800  }
0x198: {  	[tilespmem:s12], [sflag:$0x2] =	stream.indirect_vreg.gather [hbm4b:s7+s2], $0x80, v3, vm0, $0xb8;
	[tilespmem:$0x10400] =	vst v63  }
0x199: {  	_ =	swait.ge [sflag:s17], $0x8000  }
0x19a: {  	[sflag:s17] =	ssyncset.done $0x0  }
0x19b: {  	s16 =	rddreg [dreg:$0x9];
	[sflag:s17] =	ssyncadd.s32 $0xFFFF8000  }
0x19c: {  	[hbm4b:s16+s2] =	stream.linear.scatter [tilespmem:s2], [sflag:$0x3], $0x8000, $0x38;
	[tilespmem:$0x10400] =	vst v63  }
0x19d: {  	_ =	swait.ge [sflag:s9], $0x8000  }
0x19e: {  	[sflag:s9] =	ssyncset.done $0x0  }
0x19f: {  	[sflag:s9] =	ssyncadd.s32 $0xFFFF8000  }
0x1a0: {  	_ =	swait.ge [sflag:s18], $0x8000  }
0x1a1: {  	p0 =	sne.s32 s8, $0x1;
	[sflag:s18] =	ssyncset.done $0x0  }
.Ltmp0:
0x1a2: {  	s20 =	rddreg [dreg:$0xa];
	[sflag:s18] =	ssyncadd.s32 $0xFFFF8000;
	(pc) =	sbr.rel @p0 .LBB2_1-.Ltmp0, $4  }
0x1a3: {  	[hbm4b:s20+s2] =	stream.linear.scatter [tilespmem:s25], [sflag:$0x3], $0x8000, $0x38;
	[tilespmem:$0x10400] =	vst v63  }
0x1a4: {  	_ =	swait.ge [sflag:s9], $0x8000  }
0x1a5: {  	[sflag:s9] =	ssyncset.done $0x0  }
0x1a6: {  	s8 =	sadd.s32 $0xFFFFFFFF, s8;
	[sflag:s9] =	ssyncadd.s32 $0xFFFF8000  }
0x1a7: {  	_ =	sfence.sel $0x180000  }
0x1a8: {  	[bflag:$0x0] =	sbarrier.arrive $0xFFFF  }
0x1a9: {  	_ =	strace $0x9000004A  }
0x1aa: {  	s0 =	stileid.u32;
	[bflag:$0x2] =	sbarrier.arrive $0xFFFF  }
0x1ab: {  	p0 =	sne.s32 s0, $0x0;
	s0 =	rddreg [dreg:$0x2]  }
0x1ac: {  	s0 =	sadd.s32 @!p0 $0x100000, s0  }
0x1ad: {  	[sflag:s0] =	ssyncadd.tile.s32 @!p0 $0x1;
	_ =	shalt  }
.Lfunc_end2:
_tile_overlayer_lowered:
.L_overlay_start_2:
0x1ae: {  	(tag) =	ssettag $0x2  }
0x1af: {  	s0 =	rddreg [dreg:$0x0];
	s2 =	stileid.u32  }
0x1b0: {  	s1 =	rddreg [dreg:$0x1];
	p0 =	sne.s32 s2, $0x0  }
0x1b1: {  	s3 =	rddreg [dreg:$0x2];
	[bflag:$0x3] =	sbarrier.arrive $0xFFFF;
	s2 =	simm.s32 @!p0 $0x1C03  }
0x1b2: {  	[timem:s3], [sflag:s2] =	dma.local @!p0 [hbm:s0], s1  }
0x1b3: {  	s0 =	simm.s32 @!p0 $0x3  }
0x1b4: {  	_ =	swait.ge @!p0 [sflag:s0], s1  }
0x1b5: {  	s1 =	ssub.s32 @!p0 $0x0, s1;
	[sflag:s0] =	ssyncset.done @!p0 $0x0  }
0x1b6: {  	[sflag:s0] =	ssyncadd.s32 @!p0 s1  }
0x1b7: {  	[bflag:$0x3] =	sbarrier.arrive $0xFFFF  }
0x1b8: {  	_ =	shalt  }

</sc_bundles>
